<compile_context>
chip_gen: v7x
topology: tpu7x:2x2x1
jax: 0.10.2.dev20260603
libtpu: 0.0.44.dev20260713+nightly
codegen_flags: <defaults>
</compile_context>

<pallas_src>
import functools

import jax
import jax.numpy as jnp
from jax import lax
from jax.experimental import pallas as pl
from jax.experimental.pallas import tpu as pltpu
from jax.experimental.pallas import tpu_sc as plsc

N = 10000
E = 320000
F_IN = 128
D = 64
L = 4

NC = 2
NS = 16
NW = NC * NS
EPW = E // NW
CH = 125
NCH = EPW // CH
NPAD = 10240
NB = 3
RPT = NPAD // NS

_MESH = plsc.VectorSubcoreMesh(core_axis_name="c", subcore_axis_name="s")


@functools.partial(
    pl.kernel,
    mesh=_MESH,
    out_type=jax.ShapeDtypeStruct((NC, NPAD, 16), jnp.float32),
    scratch_types=[
        pltpu.VMEM((NCH, CH), jnp.int32),
        pltpu.VMEM((CH, 16), jnp.float32),
        pltpu.VMEM((RPT, 16), jnp.float32),
        pltpu.VMEM_SHARED((NPAD, 16), jnp.float32),
        pltpu.SemaphoreType.DMA,
    ],
    compiler_params=pltpu.CompilerParams(use_tc_tiling_on_sc=False),
)
def _deg_call(dst_hbm, zeros_hbm, ones_hbm, out_hbm,
              idx_v, ones_v, buf_v, acc_sh, sem):
    c = lax.axis_index("c")
    s = lax.axis_index("s")
    wid = s * NC + c
    rows = pl.ds(s * RPT, RPT)

    pltpu.sync_copy(dst_hbm.at[wid], idx_v)
    pltpu.sync_copy(ones_hbm, ones_v)
    pltpu.sync_copy(zeros_hbm.at[rows], buf_v)
    pltpu.sync_copy(buf_v, acc_sh.at[rows])
    plsc.subcore_barrier()

    def body(j, carry):
        pltpu.sync_copy(ones_v, acc_sh.at[idx_v.at[j]], add=True)
        return carry

    lax.fori_loop(0, NCH, body, 0)
    plsc.subcore_barrier()
    pltpu.sync_copy(acc_sh.at[rows], buf_v)
    pltpu.sync_copy(buf_v, out_hbm.at[c].at[rows])


@functools.partial(
    pl.kernel,
    mesh=_MESH,
    out_type=jax.ShapeDtypeStruct((NC, NPAD, D), jnp.float32),
    scratch_types=[
        pltpu.VMEM((NCH, CH), jnp.int32),
        pltpu.VMEM((NCH, CH), jnp.int32),
        [pltpu.VMEM((CH, D), jnp.float32)] * NB,
        pltpu.VMEM((RPT, D), jnp.float32),
        pltpu.VMEM_SHARED((NPAD, D), jnp.float32),
        [pltpu.SemaphoreType.DMA] * NB,
        [pltpu.SemaphoreType.DMA] * NB,
    ],
    compiler_params=pltpu.CompilerParams(use_tc_tiling_on_sc=False),
)
def _edge_call(src_hbm, dst_hbm, mh_hbm, zeros_hbm, out_hbm,
               si_v, di_v, rb, buf_v, acc_sh, gsem, ssem):
    c = lax.axis_index("c")
    s = lax.axis_index("s")
    wid = s * NC + c
    rows = pl.ds(s * RPT, RPT)

    pltpu.sync_copy(src_hbm.at[wid], si_v)
    pltpu.sync_copy(dst_hbm.at[wid], di_v)
    pltpu.sync_copy(zeros_hbm.at[rows], buf_v)
    pltpu.sync_copy(buf_v, acc_sh.at[rows])
    plsc.subcore_barrier()

    for b in range(NB):
        pltpu.async_copy(mh_hbm.at[si_v.at[b]], rb[b], gsem[b])

    def body(i, carry):
        base = i * NB
        for b in range(NB):
            j = base + b
            pltpu.make_async_copy(mh_hbm.at[si_v.at[j]], rb[b],
                                  gsem[b]).wait()
            pltpu.async_copy(rb[b], acc_sh.at[di_v.at[j]], ssem[b],
                             add=True)
        for b in range(NB):
            nxt = base + NB + b
            pltpu.make_async_copy(rb[b], acc_sh.at[di_v.at[base + b]],
                                  ssem[b]).wait()

            @pl.when(nxt < NCH)
            def _():
                pltpu.async_copy(mh_hbm.at[si_v.at[nxt]], rb[b], gsem[b])

        return carry

    lax.fori_loop(0, NCH // NB, body, 0)
    for j in range(NCH - NCH % NB, NCH):
        b = j % NB
        pltpu.make_async_copy(mh_hbm.at[si_v.at[j]], rb[b], gsem[b]).wait()
        pltpu.sync_copy(rb[b], acc_sh.at[di_v.at[j]], add=True)
    plsc.subcore_barrier()
    pltpu.sync_copy(acc_sh.at[rows], buf_v)
    pltpu.sync_copy(buf_v, out_hbm.at[c].at[rows])


_BR = 1000
_GRID = N // _BR


def _tc_front_body(x_ref, wi_ref, bi_ref, w0_ref, d0_ref, d1_ref,
                   mh_ref, dis_ref):
    pre = jnp.dot(x_ref[...], wi_ref[...],
                  preferred_element_type=jnp.float32) + bi_ref[...]
    h = jnp.where(pre >= 0, pre, 0.01 * pre)
    deg = 1.0 + d0_ref[...] + d1_ref[...]
    dis = lax.rsqrt(deg)
    m = jnp.dot(h, w0_ref[...], preferred_element_type=jnp.float32)
    mh_ref[...] = dis * m
    dis_ref[...] = dis


def _tc_front(x, w_in, b_in, w0, d0, d1):
    return pl.pallas_call(
        _tc_front_body,
        grid=(_GRID,),
        in_specs=[
            pl.BlockSpec((_BR, F_IN), lambda i: (i, 0)),
            pl.BlockSpec((F_IN, D), lambda i: (0, 0)),
            pl.BlockSpec((1, D), lambda i: (0, 0)),
            pl.BlockSpec((D, D), lambda i: (0, 0)),
            pl.BlockSpec((_BR, 1), lambda i: (i, 0)),
            pl.BlockSpec((_BR, 1), lambda i: (i, 0)),
        ],
        out_specs=[
            pl.BlockSpec((_BR, D), lambda i: (i, 0)),
            pl.BlockSpec((_BR, 1), lambda i: (i, 0)),
        ],
        out_shape=[
            jax.ShapeDtypeStruct((N, D), jnp.float32),
            jax.ShapeDtypeStruct((N, 1), jnp.float32),
        ],
    )(x, w_in, b_in, w0, d0, d1)


def _tc_layer_body(a_ref, mh_ref, dis_ref, b_ref, w_ref, h_ref, mhn_ref):
    dis = dis_ref[...]
    pre = (a_ref[0] + a_ref[1] + mh_ref[...]) * dis + b_ref[...]
    h = jnp.where(pre >= 0, pre, 0.01 * pre)
    h_ref[...] = h
    m = jnp.dot(h, w_ref[...], preferred_element_type=jnp.float32)
    mhn_ref[...] = dis * m


def _tc_layer(accp, mh, dis, b, w):
    return pl.pallas_call(
        _tc_layer_body,
        grid=(_GRID,),
        in_specs=[
            pl.BlockSpec((NC, _BR, D), lambda i: (0, i, 0)),
            pl.BlockSpec((_BR, D), lambda i: (i, 0)),
            pl.BlockSpec((_BR, 1), lambda i: (i, 0)),
            pl.BlockSpec((1, D), lambda i: (0, 0)),
            pl.BlockSpec((D, D), lambda i: (0, 0)),
        ],
        out_specs=[
            pl.BlockSpec((_BR, D), lambda i: (i, 0)),
            pl.BlockSpec((_BR, D), lambda i: (i, 0)),
        ],
        out_shape=[
            jax.ShapeDtypeStruct((N, D), jnp.float32),
            jax.ShapeDtypeStruct((N, D), jnp.float32),
        ],
    )(accp, mh, dis, b, w)


def kernel(x, edge_index, W_in, b_in, Wc, bc):
    src = edge_index[0].reshape(NW, NCH, CH)
    dst = edge_index[1].reshape(NW, NCH, CH)
    zeros_d = jnp.zeros((NPAD, D), jnp.float32)
    zeros_16 = jnp.zeros((NPAD, 16), jnp.float32)
    ones_16 = jnp.ones((CH, 16), jnp.float32)

    degp = _deg_call(dst, zeros_16, ones_16)
    d0 = degp[0, :N, 0:1]
    d1 = degp[1, :N, 0:1]
    mh, dis = _tc_front(x, W_in, b_in.reshape(1, D), Wc[0], d0, d1)

    hs = []
    for k in range(L):
        accp = _edge_call(src, dst, mh, zeros_d)
        h, mh = _tc_layer(accp, mh, dis, bc[k].reshape(1, D),
                          Wc[(k + 1) % L])
        hs.append(h)

    xs = jnp.stack([h.reshape(-1) for h in hs], axis=1)
    return (hs[-1], hs[-1], xs)

# --- scband reference (transcript-rebuilt; emitter-appended) ---
"""Pipeline reference for scband-graph-encoder-32212254720635 (READ-ONLY COPY).

The authoritative reference and input builder live on the scoring server;
editing this copy changes nothing except your own understanding.
"""

import jax, jax.numpy as jnp
import numpy as np

N = 10000
E = 320000
F_IN = 128
D = 64
L = 4


def setup_inputs(seed: int = 0) -> dict:
    key = jax.random.key(seed)
    ks = jax.random.split(key, 8)
    x = jax.random.normal(ks[0], (N, F_IN), dtype=jnp.float32)
    edge_index = jax.random.randint(ks[1], (2, E), 0, N, dtype=jnp.int32)
    W_in = jax.random.normal(ks[2], (F_IN, D), dtype=jnp.float32) * (1.0 / np.sqrt(F_IN))
    b_in = jax.random.normal(ks[3], (D,), dtype=jnp.float32) * 0.01
    Wc = jax.random.normal(ks[4], (L, D, D), dtype=jnp.float32) * (1.0 / np.sqrt(D))
    bc = jax.random.normal(ks[5], (L, D), dtype=jnp.float32) * 0.01
    return {"x": x, "edge_index": edge_index, "W_in": W_in, "b_in": b_in, "Wc": Wc, "bc": bc}


def _gcn_conv(h, edge_index, W, b):
    # Faithful PyG GCNConv: add self-loops, symmetric deg^{-1/2} normalization,
    # out = scatter_add(norm * (xW)[src] -> dst) + bias
    src = edge_index[0]
    dst = edge_index[1]
    loop = jnp.arange(N, dtype=src.dtype)
    s = jnp.concatenate([src, loop])
    d = jnp.concatenate([dst, loop])
    deg = jnp.zeros((N,), dtype=h.dtype).at[d].add(1.0)
    dis = jnp.where(deg > 0, 1.0 / jnp.sqrt(deg), 0.0)
    norm = dis[s] * dis[d]
    m = h @ W
    msg = m[s] * norm[:, None]
    out = jnp.zeros((N, W.shape[1]), dtype=h.dtype).at[d].add(msg)
    return out + b


def reference(x, edge_index, W_in, b_in, Wc, bc):
    act = lambda v: jax.nn.leaky_relu(v, negative_slope=0.01)
    # remove_random=True -> BatchNorm skipped; dropout is identity in eval mode
    cur = act(x @ W_in + b_in)
    xs = []
    h_acc = None
    for i in range(L):
        cur = act(_gcn_conv(cur, edge_index, Wc[i], bc[i]))
        xs.append(cur.reshape(-1))
        if h_acc is None:
            h_acc = cur * 0.5
        else:
            h_acc = h_acc + cur * 0.5
    xs = jnp.stack(xs, axis=1)
    # acummulate=False -> return (x, x, xs)
    return (cur, cur, xs)

if __name__ == "__main__":
    import jax
    _d = setup_inputs()
    print(jax.jit(kernel)(*tuple(_d.values())))

</pallas_src>

<mosaic_0001>
#map = affine_map<(d0, d1) -> (0, 0, 0)>
#map1 = affine_map<(d0, d1) -> (0, 0)>
module attributes {stable_mosaic.version = 14 : i64} {
  func.func @_deg_call(%arg0: i32, %arg1: i32, %arg2: memref<32x80x125xi32, #tpu.memory_space<hbm>>, %arg3: memref<10240x16xf32, #tpu.memory_space<hbm>>, %arg4: memref<125x16xf32, #tpu.memory_space<hbm>>, %arg5: memref<2x10240x16xf32, #tpu.memory_space<hbm>>, %arg6: memref<80x125xi32, #tpu.memory_space<vmem>>, %arg7: memref<125x16xf32, #tpu.memory_space<vmem>>, %arg8: memref<640x16xf32, #tpu.memory_space<vmem>>, %arg9: memref<10240x16xf32, #tpu.memory_space<vmem_shared>>, %arg10: memref<!tpu.dma_semaphore, #tpu.memory_space<semaphore_mem>>) attributes {dimension_semantics = [#tpu.dimension_semantics<core_parallel>, #tpu.dimension_semantics<subcore_parallel>], iteration_bounds = array<i64: 2, 16>, scalar_prefetch = 0 : i64, scratch_operands = 5 : i64, tpu.core_type = #tpu.core_type<sc_vector_subcore>, window_params = [{transform_indices = #map}, {transform_indices = #map1}, {transform_indices = #map1}, {transform_indices = #map}]} {
    %mul3A = arith.constant 2 : i32
    %mul3A_0 = arith.muli %arg1, %mul3A : i32
    %add3A = arith.addi %mul3A_0, %arg0 : i32
    %mul3A_1 = arith.constant 640 : i32
    %mul3A_2 = arith.muli %arg1, %mul3A_1 : i32
    "tpu.region"() ({
      %run_scoped3A = tpu.sem_alloc : memref<!tpu.dma_semaphore, #tpu.memory_space<semaphore_mem>>
      %dma_start3A = arith.constant 0 : i32
      %dma_start3A_9 = arith.constant 0 : i32
      %dma_start3A_10 = tpu.memref_slice %arg2[%add3A, %dma_start3A, %dma_start3A_9] : memref<32x80x125xi32, #tpu.memory_space<hbm>> -> memref<1x80x125xi32, #tpu.memory_space<hbm>>
      %dma_start3A_11 = tpu.memref_squeeze %dma_start3A_10 : memref<1x80x125xi32, #tpu.memory_space<hbm>> -> memref<80x125xi32, #tpu.memory_space<hbm>>
      %dma_start3A_12 = arith.constant 0 : i32
      %dma_start3A_13 = arith.constant 0 : i32
      %dma_start3A_14 = tpu.memref_slice %arg2[%add3A, %dma_start3A_12, %dma_start3A_13] : memref<32x80x125xi32, #tpu.memory_space<hbm>> -> memref<1x80x125xi32, #tpu.memory_space<hbm>>
      %dma_start3A_15 = tpu.memref_squeeze %dma_start3A_14 : memref<1x80x125xi32, #tpu.memory_space<hbm>> -> memref<80x125xi32, #tpu.memory_space<hbm>>
      tpu.enqueue_dma source(%dma_start3A_15 : memref<80x125xi32, #tpu.memory_space<hbm>>) target(%arg6 : memref<80x125xi32, #tpu.memory_space<vmem>>) target_semaphore(%run_scoped3A : memref<!tpu.dma_semaphore, #tpu.memory_space<semaphore_mem>>)
      %dma_wait3A = arith.constant 0 : i32
      %dma_wait3A_16 = arith.constant 0 : i32
      %dma_wait3A_17 = tpu.memref_slice %arg2[%add3A, %dma_wait3A, %dma_wait3A_16] : memref<32x80x125xi32, #tpu.memory_space<hbm>> -> memref<1x80x125xi32, #tpu.memory_space<hbm>>
      %dma_wait3A_18 = tpu.memref_squeeze %dma_wait3A_17 : memref<1x80x125xi32, #tpu.memory_space<hbm>> -> memref<80x125xi32, #tpu.memory_space<hbm>>
      %dma_wait3A_19 = arith.constant 0 : i32
      %dma_wait3A_20 = arith.constant 0 : i32
      %dma_wait3A_21 = tpu.memref_slice %arg2[%add3A, %dma_wait3A_19, %dma_wait3A_20] : memref<32x80x125xi32, #tpu.memory_space<hbm>> -> memref<1x80x125xi32, #tpu.memory_space<hbm>>
      %dma_wait3A_22 = tpu.memref_squeeze %dma_wait3A_21 : memref<1x80x125xi32, #tpu.memory_space<hbm>> -> memref<80x125xi32, #tpu.memory_space<hbm>>
      tpu.wait_dma2 semaphore(%run_scoped3A : memref<!tpu.dma_semaphore, #tpu.memory_space<semaphore_mem>>) src(%dma_wait3A_22 : memref<80x125xi32, #tpu.memory_space<hbm>>) dst(%arg6 : memref<80x125xi32, #tpu.memory_space<vmem>>)
      tpu.yield
    }) : () -> ()
    "tpu.region"() ({
      %run_scoped3A = tpu.sem_alloc : memref<!tpu.dma_semaphore, #tpu.memory_space<semaphore_mem>>
      tpu.enqueue_dma source(%arg4 : memref<125x16xf32, #tpu.memory_space<hbm>>) target(%arg7 : memref<125x16xf32, #tpu.memory_space<vmem>>) target_semaphore(%run_scoped3A : memref<!tpu.dma_semaphore, #tpu.memory_space<semaphore_mem>>)
      tpu.wait_dma2 semaphore(%run_scoped3A : memref<!tpu.dma_semaphore, #tpu.memory_space<semaphore_mem>>) src(%arg4 : memref<125x16xf32, #tpu.memory_space<hbm>>) dst(%arg7 : memref<125x16xf32, #tpu.memory_space<vmem>>)
      tpu.yield
    }) : () -> ()
    "tpu.region"() ({
      %run_scoped3A = tpu.sem_alloc : memref<!tpu.dma_semaphore, #tpu.memory_space<semaphore_mem>>
      %dma_start3A = arith.constant 0 : i32
      %dma_start3A_9 = tpu.memref_slice %arg3[%mul3A_2, %dma_start3A] : memref<10240x16xf32, #tpu.memory_space<hbm>> -> memref<640x16xf32, #tpu.memory_space<hbm>>
      %dma_start3A_10 = arith.constant 0 : i32
      %dma_start3A_11 = tpu.memref_slice %arg3[%mul3A_2, %dma_start3A_10] : memref<10240x16xf32, #tpu.memory_space<hbm>> -> memref<640x16xf32, #tpu.memory_space<hbm>>
      tpu.enqueue_dma source(%dma_start3A_11 : memref<640x16xf32, #tpu.memory_space<hbm>>) target(%arg8 : memref<640x16xf32, #tpu.memory_space<vmem>>) target_semaphore(%run_scoped3A : memref<!tpu.dma_semaphore, #tpu.memory_space<semaphore_mem>>)
      %dma_wait3A = arith.constant 0 : i32
      %dma_wait3A_12 = tpu.memref_slice %arg3[%mul3A_2, %dma_wait3A] : memref<10240x16xf32, #tpu.memory_space<hbm>> -> memref<640x16xf32, #tpu.memory_space<hbm>>
      %dma_wait3A_13 = arith.constant 0 : i32
      %dma_wait3A_14 = tpu.memref_slice %arg3[%mul3A_2, %dma_wait3A_13] : memref<10240x16xf32, #tpu.memory_space<hbm>> -> memref<640x16xf32, #tpu.memory_space<hbm>>
      tpu.wait_dma2 semaphore(%run_scoped3A : memref<!tpu.dma_semaphore, #tpu.memory_space<semaphore_mem>>) src(%dma_wait3A_14 : memref<640x16xf32, #tpu.memory_space<hbm>>) dst(%arg8 : memref<640x16xf32, #tpu.memory_space<vmem>>)
      tpu.yield
    }) : () -> ()
    "tpu.region"() ({
      %run_scoped3A = tpu.sem_alloc : memref<!tpu.dma_semaphore, #tpu.memory_space<semaphore_mem>>
      %dma_start3A = arith.constant 0 : i32
      %dma_start3A_9 = tpu.memref_slice %arg9[%mul3A_2, %dma_start3A] : memref<10240x16xf32, #tpu.memory_space<vmem_shared>> -> memref<640x16xf32, #tpu.memory_space<vmem_shared>>
      %dma_start3A_10 = arith.constant 0 : i32
      %dma_start3A_11 = tpu.memref_slice %arg9[%mul3A_2, %dma_start3A_10] : memref<10240x16xf32, #tpu.memory_space<vmem_shared>> -> memref<640x16xf32, #tpu.memory_space<vmem_shared>>
      tpu.enqueue_dma source(%arg8 : memref<640x16xf32, #tpu.memory_space<vmem>>) target(%dma_start3A_11 : memref<640x16xf32, #tpu.memory_space<vmem_shared>>) target_semaphore(%run_scoped3A : memref<!tpu.dma_semaphore, #tpu.memory_space<semaphore_mem>>)
      %dma_wait3A = arith.constant 0 : i32
      %dma_wait3A_12 = tpu.memref_slice %arg9[%mul3A_2, %dma_wait3A] : memref<10240x16xf32, #tpu.memory_space<vmem_shared>> -> memref<640x16xf32, #tpu.memory_space<vmem_shared>>
      %dma_wait3A_13 = arith.constant 0 : i32
      %dma_wait3A_14 = tpu.memref_slice %arg9[%mul3A_2, %dma_wait3A_13] : memref<10240x16xf32, #tpu.memory_space<vmem_shared>> -> memref<640x16xf32, #tpu.memory_space<vmem_shared>>
      tpu.wait_dma2 semaphore(%run_scoped3A : memref<!tpu.dma_semaphore, #tpu.memory_space<semaphore_mem>>) src(%arg8 : memref<640x16xf32, #tpu.memory_space<vmem>>) dst(%dma_wait3A_14 : memref<640x16xf32, #tpu.memory_space<vmem_shared>>)
      tpu.yield
    }) : () -> ()
    %barrier3A = arith.constant 0 : index
    tpu.barrier barrier_id(%barrier3A)
    %scan3A = arith.constant 0 : i32
    %scan3A_3 = arith.constant 0 : i32
    %scan3A_4 = arith.constant 80 : i32
    %scan3A_5 = arith.addi %scan3A_3, %scan3A_4 : i32
    %scan3A_6 = arith.constant 1 : i32
    scf.for %scan3A_9 = %scan3A_3 to %scan3A_5 step %scan3A_6  : i32 {
      "tpu.region"() ({
        %run_scoped3A = tpu.sem_alloc : memref<!tpu.dma_semaphore, #tpu.memory_space<semaphore_mem>>
        %dma_start3A = arith.constant 0 : i32
        %dma_start3A_10 = tpu.memref_slice %arg6[%scan3A_9, %dma_start3A] : memref<80x125xi32, #tpu.memory_space<vmem>> -> memref<1x125xi32, #tpu.memory_space<vmem>>
        %dma_start3A_11 = tpu.memref_squeeze %dma_start3A_10 : memref<1x125xi32, #tpu.memory_space<vmem>> -> memref<125xi32, #tpu.memory_space<vmem>>
        %dma_start3A_12 = arith.constant 0 : i32
        %dma_start3A_13 = arith.constant 0 : i32
        %dma_start3A_14 = tpu.memref_slice %arg9[%dma_start3A_12, %dma_start3A_13] : memref<10240x16xf32, #tpu.memory_space<vmem_shared>> -> memref<10240x16xf32, #tpu.memory_space<vmem_shared>>
        tpu.enqueue_indirect_dma source(%arg7 : memref<125x16xf32, #tpu.memory_space<vmem>>) target(%dma_start3A_14 : memref<10240x16xf32, #tpu.memory_space<vmem_shared>>) offsets(%dma_start3A_11 : memref<125xi32, #tpu.memory_space<vmem>>) semaphore(%run_scoped3A : memref<!tpu.dma_semaphore, #tpu.memory_space<semaphore_mem>>) {add = true}
        %dma_wait3A = arith.constant 0 : i32
        %dma_wait3A_15 = tpu.memref_slice %arg6[%scan3A_9, %dma_wait3A] : memref<80x125xi32, #tpu.memory_space<vmem>> -> memref<1x125xi32, #tpu.memory_space<vmem>>
        %dma_wait3A_16 = tpu.memref_squeeze %dma_wait3A_15 : memref<1x125xi32, #tpu.memory_space<vmem>> -> memref<125xi32, #tpu.memory_space<vmem>>
        %dma_wait3A_17 = arith.constant 0 : i32
        %dma_wait3A_18 = arith.constant 0 : i32
        %dma_wait3A_19 = tpu.memref_slice %arg9[%dma_wait3A_17, %dma_wait3A_18] : memref<10240x16xf32, #tpu.memory_space<vmem_shared>> -> memref<10240x16xf32, #tpu.memory_space<vmem_shared>>
        tpu.wait_indirect_dma semaphore(%run_scoped3A : memref<!tpu.dma_semaphore, #tpu.memory_space<semaphore_mem>>) src(%arg7 : memref<125x16xf32, #tpu.memory_space<vmem>>) dst(%dma_wait3A_19 : memref<10240x16xf32, #tpu.memory_space<vmem_shared>>)
        tpu.yield
      }) : () -> ()
    }
    %scan3A_7 = arith.constant 80 : i32
    %barrier3A_8 = arith.constant 0 : index
    tpu.barrier barrier_id(%barrier3A_8)
    "tpu.region"() ({
      %run_scoped3A = tpu.sem_alloc : memref<!tpu.dma_semaphore, #tpu.memory_space<semaphore_mem>>
      %dma_start3A = arith.constant 0 : i32
      %dma_start3A_9 = tpu.memref_slice %arg9[%mul3A_2, %dma_start3A] : memref<10240x16xf32, #tpu.memory_space<vmem_shared>> -> memref<640x16xf32, #tpu.memory_space<vmem_shared>>
      %dma_start3A_10 = arith.constant 0 : i32
      %dma_start3A_11 = tpu.memref_slice %arg9[%mul3A_2, %dma_start3A_10] : memref<10240x16xf32, #tpu.memory_space<vmem_shared>> -> memref<640x16xf32, #tpu.memory_space<vmem_shared>>
      tpu.enqueue_dma source(%dma_start3A_11 : memref<640x16xf32, #tpu.memory_space<vmem_shared>>) target(%arg8 : memref<640x16xf32, #tpu.memory_space<vmem>>) target_semaphore(%run_scoped3A : memref<!tpu.dma_semaphore, #tpu.memory_space<semaphore_mem>>)
      %dma_wait3A = arith.constant 0 : i32
      %dma_wait3A_12 = tpu.memref_slice %arg9[%mul3A_2, %dma_wait3A] : memref<10240x16xf32, #tpu.memory_space<vmem_shared>> -> memref<640x16xf32, #tpu.memory_space<vmem_shared>>
      %dma_wait3A_13 = arith.constant 0 : i32
      %dma_wait3A_14 = tpu.memref_slice %arg9[%mul3A_2, %dma_wait3A_13] : memref<10240x16xf32, #tpu.memory_space<vmem_shared>> -> memref<640x16xf32, #tpu.memory_space<vmem_shared>>
      tpu.wait_dma2 semaphore(%run_scoped3A : memref<!tpu.dma_semaphore, #tpu.memory_space<semaphore_mem>>) src(%dma_wait3A_14 : memref<640x16xf32, #tpu.memory_space<vmem_shared>>) dst(%arg8 : memref<640x16xf32, #tpu.memory_space<vmem>>)
      tpu.yield
    }) : () -> ()
    "tpu.region"() ({
      %run_scoped3A = tpu.sem_alloc : memref<!tpu.dma_semaphore, #tpu.memory_space<semaphore_mem>>
      %dma_start3A = arith.constant 0 : i32
      %dma_start3A_9 = arith.constant 0 : i32
      %dma_start3A_10 = tpu.memref_slice %arg5[%arg0, %dma_start3A, %dma_start3A_9] : memref<2x10240x16xf32, #tpu.memory_space<hbm>> -> memref<1x10240x16xf32, #tpu.memory_space<hbm>>
      %dma_start3A_11 = tpu.memref_squeeze %dma_start3A_10 : memref<1x10240x16xf32, #tpu.memory_space<hbm>> -> memref<10240x16xf32, #tpu.memory_space<hbm>>
      %dma_start3A_12 = arith.constant 0 : i32
      %dma_start3A_13 = tpu.memref_slice %dma_start3A_11[%mul3A_2, %dma_start3A_12] : memref<10240x16xf32, #tpu.memory_space<hbm>> -> memref<640x16xf32, #tpu.memory_space<hbm>>
      %dma_start3A_14 = arith.constant 0 : i32
      %dma_start3A_15 = arith.constant 0 : i32
      %dma_start3A_16 = tpu.memref_slice %arg5[%arg0, %dma_start3A_14, %dma_start3A_15] : memref<2x10240x16xf32, #tpu.memory_space<hbm>> -> memref<1x10240x16xf32, #tpu.memory_space<hbm>>
      %dma_start3A_17 = tpu.memref_squeeze %dma_start3A_16 : memref<1x10240x16xf32, #tpu.memory_space<hbm>> -> memref<10240x16xf32, #tpu.memory_space<hbm>>
      %dma_start3A_18 = arith.constant 0 : i32
      %dma_start3A_19 = tpu.memref_slice %dma_start3A_17[%mul3A_2, %dma_start3A_18] : memref<10240x16xf32, #tpu.memory_space<hbm>> -> memref<640x16xf32, #tpu.memory_space<hbm>>
      tpu.enqueue_dma source(%arg8 : memref<640x16xf32, #tpu.memory_space<vmem>>) target(%dma_start3A_19 : memref<640x16xf32, #tpu.memory_space<hbm>>) target_semaphore(%run_scoped3A : memref<!tpu.dma_semaphore, #tpu.memory_space<semaphore_mem>>)
      %dma_wait3A = arith.constant 0 : i32
      %dma_wait3A_20 = arith.constant 0 : i32
      %dma_wait3A_21 = tpu.memref_slice %arg5[%arg0, %dma_wait3A, %dma_wait3A_20] : memref<2x10240x16xf32, #tpu.memory_space<hbm>> -> memref<1x10240x16xf32, #tpu.memory_space<hbm>>
      %dma_wait3A_22 = tpu.memref_squeeze %dma_wait3A_21 : memref<1x10240x16xf32, #tpu.memory_space<hbm>> -> memref<10240x16xf32, #tpu.memory_space<hbm>>
      %dma_wait3A_23 = arith.constant 0 : i32
      %dma_wait3A_24 = tpu.memref_slice %dma_wait3A_22[%mul3A_2, %dma_wait3A_23] : memref<10240x16xf32, #tpu.memory_space<hbm>> -> memref<640x16xf32, #tpu.memory_space<hbm>>
      %dma_wait3A_25 = arith.constant 0 : i32
      %dma_wait3A_26 = arith.constant 0 : i32
      %dma_wait3A_27 = tpu.memref_slice %arg5[%arg0, %dma_wait3A_25, %dma_wait3A_26] : memref<2x10240x16xf32, #tpu.memory_space<hbm>> -> memref<1x10240x16xf32, #tpu.memory_space<hbm>>
      %dma_wait3A_28 = tpu.memref_squeeze %dma_wait3A_27 : memref<1x10240x16xf32, #tpu.memory_space<hbm>> -> memref<10240x16xf32, #tpu.memory_space<hbm>>
      %dma_wait3A_29 = arith.constant 0 : i32
      %dma_wait3A_30 = tpu.memref_slice %dma_wait3A_28[%mul3A_2, %dma_wait3A_29] : memref<10240x16xf32, #tpu.memory_space<hbm>> -> memref<640x16xf32, #tpu.memory_space<hbm>>
      tpu.wait_dma2 semaphore(%run_scoped3A : memref<!tpu.dma_semaphore, #tpu.memory_space<semaphore_mem>>) src(%arg8 : memref<640x16xf32, #tpu.memory_space<vmem>>) dst(%dma_wait3A_30 : memref<640x16xf32, #tpu.memory_space<hbm>>)
      tpu.yield
    }) : () -> ()
    return
  }
}

#map = affine_map<(d0, d1) -> (0, 0, 0)>
#map1 = affine_map<(d0, d1) -> (0, 0)>
module attributes {stable_mosaic.version = 14 : i64} {
  func.func @_edge_call(%arg0: i32, %arg1: i32, %arg2: memref<32x80x125xi32, #tpu.memory_space<hbm>>, %arg3: memref<32x80x125xi32, #tpu.memory_space<hbm>>, %arg4: memref<10000x64xf32, #tpu.memory_space<hbm>>, %arg5: memref<10240x64xf32, #tpu.memory_space<hbm>>, %arg6: memref<2x10240x64xf32, #tpu.memory_space<hbm>>, %arg7: memref<80x125xi32, #tpu.memory_space<vmem>>, %arg8: memref<80x125xi32, #tpu.memory_space<vmem>>, %arg9: memref<125x64xf32, #tpu.memory_space<vmem>>, %arg10: memref<125x64xf32, #tpu.memory_space<vmem>>, %arg11: memref<125x64xf32, #tpu.memory_space<vmem>>, %arg12: memref<640x64xf32, #tpu.memory_space<vmem>>, %arg13: memref<10240x64xf32, #tpu.memory_space<vmem_shared>>, %arg14: memref<!tpu.dma_semaphore, #tpu.memory_space<semaphore_mem>>, %arg15: memref<!tpu.dma_semaphore, #tpu.memory_space<semaphore_mem>>, %arg16: memref<!tpu.dma_semaphore, #tpu.memory_space<semaphore_mem>>, %arg17: memref<!tpu.dma_semaphore, #tpu.memory_space<semaphore_mem>>, %arg18: memref<!tpu.dma_semaphore, #tpu.memory_space<semaphore_mem>>, %arg19: memref<!tpu.dma_semaphore, #tpu.memory_space<semaphore_mem>>) attributes {dimension_semantics = [#tpu.dimension_semantics<core_parallel>, #tpu.dimension_semantics<subcore_parallel>], iteration_bounds = array<i64: 2, 16>, scalar_prefetch = 0 : i64, scratch_operands = 13 : i64, tpu.core_type = #tpu.core_type<sc_vector_subcore>, window_params = [{transform_indices = #map}, {transform_indices = #map}, {transform_indices = #map1}, {transform_indices = #map1}, {transform_indices = #map}]} {
    %mul3A = arith.constant 2 : i32
    %mul3A_0 = arith.muli %arg1, %mul3A : i32
    %add3A = arith.addi %mul3A_0, %arg0 : i32
    %mul3A_1 = arith.constant 640 : i32
    %mul3A_2 = arith.muli %arg1, %mul3A_1 : i32
    "tpu.region"() ({
      %run_scoped3A_43 = tpu.sem_alloc : memref<!tpu.dma_semaphore, #tpu.memory_space<semaphore_mem>>
      %dma_start3A_44 = arith.constant 0 : i32
      %dma_start3A_45 = arith.constant 0 : i32
      %dma_start3A_46 = tpu.memref_slice %arg2[%add3A, %dma_start3A_44, %dma_start3A_45] : memref<32x80x125xi32, #tpu.memory_space<hbm>> -> memref<1x80x125xi32, #tpu.memory_space<hbm>>
      %dma_start3A_47 = tpu.memref_squeeze %dma_start3A_46 : memref<1x80x125xi32, #tpu.memory_space<hbm>> -> memref<80x125xi32, #tpu.memory_space<hbm>>
      %dma_start3A_48 = arith.constant 0 : i32
      %dma_start3A_49 = arith.constant 0 : i32
      %dma_start3A_50 = tpu.memref_slice %arg2[%add3A, %dma_start3A_48, %dma_start3A_49] : memref<32x80x125xi32, #tpu.memory_space<hbm>> -> memref<1x80x125xi32, #tpu.memory_space<hbm>>
      %dma_start3A_51 = tpu.memref_squeeze %dma_start3A_50 : memref<1x80x125xi32, #tpu.memory_space<hbm>> -> memref<80x125xi32, #tpu.memory_space<hbm>>
      tpu.enqueue_dma source(%dma_start3A_51 : memref<80x125xi32, #tpu.memory_space<hbm>>) target(%arg7 : memref<80x125xi32, #tpu.memory_space<vmem>>) target_semaphore(%run_scoped3A_43 : memref<!tpu.dma_semaphore, #tpu.memory_space<semaphore_mem>>)
      %dma_wait3A_52 = arith.constant 0 : i32
      %dma_wait3A_53 = arith.constant 0 : i32
      %dma_wait3A_54 = tpu.memref_slice %arg2[%add3A, %dma_wait3A_52, %dma_wait3A_53] : memref<32x80x125xi32, #tpu.memory_space<hbm>> -> memref<1x80x125xi32, #tpu.memory_space<hbm>>
      %dma_wait3A_55 = tpu.memref_squeeze %dma_wait3A_54 : memref<1x80x125xi32, #tpu.memory_space<hbm>> -> memref<80x125xi32, #tpu.memory_space<hbm>>
      %dma_wait3A_56 = arith.constant 0 : i32
      %dma_wait3A_57 = arith.constant 0 : i32
      %dma_wait3A_58 = tpu.memref_slice %arg2[%add3A, %dma_wait3A_56, %dma_wait3A_57] : memref<32x80x125xi32, #tpu.memory_space<hbm>> -> memref<1x80x125xi32, #tpu.memory_space<hbm>>
      %dma_wait3A_59 = tpu.memref_squeeze %dma_wait3A_58 : memref<1x80x125xi32, #tpu.memory_space<hbm>> -> memref<80x125xi32, #tpu.memory_space<hbm>>
      tpu.wait_dma2 semaphore(%run_scoped3A_43 : memref<!tpu.dma_semaphore, #tpu.memory_space<semaphore_mem>>) src(%dma_wait3A_59 : memref<80x125xi32, #tpu.memory_space<hbm>>) dst(%arg7 : memref<80x125xi32, #tpu.memory_space<vmem>>)
      tpu.yield
    }) : () -> ()
    "tpu.region"() ({
      %run_scoped3A_43 = tpu.sem_alloc : memref<!tpu.dma_semaphore, #tpu.memory_space<semaphore_mem>>
      %dma_start3A_44 = arith.constant 0 : i32
      %dma_start3A_45 = arith.constant 0 : i32
      %dma_start3A_46 = tpu.memref_slice %arg3[%add3A, %dma_start3A_44, %dma_start3A_45] : memref<32x80x125xi32, #tpu.memory_space<hbm>> -> memref<1x80x125xi32, #tpu.memory_space<hbm>>
      %dma_start3A_47 = tpu.memref_squeeze %dma_start3A_46 : memref<1x80x125xi32, #tpu.memory_space<hbm>> -> memref<80x125xi32, #tpu.memory_space<hbm>>
      %dma_start3A_48 = arith.constant 0 : i32
      %dma_start3A_49 = arith.constant 0 : i32
      %dma_start3A_50 = tpu.memref_slice %arg3[%add3A, %dma_start3A_48, %dma_start3A_49] : memref<32x80x125xi32, #tpu.memory_space<hbm>> -> memref<1x80x125xi32, #tpu.memory_space<hbm>>
      %dma_start3A_51 = tpu.memref_squeeze %dma_start3A_50 : memref<1x80x125xi32, #tpu.memory_space<hbm>> -> memref<80x125xi32, #tpu.memory_space<hbm>>
      tpu.enqueue_dma source(%dma_start3A_51 : memref<80x125xi32, #tpu.memory_space<hbm>>) target(%arg8 : memref<80x125xi32, #tpu.memory_space<vmem>>) target_semaphore(%run_scoped3A_43 : memref<!tpu.dma_semaphore, #tpu.memory_space<semaphore_mem>>)
      %dma_wait3A_52 = arith.constant 0 : i32
      %dma_wait3A_53 = arith.constant 0 : i32
      %dma_wait3A_54 = tpu.memref_slice %arg3[%add3A, %dma_wait3A_52, %dma_wait3A_53] : memref<32x80x125xi32, #tpu.memory_space<hbm>> -> memref<1x80x125xi32, #tpu.memory_space<hbm>>
      %dma_wait3A_55 = tpu.memref_squeeze %dma_wait3A_54 : memref<1x80x125xi32, #tpu.memory_space<hbm>> -> memref<80x125xi32, #tpu.memory_space<hbm>>
      %dma_wait3A_56 = arith.constant 0 : i32
      %dma_wait3A_57 = arith.constant 0 : i32
      %dma_wait3A_58 = tpu.memref_slice %arg3[%add3A, %dma_wait3A_56, %dma_wait3A_57] : memref<32x80x125xi32, #tpu.memory_space<hbm>> -> memref<1x80x125xi32, #tpu.memory_space<hbm>>
      %dma_wait3A_59 = tpu.memref_squeeze %dma_wait3A_58 : memref<1x80x125xi32, #tpu.memory_space<hbm>> -> memref<80x125xi32, #tpu.memory_space<hbm>>
      tpu.wait_dma2 semaphore(%run_scoped3A_43 : memref<!tpu.dma_semaphore, #tpu.memory_space<semaphore_mem>>) src(%dma_wait3A_59 : memref<80x125xi32, #tpu.memory_space<hbm>>) dst(%arg8 : memref<80x125xi32, #tpu.memory_space<vmem>>)
      tpu.yield
    }) : () -> ()
    "tpu.region"() ({
      %run_scoped3A_43 = tpu.sem_alloc : memref<!tpu.dma_semaphore, #tpu.memory_space<semaphore_mem>>
      %dma_start3A_44 = arith.constant 0 : i32
      %dma_start3A_45 = tpu.memref_slice %arg5[%mul3A_2, %dma_start3A_44] : memref<10240x64xf32, #tpu.memory_space<hbm>> -> memref<640x64xf32, #tpu.memory_space<hbm>>
      %dma_start3A_46 = arith.constant 0 : i32
      %dma_start3A_47 = tpu.memref_slice %arg5[%mul3A_2, %dma_start3A_46] : memref<10240x64xf32, #tpu.memory_space<hbm>> -> memref<640x64xf32, #tpu.memory_space<hbm>>
      tpu.enqueue_dma source(%dma_start3A_47 : memref<640x64xf32, #tpu.memory_space<hbm>>) target(%arg12 : memref<640x64xf32, #tpu.memory_space<vmem>>) target_semaphore(%run_scoped3A_43 : memref<!tpu.dma_semaphore, #tpu.memory_space<semaphore_mem>>)
      %dma_wait3A_48 = arith.constant 0 : i32
      %dma_wait3A_49 = tpu.memref_slice %arg5[%mul3A_2, %dma_wait3A_48] : memref<10240x64xf32, #tpu.memory_space<hbm>> -> memref<640x64xf32, #tpu.memory_space<hbm>>
      %dma_wait3A_50 = arith.constant 0 : i32
      %dma_wait3A_51 = tpu.memref_slice %arg5[%mul3A_2, %dma_wait3A_50] : memref<10240x64xf32, #tpu.memory_space<hbm>> -> memref<640x64xf32, #tpu.memory_space<hbm>>
      tpu.wait_dma2 semaphore(%run_scoped3A_43 : memref<!tpu.dma_semaphore, #tpu.memory_space<semaphore_mem>>) src(%dma_wait3A_51 : memref<640x64xf32, #tpu.memory_space<hbm>>) dst(%arg12 : memref<640x64xf32, #tpu.memory_space<vmem>>)
      tpu.yield
    }) : () -> ()
    "tpu.region"() ({
      %run_scoped3A_43 = tpu.sem_alloc : memref<!tpu.dma_semaphore, #tpu.memory_space<semaphore_mem>>
      %dma_start3A_44 = arith.constant 0 : i32
      %dma_start3A_45 = tpu.memref_slice %arg13[%mul3A_2, %dma_start3A_44] : memref<10240x64xf32, #tpu.memory_space<vmem_shared>> -> memref<640x64xf32, #tpu.memory_space<vmem_shared>>
      %dma_start3A_46 = arith.constant 0 : i32
      %dma_start3A_47 = tpu.memref_slice %arg13[%mul3A_2, %dma_start3A_46] : memref<10240x64xf32, #tpu.memory_space<vmem_shared>> -> memref<640x64xf32, #tpu.memory_space<vmem_shared>>
      tpu.enqueue_dma source(%arg12 : memref<640x64xf32, #tpu.memory_space<vmem>>) target(%dma_start3A_47 : memref<640x64xf32, #tpu.memory_space<vmem_shared>>) target_semaphore(%run_scoped3A_43 : memref<!tpu.dma_semaphore, #tpu.memory_space<semaphore_mem>>)
      %dma_wait3A_48 = arith.constant 0 : i32
      %dma_wait3A_49 = tpu.memref_slice %arg13[%mul3A_2, %dma_wait3A_48] : memref<10240x64xf32, #tpu.memory_space<vmem_shared>> -> memref<640x64xf32, #tpu.memory_space<vmem_shared>>
      %dma_wait3A_50 = arith.constant 0 : i32
      %dma_wait3A_51 = tpu.memref_slice %arg13[%mul3A_2, %dma_wait3A_50] : memref<10240x64xf32, #tpu.memory_space<vmem_shared>> -> memref<640x64xf32, #tpu.memory_space<vmem_shared>>
      tpu.wait_dma2 semaphore(%run_scoped3A_43 : memref<!tpu.dma_semaphore, #tpu.memory_space<semaphore_mem>>) src(%arg12 : memref<640x64xf32, #tpu.memory_space<vmem>>) dst(%dma_wait3A_51 : memref<640x64xf32, #tpu.memory_space<vmem_shared>>)
      tpu.yield
    }) : () -> ()
    %barrier3A = arith.constant 0 : index
    tpu.barrier barrier_id(%barrier3A)
    %dma_start3A = arith.constant 0 : i32
    %dma_start3A_3 = arith.constant 0 : i32
    %dma_start3A_4 = tpu.memref_slice %arg7[%dma_start3A, %dma_start3A_3] : memref<80x125xi32, #tpu.memory_space<vmem>> -> memref<1x125xi32, #tpu.memory_space<vmem>>
    %dma_start3A_5 = tpu.memref_squeeze %dma_start3A_4 : memref<1x125xi32, #tpu.memory_space<vmem>> -> memref<125xi32, #tpu.memory_space<vmem>>
    %dma_start3A_6 = arith.constant 0 : i32
    %dma_start3A_7 = arith.constant 0 : i32
    %dma_start3A_8 = tpu.memref_slice %arg4[%dma_start3A_6, %dma_start3A_7] : memref<10000x64xf32, #tpu.memory_space<hbm>> -> memref<10000x64xf32, #tpu.memory_space<hbm>>
    tpu.enqueue_indirect_dma source(%dma_start3A_8 : memref<10000x64xf32, #tpu.memory_space<hbm>>) target(%arg9 : memref<125x64xf32, #tpu.memory_space<vmem>>) offsets(%dma_start3A_5 : memref<125xi32, #tpu.memory_space<vmem>>) semaphore(%arg14 : memref<!tpu.dma_semaphore, #tpu.memory_space<semaphore_mem>>)
    %dma_start3A_9 = arith.constant 1 : i32
    %dma_start3A_10 = arith.constant 0 : i32
    %dma_start3A_11 = tpu.memref_slice %arg7[%dma_start3A_9, %dma_start3A_10] : memref<80x125xi32, #tpu.memory_space<vmem>> -> memref<1x125xi32, #tpu.memory_space<vmem>>
    %dma_start3A_12 = tpu.memref_squeeze %dma_start3A_11 : memref<1x125xi32, #tpu.memory_space<vmem>> -> memref<125xi32, #tpu.memory_space<vmem>>
    %dma_start3A_13 = arith.constant 0 : i32
    %dma_start3A_14 = arith.constant 0 : i32
    %dma_start3A_15 = tpu.memref_slice %arg4[%dma_start3A_13, %dma_start3A_14] : memref<10000x64xf32, #tpu.memory_space<hbm>> -> memref<10000x64xf32, #tpu.memory_space<hbm>>
    tpu.enqueue_indirect_dma source(%dma_start3A_15 : memref<10000x64xf32, #tpu.memory_space<hbm>>) target(%arg10 : memref<125x64xf32, #tpu.memory_space<vmem>>) offsets(%dma_start3A_12 : memref<125xi32, #tpu.memory_space<vmem>>) semaphore(%arg15 : memref<!tpu.dma_semaphore, #tpu.memory_space<semaphore_mem>>)
    %dma_start3A_16 = arith.constant 2 : i32
    %dma_start3A_17 = arith.constant 0 : i32
    %dma_start3A_18 = tpu.memref_slice %arg7[%dma_start3A_16, %dma_start3A_17] : memref<80x125xi32, #tpu.memory_space<vmem>> -> memref<1x125xi32, #tpu.memory_space<vmem>>
    %dma_start3A_19 = tpu.memref_squeeze %dma_start3A_18 : memref<1x125xi32, #tpu.memory_space<vmem>> -> memref<125xi32, #tpu.memory_space<vmem>>
    %dma_start3A_20 = arith.constant 0 : i32
    %dma_start3A_21 = arith.constant 0 : i32
    %dma_start3A_22 = tpu.memref_slice %arg4[%dma_start3A_20, %dma_start3A_21] : memref<10000x64xf32, #tpu.memory_space<hbm>> -> memref<10000x64xf32, #tpu.memory_space<hbm>>
    tpu.enqueue_indirect_dma source(%dma_start3A_22 : memref<10000x64xf32, #tpu.memory_space<hbm>>) target(%arg11 : memref<125x64xf32, #tpu.memory_space<vmem>>) offsets(%dma_start3A_19 : memref<125xi32, #tpu.memory_space<vmem>>) semaphore(%arg16 : memref<!tpu.dma_semaphore, #tpu.memory_space<semaphore_mem>>)
    %scan3A = arith.constant 0 : i32
    %scan3A_23 = arith.constant 0 : i32
    %scan3A_24 = arith.constant 26 : i32
    %scan3A_25 = arith.addi %scan3A_23, %scan3A_24 : i32
    %scan3A_26 = arith.constant 1 : i32
    scf.for %scan3A_43 = %scan3A_23 to %scan3A_25 step %scan3A_26  : i32 {
      %mul3A_44 = arith.constant 3 : i32
      %mul3A_45 = arith.muli %scan3A_43, %mul3A_44 : i32
      %add3A_46 = arith.constant 0 : i32
      %add3A_47 = arith.addi %mul3A_45, %add3A_46 : i32
      %dma_wait3A_48 = arith.constant 0 : i32
      %dma_wait3A_49 = tpu.memref_slice %arg7[%add3A_47, %dma_wait3A_48] : memref<80x125xi32, #tpu.memory_space<vmem>> -> memref<1x125xi32, #tpu.memory_space<vmem>>
      %dma_wait3A_50 = tpu.memref_squeeze %dma_wait3A_49 : memref<1x125xi32, #tpu.memory_space<vmem>> -> memref<125xi32, #tpu.memory_space<vmem>>
      %dma_wait3A_51 = arith.constant 0 : i32
      %dma_wait3A_52 = arith.constant 0 : i32
      %dma_wait3A_53 = tpu.memref_slice %arg4[%dma_wait3A_51, %dma_wait3A_52] : memref<10000x64xf32, #tpu.memory_space<hbm>> -> memref<10000x64xf32, #tpu.memory_space<hbm>>
      tpu.wait_indirect_dma semaphore(%arg14 : memref<!tpu.dma_semaphore, #tpu.memory_space<semaphore_mem>>) src(%dma_wait3A_53 : memref<10000x64xf32, #tpu.memory_space<hbm>>) dst(%arg9 : memref<125x64xf32, #tpu.memory_space<vmem>>)
      %dma_start3A_54 = arith.constant 0 : i32
      %dma_start3A_55 = tpu.memref_slice %arg8[%add3A_47, %dma_start3A_54] : memref<80x125xi32, #tpu.memory_space<vmem>> -> memref<1x125xi32, #tpu.memory_space<vmem>>
      %dma_start3A_56 = tpu.memref_squeeze %dma_start3A_55 : memref<1x125xi32, #tpu.memory_space<vmem>> -> memref<125xi32, #tpu.memory_space<vmem>>
      %dma_start3A_57 = arith.constant 0 : i32
      %dma_start3A_58 = arith.constant 0 : i32
      %dma_start3A_59 = tpu.memref_slice %arg13[%dma_start3A_57, %dma_start3A_58] : memref<10240x64xf32, #tpu.memory_space<vmem_shared>> -> memref<10240x64xf32, #tpu.memory_space<vmem_shared>>
      tpu.enqueue_indirect_dma source(%arg9 : memref<125x64xf32, #tpu.memory_space<vmem>>) target(%dma_start3A_59 : memref<10240x64xf32, #tpu.memory_space<vmem_shared>>) offsets(%dma_start3A_56 : memref<125xi32, #tpu.memory_space<vmem>>) semaphore(%arg17 : memref<!tpu.dma_semaphore, #tpu.memory_space<semaphore_mem>>) {add = true}
      %add3A_60 = arith.constant 1 : i32
      %add3A_61 = arith.addi %mul3A_45, %add3A_60 : i32
      %dma_wait3A_62 = arith.constant 0 : i32
      %dma_wait3A_63 = tpu.memref_slice %arg7[%add3A_61, %dma_wait3A_62] : memref<80x125xi32, #tpu.memory_space<vmem>> -> memref<1x125xi32, #tpu.memory_space<vmem>>
      %dma_wait3A_64 = tpu.memref_squeeze %dma_wait3A_63 : memref<1x125xi32, #tpu.memory_space<vmem>> -> memref<125xi32, #tpu.memory_space<vmem>>
      %dma_wait3A_65 = arith.constant 0 : i32
      %dma_wait3A_66 = arith.constant 0 : i32
      %dma_wait3A_67 = tpu.memref_slice %arg4[%dma_wait3A_65, %dma_wait3A_66] : memref<10000x64xf32, #tpu.memory_space<hbm>> -> memref<10000x64xf32, #tpu.memory_space<hbm>>
      tpu.wait_indirect_dma semaphore(%arg15 : memref<!tpu.dma_semaphore, #tpu.memory_space<semaphore_mem>>) src(%dma_wait3A_67 : memref<10000x64xf32, #tpu.memory_space<hbm>>) dst(%arg10 : memref<125x64xf32, #tpu.memory_space<vmem>>)
      %dma_start3A_68 = arith.constant 0 : i32
      %dma_start3A_69 = tpu.memref_slice %arg8[%add3A_61, %dma_start3A_68] : memref<80x125xi32, #tpu.memory_space<vmem>> -> memref<1x125xi32, #tpu.memory_space<vmem>>
      %dma_start3A_70 = tpu.memref_squeeze %dma_start3A_69 : memref<1x125xi32, #tpu.memory_space<vmem>> -> memref<125xi32, #tpu.memory_space<vmem>>
      %dma_start3A_71 = arith.constant 0 : i32
      %dma_start3A_72 = arith.constant 0 : i32
      %dma_start3A_73 = tpu.memref_slice %arg13[%dma_start3A_71, %dma_start3A_72] : memref<10240x64xf32, #tpu.memory_space<vmem_shared>> -> memref<10240x64xf32, #tpu.memory_space<vmem_shared>>
      tpu.enqueue_indirect_dma source(%arg10 : memref<125x64xf32, #tpu.memory_space<vmem>>) target(%dma_start3A_73 : memref<10240x64xf32, #tpu.memory_space<vmem_shared>>) offsets(%dma_start3A_70 : memref<125xi32, #tpu.memory_space<vmem>>) semaphore(%arg18 : memref<!tpu.dma_semaphore, #tpu.memory_space<semaphore_mem>>) {add = true}
      %add3A_74 = arith.constant 2 : i32
      %add3A_75 = arith.addi %mul3A_45, %add3A_74 : i32
      %dma_wait3A_76 = arith.constant 0 : i32
      %dma_wait3A_77 = tpu.memref_slice %arg7[%add3A_75, %dma_wait3A_76] : memref<80x125xi32, #tpu.memory_space<vmem>> -> memref<1x125xi32, #tpu.memory_space<vmem>>
      %dma_wait3A_78 = tpu.memref_squeeze %dma_wait3A_77 : memref<1x125xi32, #tpu.memory_space<vmem>> -> memref<125xi32, #tpu.memory_space<vmem>>
      %dma_wait3A_79 = arith.constant 0 : i32
      %dma_wait3A_80 = arith.constant 0 : i32
      %dma_wait3A_81 = tpu.memref_slice %arg4[%dma_wait3A_79, %dma_wait3A_80] : memref<10000x64xf32, #tpu.memory_space<hbm>> -> memref<10000x64xf32, #tpu.memory_space<hbm>>
      tpu.wait_indirect_dma semaphore(%arg16 : memref<!tpu.dma_semaphore, #tpu.memory_space<semaphore_mem>>) src(%dma_wait3A_81 : memref<10000x64xf32, #tpu.memory_space<hbm>>) dst(%arg11 : memref<125x64xf32, #tpu.memory_space<vmem>>)
      %dma_start3A_82 = arith.constant 0 : i32
      %dma_start3A_83 = tpu.memref_slice %arg8[%add3A_75, %dma_start3A_82] : memref<80x125xi32, #tpu.memory_space<vmem>> -> memref<1x125xi32, #tpu.memory_space<vmem>>
      %dma_start3A_84 = tpu.memref_squeeze %dma_start3A_83 : memref<1x125xi32, #tpu.memory_space<vmem>> -> memref<125xi32, #tpu.memory_space<vmem>>
      %dma_start3A_85 = arith.constant 0 : i32
      %dma_start3A_86 = arith.constant 0 : i32
      %dma_start3A_87 = tpu.memref_slice %arg13[%dma_start3A_85, %dma_start3A_86] : memref<10240x64xf32, #tpu.memory_space<vmem_shared>> -> memref<10240x64xf32, #tpu.memory_space<vmem_shared>>
      tpu.enqueue_indirect_dma source(%arg11 : memref<125x64xf32, #tpu.memory_space<vmem>>) target(%dma_start3A_87 : memref<10240x64xf32, #tpu.memory_space<vmem_shared>>) offsets(%dma_start3A_84 : memref<125xi32, #tpu.memory_space<vmem>>) semaphore(%arg19 : memref<!tpu.dma_semaphore, #tpu.memory_space<semaphore_mem>>) {add = true}
      %add3A_88 = arith.constant 3 : i32
      %add3A_89 = arith.addi %mul3A_45, %add3A_88 : i32
      %add3A_90 = arith.constant 0 : i32
      %add3A_91 = arith.addi %add3A_89, %add3A_90 : i32
      %add3A_92 = arith.constant 0 : i32
      %add3A_93 = arith.addi %mul3A_45, %add3A_92 : i32
      %dma_wait3A_94 = arith.constant 0 : i32
      %dma_wait3A_95 = tpu.memref_slice %arg8[%add3A_93, %dma_wait3A_94] : memref<80x125xi32, #tpu.memory_space<vmem>> -> memref<1x125xi32, #tpu.memory_space<vmem>>
      %dma_wait3A_96 = tpu.memref_squeeze %dma_wait3A_95 : memref<1x125xi32, #tpu.memory_space<vmem>> -> memref<125xi32, #tpu.memory_space<vmem>>
      %dma_wait3A_97 = arith.constant 0 : i32
      %dma_wait3A_98 = arith.constant 0 : i32
      %dma_wait3A_99 = tpu.memref_slice %arg13[%dma_wait3A_97, %dma_wait3A_98] : memref<10240x64xf32, #tpu.memory_space<vmem_shared>> -> memref<10240x64xf32, #tpu.memory_space<vmem_shared>>
      tpu.wait_indirect_dma semaphore(%arg17 : memref<!tpu.dma_semaphore, #tpu.memory_space<semaphore_mem>>) src(%arg9 : memref<125x64xf32, #tpu.memory_space<vmem>>) dst(%dma_wait3A_99 : memref<10240x64xf32, #tpu.memory_space<vmem_shared>>)
      %lt3A = arith.constant 80 : i32
      %lt3A_100 = arith.cmpi slt, %add3A_91, %lt3A : i32
      %convert_element_type3A = arith.extui %lt3A_100 : i1 to i32
      %cond3A = arith.constant 0 : i32
      %cond3A_101 = arith.cmpi ne, %convert_element_type3A, %cond3A : i32
      scf.if %cond3A_101 {
        %dma_start3A_136 = arith.constant 0 : i32
        %dma_start3A_137 = tpu.memref_slice %arg7[%add3A_91, %dma_start3A_136] : memref<80x125xi32, #tpu.memory_space<vmem>> -> memref<1x125xi32, #tpu.memory_space<vmem>>
        %dma_start3A_138 = tpu.memref_squeeze %dma_start3A_137 : memref<1x125xi32, #tpu.memory_space<vmem>> -> memref<125xi32, #tpu.memory_space<vmem>>
        %dma_start3A_139 = arith.constant 0 : i32
        %dma_start3A_140 = arith.constant 0 : i32
        %dma_start3A_141 = tpu.memref_slice %arg4[%dma_start3A_139, %dma_start3A_140] : memref<10000x64xf32, #tpu.memory_space<hbm>> -> memref<10000x64xf32, #tpu.memory_space<hbm>>
        tpu.enqueue_indirect_dma source(%dma_start3A_141 : memref<10000x64xf32, #tpu.memory_space<hbm>>) target(%arg9 : memref<125x64xf32, #tpu.memory_space<vmem>>) offsets(%dma_start3A_138 : memref<125xi32, #tpu.memory_space<vmem>>) semaphore(%arg14 : memref<!tpu.dma_semaphore, #tpu.memory_space<semaphore_mem>>)
      } else {
      }
      %add3A_102 = arith.constant 3 : i32
      %add3A_103 = arith.addi %mul3A_45, %add3A_102 : i32
      %add3A_104 = arith.constant 1 : i32
      %add3A_105 = arith.addi %add3A_103, %add3A_104 : i32
      %add3A_106 = arith.constant 1 : i32
      %add3A_107 = arith.addi %mul3A_45, %add3A_106 : i32
      %dma_wait3A_108 = arith.constant 0 : i32
      %dma_wait3A_109 = tpu.memref_slice %arg8[%add3A_107, %dma_wait3A_108] : memref<80x125xi32, #tpu.memory_space<vmem>> -> memref<1x125xi32, #tpu.memory_space<vmem>>
      %dma_wait3A_110 = tpu.memref_squeeze %dma_wait3A_109 : memref<1x125xi32, #tpu.memory_space<vmem>> -> memref<125xi32, #tpu.memory_space<vmem>>
      %dma_wait3A_111 = arith.constant 0 : i32
      %dma_wait3A_112 = arith.constant 0 : i32
      %dma_wait3A_113 = tpu.memref_slice %arg13[%dma_wait3A_111, %dma_wait3A_112] : memref<10240x64xf32, #tpu.memory_space<vmem_shared>> -> memref<10240x64xf32, #tpu.memory_space<vmem_shared>>
      tpu.wait_indirect_dma semaphore(%arg18 : memref<!tpu.dma_semaphore, #tpu.memory_space<semaphore_mem>>) src(%arg10 : memref<125x64xf32, #tpu.memory_space<vmem>>) dst(%dma_wait3A_113 : memref<10240x64xf32, #tpu.memory_space<vmem_shared>>)
      %lt3A_114 = arith.constant 80 : i32
      %lt3A_115 = arith.cmpi slt, %add3A_105, %lt3A_114 : i32
      %convert_element_type3A_116 = arith.extui %lt3A_115 : i1 to i32
      %cond3A_117 = arith.constant 0 : i32
      %cond3A_118 = arith.cmpi ne, %convert_element_type3A_116, %cond3A_117 : i32
      scf.if %cond3A_118 {
        %dma_start3A_136 = arith.constant 0 : i32
        %dma_start3A_137 = tpu.memref_slice %arg7[%add3A_105, %dma_start3A_136] : memref<80x125xi32, #tpu.memory_space<vmem>> -> memref<1x125xi32, #tpu.memory_space<vmem>>
        %dma_start3A_138 = tpu.memref_squeeze %dma_start3A_137 : memref<1x125xi32, #tpu.memory_space<vmem>> -> memref<125xi32, #tpu.memory_space<vmem>>
        %dma_start3A_139 = arith.constant 0 : i32
        %dma_start3A_140 = arith.constant 0 : i32
        %dma_start3A_141 = tpu.memref_slice %arg4[%dma_start3A_139, %dma_start3A_140] : memref<10000x64xf32, #tpu.memory_space<hbm>> -> memref<10000x64xf32, #tpu.memory_space<hbm>>
        tpu.enqueue_indirect_dma source(%dma_start3A_141 : memref<10000x64xf32, #tpu.memory_space<hbm>>) target(%arg10 : memref<125x64xf32, #tpu.memory_space<vmem>>) offsets(%dma_start3A_138 : memref<125xi32, #tpu.memory_space<vmem>>) semaphore(%arg15 : memref<!tpu.dma_semaphore, #tpu.memory_space<semaphore_mem>>)
      } else {
      }
      %add3A_119 = arith.constant 3 : i32
      %add3A_120 = arith.addi %mul3A_45, %add3A_119 : i32
      %add3A_121 = arith.constant 2 : i32
      %add3A_122 = arith.addi %add3A_120, %add3A_121 : i32
      %add3A_123 = arith.constant 2 : i32
      %add3A_124 = arith.addi %mul3A_45, %add3A_123 : i32
      %dma_wait3A_125 = arith.constant 0 : i32
      %dma_wait3A_126 = tpu.memref_slice %arg8[%add3A_124, %dma_wait3A_125] : memref<80x125xi32, #tpu.memory_space<vmem>> -> memref<1x125xi32, #tpu.memory_space<vmem>>
      %dma_wait3A_127 = tpu.memref_squeeze %dma_wait3A_126 : memref<1x125xi32, #tpu.memory_space<vmem>> -> memref<125xi32, #tpu.memory_space<vmem>>
      %dma_wait3A_128 = arith.constant 0 : i32
      %dma_wait3A_129 = arith.constant 0 : i32
      %dma_wait3A_130 = tpu.memref_slice %arg13[%dma_wait3A_128, %dma_wait3A_129] : memref<10240x64xf32, #tpu.memory_space<vmem_shared>> -> memref<10240x64xf32, #tpu.memory_space<vmem_shared>>
      tpu.wait_indirect_dma semaphore(%arg19 : memref<!tpu.dma_semaphore, #tpu.memory_space<semaphore_mem>>) src(%arg11 : memref<125x64xf32, #tpu.memory_space<vmem>>) dst(%dma_wait3A_130 : memref<10240x64xf32, #tpu.memory_space<vmem_shared>>)
      %lt3A_131 = arith.constant 80 : i32
      %lt3A_132 = arith.cmpi slt, %add3A_122, %lt3A_131 : i32
      %convert_element_type3A_133 = arith.extui %lt3A_132 : i1 to i32
      %cond3A_134 = arith.constant 0 : i32
      %cond3A_135 = arith.cmpi ne, %convert_element_type3A_133, %cond3A_134 : i32
      scf.if %cond3A_135 {
        %dma_start3A_136 = arith.constant 0 : i32
        %dma_start3A_137 = tpu.memref_slice %arg7[%add3A_122, %dma_start3A_136] : memref<80x125xi32, #tpu.memory_space<vmem>> -> memref<1x125xi32, #tpu.memory_space<vmem>>
        %dma_start3A_138 = tpu.memref_squeeze %dma_start3A_137 : memref<1x125xi32, #tpu.memory_space<vmem>> -> memref<125xi32, #tpu.memory_space<vmem>>
        %dma_start3A_139 = arith.constant 0 : i32
        %dma_start3A_140 = arith.constant 0 : i32
        %dma_start3A_141 = tpu.memref_slice %arg4[%dma_start3A_139, %dma_start3A_140] : memref<10000x64xf32, #tpu.memory_space<hbm>> -> memref<10000x64xf32, #tpu.memory_space<hbm>>
        tpu.enqueue_indirect_dma source(%dma_start3A_141 : memref<10000x64xf32, #tpu.memory_space<hbm>>) target(%arg11 : memref<125x64xf32, #tpu.memory_space<vmem>>) offsets(%dma_start3A_138 : memref<125xi32, #tpu.memory_space<vmem>>) semaphore(%arg16 : memref<!tpu.dma_semaphore, #tpu.memory_space<semaphore_mem>>)
      } else {
      }
    }
    %scan3A_27 = arith.constant 26 : i32
    %dma_wait3A = arith.constant 78 : i32
    %dma_wait3A_28 = arith.constant 0 : i32
    %dma_wait3A_29 = tpu.memref_slice %arg7[%dma_wait3A, %dma_wait3A_28] : memref<80x125xi32, #tpu.memory_space<vmem>> -> memref<1x125xi32, #tpu.memory_space<vmem>>
    %dma_wait3A_30 = tpu.memref_squeeze %dma_wait3A_29 : memref<1x125xi32, #tpu.memory_space<vmem>> -> memref<125xi32, #tpu.memory_space<vmem>>
    %dma_wait3A_31 = arith.constant 0 : i32
    %dma_wait3A_32 = arith.constant 0 : i32
    %dma_wait3A_33 = tpu.memref_slice %arg4[%dma_wait3A_31, %dma_wait3A_32] : memref<10000x64xf32, #tpu.memory_space<hbm>> -> memref<10000x64xf32, #tpu.memory_space<hbm>>
    tpu.wait_indirect_dma semaphore(%arg14 : memref<!tpu.dma_semaphore, #tpu.memory_space<semaphore_mem>>) src(%dma_wait3A_33 : memref<10000x64xf32, #tpu.memory_space<hbm>>) dst(%arg9 : memref<125x64xf32, #tpu.memory_space<vmem>>)
    %run_scoped3A = arith.constant 78 : i32
    "tpu.region"() ({
      %run_scoped3A_43 = tpu.sem_alloc : memref<!tpu.dma_semaphore, #tpu.memory_space<semaphore_mem>>
      %dma_start3A_44 = arith.constant 0 : i32
      %dma_start3A_45 = tpu.memref_slice %arg8[%run_scoped3A, %dma_start3A_44] : memref<80x125xi32, #tpu.memory_space<vmem>> -> memref<1x125xi32, #tpu.memory_space<vmem>>
      %dma_start3A_46 = tpu.memref_squeeze %dma_start3A_45 : memref<1x125xi32, #tpu.memory_space<vmem>> -> memref<125xi32, #tpu.memory_space<vmem>>
      %dma_start3A_47 = arith.constant 0 : i32
      %dma_start3A_48 = arith.constant 0 : i32
      %dma_start3A_49 = tpu.memref_slice %arg13[%dma_start3A_47, %dma_start3A_48] : memref<10240x64xf32, #tpu.memory_space<vmem_shared>> -> memref<10240x64xf32, #tpu.memory_space<vmem_shared>>
      tpu.enqueue_indirect_dma source(%arg9 : memref<125x64xf32, #tpu.memory_space<vmem>>) target(%dma_start3A_49 : memref<10240x64xf32, #tpu.memory_space<vmem_shared>>) offsets(%dma_start3A_46 : memref<125xi32, #tpu.memory_space<vmem>>) semaphore(%run_scoped3A_43 : memref<!tpu.dma_semaphore, #tpu.memory_space<semaphore_mem>>) {add = true}
      %dma_wait3A_50 = arith.constant 0 : i32
      %dma_wait3A_51 = tpu.memref_slice %arg8[%run_scoped3A, %dma_wait3A_50] : memref<80x125xi32, #tpu.memory_space<vmem>> -> memref<1x125xi32, #tpu.memory_space<vmem>>
      %dma_wait3A_52 = tpu.memref_squeeze %dma_wait3A_51 : memref<1x125xi32, #tpu.memory_space<vmem>> -> memref<125xi32, #tpu.memory_space<vmem>>
      %dma_wait3A_53 = arith.constant 0 : i32
      %dma_wait3A_54 = arith.constant 0 : i32
      %dma_wait3A_55 = tpu.memref_slice %arg13[%dma_wait3A_53, %dma_wait3A_54] : memref<10240x64xf32, #tpu.memory_space<vmem_shared>> -> memref<10240x64xf32, #tpu.memory_space<vmem_shared>>
      tpu.wait_indirect_dma semaphore(%run_scoped3A_43 : memref<!tpu.dma_semaphore, #tpu.memory_space<semaphore_mem>>) src(%arg9 : memref<125x64xf32, #tpu.memory_space<vmem>>) dst(%dma_wait3A_55 : memref<10240x64xf32, #tpu.memory_space<vmem_shared>>)
      tpu.yield
    }) : () -> ()
    %dma_wait3A_34 = arith.constant 79 : i32
    %dma_wait3A_35 = arith.constant 0 : i32
    %dma_wait3A_36 = tpu.memref_slice %arg7[%dma_wait3A_34, %dma_wait3A_35] : memref<80x125xi32, #tpu.memory_space<vmem>> -> memref<1x125xi32, #tpu.memory_space<vmem>>
    %dma_wait3A_37 = tpu.memref_squeeze %dma_wait3A_36 : memref<1x125xi32, #tpu.memory_space<vmem>> -> memref<125xi32, #tpu.memory_space<vmem>>
    %dma_wait3A_38 = arith.constant 0 : i32
    %dma_wait3A_39 = arith.constant 0 : i32
    %dma_wait3A_40 = tpu.memref_slice %arg4[%dma_wait3A_38, %dma_wait3A_39] : memref<10000x64xf32, #tpu.memory_space<hbm>> -> memref<10000x64xf32, #tpu.memory_space<hbm>>
    tpu.wait_indirect_dma semaphore(%arg15 : memref<!tpu.dma_semaphore, #tpu.memory_space<semaphore_mem>>) src(%dma_wait3A_40 : memref<10000x64xf32, #tpu.memory_space<hbm>>) dst(%arg10 : memref<125x64xf32, #tpu.memory_space<vmem>>)
    %run_scoped3A_41 = arith.constant 79 : i32
    "tpu.region"() ({
      %run_scoped3A_43 = tpu.sem_alloc : memref<!tpu.dma_semaphore, #tpu.memory_space<semaphore_mem>>
      %dma_start3A_44 = arith.constant 0 : i32
      %dma_start3A_45 = tpu.memref_slice %arg8[%run_scoped3A_41, %dma_start3A_44] : memref<80x125xi32, #tpu.memory_space<vmem>> -> memref<1x125xi32, #tpu.memory_space<vmem>>
      %dma_start3A_46 = tpu.memref_squeeze %dma_start3A_45 : memref<1x125xi32, #tpu.memory_space<vmem>> -> memref<125xi32, #tpu.memory_space<vmem>>
      %dma_start3A_47 = arith.constant 0 : i32
      %dma_start3A_48 = arith.constant 0 : i32
      %dma_start3A_49 = tpu.memref_slice %arg13[%dma_start3A_47, %dma_start3A_48] : memref<10240x64xf32, #tpu.memory_space<vmem_shared>> -> memref<10240x64xf32, #tpu.memory_space<vmem_shared>>
      tpu.enqueue_indirect_dma source(%arg10 : memref<125x64xf32, #tpu.memory_space<vmem>>) target(%dma_start3A_49 : memref<10240x64xf32, #tpu.memory_space<vmem_shared>>) offsets(%dma_start3A_46 : memref<125xi32, #tpu.memory_space<vmem>>) semaphore(%run_scoped3A_43 : memref<!tpu.dma_semaphore, #tpu.memory_space<semaphore_mem>>) {add = true}
      %dma_wait3A_50 = arith.constant 0 : i32
      %dma_wait3A_51 = tpu.memref_slice %arg8[%run_scoped3A_41, %dma_wait3A_50] : memref<80x125xi32, #tpu.memory_space<vmem>> -> memref<1x125xi32, #tpu.memory_space<vmem>>
      %dma_wait3A_52 = tpu.memref_squeeze %dma_wait3A_51 : memref<1x125xi32, #tpu.memory_space<vmem>> -> memref<125xi32, #tpu.memory_space<vmem>>
      %dma_wait3A_53 = arith.constant 0 : i32
      %dma_wait3A_54 = arith.constant 0 : i32
      %dma_wait3A_55 = tpu.memref_slice %arg13[%dma_wait3A_53, %dma_wait3A_54] : memref<10240x64xf32, #tpu.memory_space<vmem_shared>> -> memref<10240x64xf32, #tpu.memory_space<vmem_shared>>
      tpu.wait_indirect_dma semaphore(%run_scoped3A_43 : memref<!tpu.dma_semaphore, #tpu.memory_space<semaphore_mem>>) src(%arg10 : memref<125x64xf32, #tpu.memory_space<vmem>>) dst(%dma_wait3A_55 : memref<10240x64xf32, #tpu.memory_space<vmem_shared>>)
      tpu.yield
    }) : () -> ()
    %barrier3A_42 = arith.constant 0 : index
    tpu.barrier barrier_id(%barrier3A_42)
    "tpu.region"() ({
      %run_scoped3A_43 = tpu.sem_alloc : memref<!tpu.dma_semaphore, #tpu.memory_space<semaphore_mem>>
      %dma_start3A_44 = arith.constant 0 : i32
      %dma_start3A_45 = tpu.memref_slice %arg13[%mul3A_2, %dma_start3A_44] : memref<10240x64xf32, #tpu.memory_space<vmem_shared>> -> memref<640x64xf32, #tpu.memory_space<vmem_shared>>
      %dma_start3A_46 = arith.constant 0 : i32
      %dma_start3A_47 = tpu.memref_slice %arg13[%mul3A_2, %dma_start3A_46] : memref<10240x64xf32, #tpu.memory_space<vmem_shared>> -> memref<640x64xf32, #tpu.memory_space<vmem_shared>>
      tpu.enqueue_dma source(%dma_start3A_47 : memref<640x64xf32, #tpu.memory_space<vmem_shared>>) target(%arg12 : memref<640x64xf32, #tpu.memory_space<vmem>>) target_semaphore(%run_scoped3A_43 : memref<!tpu.dma_semaphore, #tpu.memory_space<semaphore_mem>>)
      %dma_wait3A_48 = arith.constant 0 : i32
      %dma_wait3A_49 = tpu.memref_slice %arg13[%mul3A_2, %dma_wait3A_48] : memref<10240x64xf32, #tpu.memory_space<vmem_shared>> -> memref<640x64xf32, #tpu.memory_space<vmem_shared>>
      %dma_wait3A_50 = arith.constant 0 : i32
      %dma_wait3A_51 = tpu.memref_slice %arg13[%mul3A_2, %dma_wait3A_50] : memref<10240x64xf32, #tpu.memory_space<vmem_shared>> -> memref<640x64xf32, #tpu.memory_space<vmem_shared>>
      tpu.wait_dma2 semaphore(%run_scoped3A_43 : memref<!tpu.dma_semaphore, #tpu.memory_space<semaphore_mem>>) src(%dma_wait3A_51 : memref<640x64xf32, #tpu.memory_space<vmem_shared>>) dst(%arg12 : memref<640x64xf32, #tpu.memory_space<vmem>>)
      tpu.yield
    }) : () -> ()
    "tpu.region"() ({
      %run_scoped3A_43 = tpu.sem_alloc : memref<!tpu.dma_semaphore, #tpu.memory_space<semaphore_mem>>
      %dma_start3A_44 = arith.constant 0 : i32
      %dma_start3A_45 = arith.constant 0 : i32
      %dma_start3A_46 = tpu.memref_slice %arg6[%arg0, %dma_start3A_44, %dma_start3A_45] : memref<2x10240x64xf32, #tpu.memory_space<hbm>> -> memref<1x10240x64xf32, #tpu.memory_space<hbm>>
      %dma_start3A_47 = tpu.memref_squeeze %dma_start3A_46 : memref<1x10240x64xf32, #tpu.memory_space<hbm>> -> memref<10240x64xf32, #tpu.memory_space<hbm>>
      %dma_start3A_48 = arith.constant 0 : i32
      %dma_start3A_49 = tpu.memref_slice %dma_start3A_47[%mul3A_2, %dma_start3A_48] : memref<10240x64xf32, #tpu.memory_space<hbm>> -> memref<640x64xf32, #tpu.memory_space<hbm>>
      %dma_start3A_50 = arith.constant 0 : i32
      %dma_start3A_51 = arith.constant 0 : i32
      %dma_start3A_52 = tpu.memref_slice %arg6[%arg0, %dma_start3A_50, %dma_start3A_51] : memref<2x10240x64xf32, #tpu.memory_space<hbm>> -> memref<1x10240x64xf32, #tpu.memory_space<hbm>>
      %dma_start3A_53 = tpu.memref_squeeze %dma_start3A_52 : memref<1x10240x64xf32, #tpu.memory_space<hbm>> -> memref<10240x64xf32, #tpu.memory_space<hbm>>
      %dma_start3A_54 = arith.constant 0 : i32
      %dma_start3A_55 = tpu.memref_slice %dma_start3A_53[%mul3A_2, %dma_start3A_54] : memref<10240x64xf32, #tpu.memory_space<hbm>> -> memref<640x64xf32, #tpu.memory_space<hbm>>
      tpu.enqueue_dma source(%arg12 : memref<640x64xf32, #tpu.memory_space<vmem>>) target(%dma_start3A_55 : memref<640x64xf32, #tpu.memory_space<hbm>>) target_semaphore(%run_scoped3A_43 : memref<!tpu.dma_semaphore, #tpu.memory_space<semaphore_mem>>)
      %dma_wait3A_56 = arith.constant 0 : i32
      %dma_wait3A_57 = arith.constant 0 : i32
      %dma_wait3A_58 = tpu.memref_slice %arg6[%arg0, %dma_wait3A_56, %dma_wait3A_57] : memref<2x10240x64xf32, #tpu.memory_space<hbm>> -> memref<1x10240x64xf32, #tpu.memory_space<hbm>>
      %dma_wait3A_59 = tpu.memref_squeeze %dma_wait3A_58 : memref<1x10240x64xf32, #tpu.memory_space<hbm>> -> memref<10240x64xf32, #tpu.memory_space<hbm>>
      %dma_wait3A_60 = arith.constant 0 : i32
      %dma_wait3A_61 = tpu.memref_slice %dma_wait3A_59[%mul3A_2, %dma_wait3A_60] : memref<10240x64xf32, #tpu.memory_space<hbm>> -> memref<640x64xf32, #tpu.memory_space<hbm>>
      %dma_wait3A_62 = arith.constant 0 : i32
      %dma_wait3A_63 = arith.constant 0 : i32
      %dma_wait3A_64 = tpu.memref_slice %arg6[%arg0, %dma_wait3A_62, %dma_wait3A_63] : memref<2x10240x64xf32, #tpu.memory_space<hbm>> -> memref<1x10240x64xf32, #tpu.memory_space<hbm>>
      %dma_wait3A_65 = tpu.memref_squeeze %dma_wait3A_64 : memref<1x10240x64xf32, #tpu.memory_space<hbm>> -> memref<10240x64xf32, #tpu.memory_space<hbm>>
      %dma_wait3A_66 = arith.constant 0 : i32
      %dma_wait3A_67 = tpu.memref_slice %dma_wait3A_65[%mul3A_2, %dma_wait3A_66] : memref<10240x64xf32, #tpu.memory_space<hbm>> -> memref<640x64xf32, #tpu.memory_space<hbm>>
      tpu.wait_dma2 semaphore(%run_scoped3A_43 : memref<!tpu.dma_semaphore, #tpu.memory_space<semaphore_mem>>) src(%arg12 : memref<640x64xf32, #tpu.memory_space<vmem>>) dst(%dma_wait3A_67 : memref<640x64xf32, #tpu.memory_space<hbm>>)
      tpu.yield
    }) : () -> ()
    return
  }
}

#map = affine_map<(d0, d1) -> (0, 0, 0)>
#map1 = affine_map<(d0, d1) -> (0, 0)>
module attributes {stable_mosaic.version = 14 : i64} {
  func.func @_edge_call(%arg0: i32, %arg1: i32, %arg2: memref<32x80x125xi32, #tpu.memory_space<hbm>>, %arg3: memref<32x80x125xi32, #tpu.memory_space<hbm>>, %arg4: memref<10000x64xf32, #tpu.memory_space<hbm>>, %arg5: memref<10240x64xf32, #tpu.memory_space<hbm>>, %arg6: memref<2x10240x64xf32, #tpu.memory_space<hbm>>, %arg7: memref<80x125xi32, #tpu.memory_space<vmem>>, %arg8: memref<80x125xi32, #tpu.memory_space<vmem>>, %arg9: memref<125x64xf32, #tpu.memory_space<vmem>>, %arg10: memref<125x64xf32, #tpu.memory_space<vmem>>, %arg11: memref<125x64xf32, #tpu.memory_space<vmem>>, %arg12: memref<640x64xf32, #tpu.memory_space<vmem>>, %arg13: memref<10240x64xf32, #tpu.memory_space<vmem_shared>>, %arg14: memref<!tpu.dma_semaphore, #tpu.memory_space<semaphore_mem>>, %arg15: memref<!tpu.dma_semaphore, #tpu.memory_space<semaphore_mem>>, %arg16: memref<!tpu.dma_semaphore, #tpu.memory_space<semaphore_mem>>, %arg17: memref<!tpu.dma_semaphore, #tpu.memory_space<semaphore_mem>>, %arg18: memref<!tpu.dma_semaphore, #tpu.memory_space<semaphore_mem>>, %arg19: memref<!tpu.dma_semaphore, #tpu.memory_space<semaphore_mem>>) attributes {dimension_semantics = [#tpu.dimension_semantics<core_parallel>, #tpu.dimension_semantics<subcore_parallel>], iteration_bounds = array<i64: 2, 16>, scalar_prefetch = 0 : i64, scratch_operands = 13 : i64, tpu.core_type = #tpu.core_type<sc_vector_subcore>, window_params = [{transform_indices = #map}, {transform_indices = #map}, {transform_indices = #map1}, {transform_indices = #map1}, {transform_indices = #map}]} {
    %mul3A = arith.constant 2 : i32
    %mul3A_0 = arith.muli %arg1, %mul3A : i32
    %add3A = arith.addi %mul3A_0, %arg0 : i32
    %mul3A_1 = arith.constant 640 : i32
    %mul3A_2 = arith.muli %arg1, %mul3A_1 : i32
    "tpu.region"() ({
      %run_scoped3A_43 = tpu.sem_alloc : memref<!tpu.dma_semaphore, #tpu.memory_space<semaphore_mem>>
      %dma_start3A_44 = arith.constant 0 : i32
      %dma_start3A_45 = arith.constant 0 : i32
      %dma_start3A_46 = tpu.memref_slice %arg2[%add3A, %dma_start3A_44, %dma_start3A_45] : memref<32x80x125xi32, #tpu.memory_space<hbm>> -> memref<1x80x125xi32, #tpu.memory_space<hbm>>
      %dma_start3A_47 = tpu.memref_squeeze %dma_start3A_46 : memref<1x80x125xi32, #tpu.memory_space<hbm>> -> memref<80x125xi32, #tpu.memory_space<hbm>>
      %dma_start3A_48 = arith.constant 0 : i32
      %dma_start3A_49 = arith.constant 0 : i32
      %dma_start3A_50 = tpu.memref_slice %arg2[%add3A, %dma_start3A_48, %dma_start3A_49] : memref<32x80x125xi32, #tpu.memory_space<hbm>> -> memref<1x80x125xi32, #tpu.memory_space<hbm>>
      %dma_start3A_51 = tpu.memref_squeeze %dma_start3A_50 : memref<1x80x125xi32, #tpu.memory_space<hbm>> -> memref<80x125xi32, #tpu.memory_space<hbm>>
      tpu.enqueue_dma source(%dma_start3A_51 : memref<80x125xi32, #tpu.memory_space<hbm>>) target(%arg7 : memref<80x125xi32, #tpu.memory_space<vmem>>) target_semaphore(%run_scoped3A_43 : memref<!tpu.dma_semaphore, #tpu.memory_space<semaphore_mem>>)
      %dma_wait3A_52 = arith.constant 0 : i32
      %dma_wait3A_53 = arith.constant 0 : i32
      %dma_wait3A_54 = tpu.memref_slice %arg2[%add3A, %dma_wait3A_52, %dma_wait3A_53] : memref<32x80x125xi32, #tpu.memory_space<hbm>> -> memref<1x80x125xi32, #tpu.memory_space<hbm>>
      %dma_wait3A_55 = tpu.memref_squeeze %dma_wait3A_54 : memref<1x80x125xi32, #tpu.memory_space<hbm>> -> memref<80x125xi32, #tpu.memory_space<hbm>>
      %dma_wait3A_56 = arith.constant 0 : i32
      %dma_wait3A_57 = arith.constant 0 : i32
      %dma_wait3A_58 = tpu.memref_slice %arg2[%add3A, %dma_wait3A_56, %dma_wait3A_57] : memref<32x80x125xi32, #tpu.memory_space<hbm>> -> memref<1x80x125xi32, #tpu.memory_space<hbm>>
      %dma_wait3A_59 = tpu.memref_squeeze %dma_wait3A_58 : memref<1x80x125xi32, #tpu.memory_space<hbm>> -> memref<80x125xi32, #tpu.memory_space<hbm>>
      tpu.wait_dma2 semaphore(%run_scoped3A_43 : memref<!tpu.dma_semaphore, #tpu.memory_space<semaphore_mem>>) src(%dma_wait3A_59 : memref<80x125xi32, #tpu.memory_space<hbm>>) dst(%arg7 : memref<80x125xi32, #tpu.memory_space<vmem>>)
      tpu.yield
    }) : () -> ()
    "tpu.region"() ({
      %run_scoped3A_43 = tpu.sem_alloc : memref<!tpu.dma_semaphore, #tpu.memory_space<semaphore_mem>>
      %dma_start3A_44 = arith.constant 0 : i32
      %dma_start3A_45 = arith.constant 0 : i32
      %dma_start3A_46 = tpu.memref_slice %arg3[%add3A, %dma_start3A_44, %dma_start3A_45] : memref<32x80x125xi32, #tpu.memory_space<hbm>> -> memref<1x80x125xi32, #tpu.memory_space<hbm>>
      %dma_start3A_47 = tpu.memref_squeeze %dma_start3A_46 : memref<1x80x125xi32, #tpu.memory_space<hbm>> -> memref<80x125xi32, #tpu.memory_space<hbm>>
      %dma_start3A_48 = arith.constant 0 : i32
      %dma_start3A_49 = arith.constant 0 : i32
      %dma_start3A_50 = tpu.memref_slice %arg3[%add3A, %dma_start3A_48, %dma_start3A_49] : memref<32x80x125xi32, #tpu.memory_space<hbm>> -> memref<1x80x125xi32, #tpu.memory_space<hbm>>
      %dma_start3A_51 = tpu.memref_squeeze %dma_start3A_50 : memref<1x80x125xi32, #tpu.memory_space<hbm>> -> memref<80x125xi32, #tpu.memory_space<hbm>>
      tpu.enqueue_dma source(%dma_start3A_51 : memref<80x125xi32, #tpu.memory_space<hbm>>) target(%arg8 : memref<80x125xi32, #tpu.memory_space<vmem>>) target_semaphore(%run_scoped3A_43 : memref<!tpu.dma_semaphore, #tpu.memory_space<semaphore_mem>>)
      %dma_wait3A_52 = arith.constant 0 : i32
      %dma_wait3A_53 = arith.constant 0 : i32
      %dma_wait3A_54 = tpu.memref_slice %arg3[%add3A, %dma_wait3A_52, %dma_wait3A_53] : memref<32x80x125xi32, #tpu.memory_space<hbm>> -> memref<1x80x125xi32, #tpu.memory_space<hbm>>
      %dma_wait3A_55 = tpu.memref_squeeze %dma_wait3A_54 : memref<1x80x125xi32, #tpu.memory_space<hbm>> -> memref<80x125xi32, #tpu.memory_space<hbm>>
      %dma_wait3A_56 = arith.constant 0 : i32
      %dma_wait3A_57 = arith.constant 0 : i32
      %dma_wait3A_58 = tpu.memref_slice %arg3[%add3A, %dma_wait3A_56, %dma_wait3A_57] : memref<32x80x125xi32, #tpu.memory_space<hbm>> -> memref<1x80x125xi32, #tpu.memory_space<hbm>>
      %dma_wait3A_59 = tpu.memref_squeeze %dma_wait3A_58 : memref<1x80x125xi32, #tpu.memory_space<hbm>> -> memref<80x125xi32, #tpu.memory_space<hbm>>
      tpu.wait_dma2 semaphore(%run_scoped3A_43 : memref<!tpu.dma_semaphore, #tpu.memory_space<semaphore_mem>>) src(%dma_wait3A_59 : memref<80x125xi32, #tpu.memory_space<hbm>>) dst(%arg8 : memref<80x125xi32, #tpu.memory_space<vmem>>)
      tpu.yield
    }) : () -> ()
    "tpu.region"() ({
      %run_scoped3A_43 = tpu.sem_alloc : memref<!tpu.dma_semaphore, #tpu.memory_space<semaphore_mem>>
      %dma_start3A_44 = arith.constant 0 : i32
      %dma_start3A_45 = tpu.memref_slice %arg5[%mul3A_2, %dma_start3A_44] : memref<10240x64xf32, #tpu.memory_space<hbm>> -> memref<640x64xf32, #tpu.memory_space<hbm>>
      %dma_start3A_46 = arith.constant 0 : i32
      %dma_start3A_47 = tpu.memref_slice %arg5[%mul3A_2, %dma_start3A_46] : memref<10240x64xf32, #tpu.memory_space<hbm>> -> memref<640x64xf32, #tpu.memory_space<hbm>>
      tpu.enqueue_dma source(%dma_start3A_47 : memref<640x64xf32, #tpu.memory_space<hbm>>) target(%arg12 : memref<640x64xf32, #tpu.memory_space<vmem>>) target_semaphore(%run_scoped3A_43 : memref<!tpu.dma_semaphore, #tpu.memory_space<semaphore_mem>>)
      %dma_wait3A_48 = arith.constant 0 : i32
      %dma_wait3A_49 = tpu.memref_slice %arg5[%mul3A_2, %dma_wait3A_48] : memref<10240x64xf32, #tpu.memory_space<hbm>> -> memref<640x64xf32, #tpu.memory_space<hbm>>
      %dma_wait3A_50 = arith.constant 0 : i32
      %dma_wait3A_51 = tpu.memref_slice %arg5[%mul3A_2, %dma_wait3A_50] : memref<10240x64xf32, #tpu.memory_space<hbm>> -> memref<640x64xf32, #tpu.memory_space<hbm>>
      tpu.wait_dma2 semaphore(%run_scoped3A_43 : memref<!tpu.dma_semaphore, #tpu.memory_space<semaphore_mem>>) src(%dma_wait3A_51 : memref<640x64xf32, #tpu.memory_space<hbm>>) dst(%arg12 : memref<640x64xf32, #tpu.memory_space<vmem>>)
      tpu.yield
    }) : () -> ()
    "tpu.region"() ({
      %run_scoped3A_43 = tpu.sem_alloc : memref<!tpu.dma_semaphore, #tpu.memory_space<semaphore_mem>>
      %dma_start3A_44 = arith.constant 0 : i32
      %dma_start3A_45 = tpu.memref_slice %arg13[%mul3A_2, %dma_start3A_44] : memref<10240x64xf32, #tpu.memory_space<vmem_shared>> -> memref<640x64xf32, #tpu.memory_space<vmem_shared>>
      %dma_start3A_46 = arith.constant 0 : i32
      %dma_start3A_47 = tpu.memref_slice %arg13[%mul3A_2, %dma_start3A_46] : memref<10240x64xf32, #tpu.memory_space<vmem_shared>> -> memref<640x64xf32, #tpu.memory_space<vmem_shared>>
      tpu.enqueue_dma source(%arg12 : memref<640x64xf32, #tpu.memory_space<vmem>>) target(%dma_start3A_47 : memref<640x64xf32, #tpu.memory_space<vmem_shared>>) target_semaphore(%run_scoped3A_43 : memref<!tpu.dma_semaphore, #tpu.memory_space<semaphore_mem>>)
      %dma_wait3A_48 = arith.constant 0 : i32
      %dma_wait3A_49 = tpu.memref_slice %arg13[%mul3A_2, %dma_wait3A_48] : memref<10240x64xf32, #tpu.memory_space<vmem_shared>> -> memref<640x64xf32, #tpu.memory_space<vmem_shared>>
      %dma_wait3A_50 = arith.constant 0 : i32
      %dma_wait3A_51 = tpu.memref_slice %arg13[%mul3A_2, %dma_wait3A_50] : memref<10240x64xf32, #tpu.memory_space<vmem_shared>> -> memref<640x64xf32, #tpu.memory_space<vmem_shared>>
      tpu.wait_dma2 semaphore(%run_scoped3A_43 : memref<!tpu.dma_semaphore, #tpu.memory_space<semaphore_mem>>) src(%arg12 : memref<640x64xf32, #tpu.memory_space<vmem>>) dst(%dma_wait3A_51 : memref<640x64xf32, #tpu.memory_space<vmem_shared>>)
      tpu.yield
    }) : () -> ()
    %barrier3A = arith.constant 0 : index
    tpu.barrier barrier_id(%barrier3A)
    %dma_start3A = arith.constant 0 : i32
    %dma_start3A_3 = arith.constant 0 : i32
    %dma_start3A_4 = tpu.memref_slice %arg7[%dma_start3A, %dma_start3A_3] : memref<80x125xi32, #tpu.memory_space<vmem>> -> memref<1x125xi32, #tpu.memory_space<vmem>>
    %dma_start3A_5 = tpu.memref_squeeze %dma_start3A_4 : memref<1x125xi32, #tpu.memory_space<vmem>> -> memref<125xi32, #tpu.memory_space<vmem>>
    %dma_start3A_6 = arith.constant 0 : i32
    %dma_start3A_7 = arith.constant 0 : i32
    %dma_start3A_8 = tpu.memref_slice %arg4[%dma_start3A_6, %dma_start3A_7] : memref<10000x64xf32, #tpu.memory_space<hbm>> -> memref<10000x64xf32, #tpu.memory_space<hbm>>
    tpu.enqueue_indirect_dma source(%dma_start3A_8 : memref<10000x64xf32, #tpu.memory_space<hbm>>) target(%arg9 : memref<125x64xf32, #tpu.memory_space<vmem>>) offsets(%dma_start3A_5 : memref<125xi32, #tpu.memory_space<vmem>>) semaphore(%arg14 : memref<!tpu.dma_semaphore, #tpu.memory_space<semaphore_mem>>)
    %dma_start3A_9 = arith.constant 1 : i32
    %dma_start3A_10 = arith.constant 0 : i32
    %dma_start3A_11 = tpu.memref_slice %arg7[%dma_start3A_9, %dma_start3A_10] : memref<80x125xi32, #tpu.memory_space<vmem>> -> memref<1x125xi32, #tpu.memory_space<vmem>>
    %dma_start3A_12 = tpu.memref_squeeze %dma_start3A_11 : memref<1x125xi32, #tpu.memory_space<vmem>> -> memref<125xi32, #tpu.memory_space<vmem>>
    %dma_start3A_13 = arith.constant 0 : i32
    %dma_start3A_14 = arith.constant 0 : i32
    %dma_start3A_15 = tpu.memref_slice %arg4[%dma_start3A_13, %dma_start3A_14] : memref<10000x64xf32, #tpu.memory_space<hbm>> -> memref<10000x64xf32, #tpu.memory_space<hbm>>
    tpu.enqueue_indirect_dma source(%dma_start3A_15 : memref<10000x64xf32, #tpu.memory_space<hbm>>) target(%arg10 : memref<125x64xf32, #tpu.memory_space<vmem>>) offsets(%dma_start3A_12 : memref<125xi32, #tpu.memory_space<vmem>>) semaphore(%arg15 : memref<!tpu.dma_semaphore, #tpu.memory_space<semaphore_mem>>)
    %dma_start3A_16 = arith.constant 2 : i32
    %dma_start3A_17 = arith.constant 0 : i32
    %dma_start3A_18 = tpu.memref_slice %arg7[%dma_start3A_16, %dma_start3A_17] : memref<80x125xi32, #tpu.memory_space<vmem>> -> memref<1x125xi32, #tpu.memory_space<vmem>>
    %dma_start3A_19 = tpu.memref_squeeze %dma_start3A_18 : memref<1x125xi32, #tpu.memory_space<vmem>> -> memref<125xi32, #tpu.memory_space<vmem>>
    %dma_start3A_20 = arith.constant 0 : i32
    %dma_start3A_21 = arith.constant 0 : i32
    %dma_start3A_22 = tpu.memref_slice %arg4[%dma_start3A_20, %dma_start3A_21] : memref<10000x64xf32, #tpu.memory_space<hbm>> -> memref<10000x64xf32, #tpu.memory_space<hbm>>
    tpu.enqueue_indirect_dma source(%dma_start3A_22 : memref<10000x64xf32, #tpu.memory_space<hbm>>) target(%arg11 : memref<125x64xf32, #tpu.memory_space<vmem>>) offsets(%dma_start3A_19 : memref<125xi32, #tpu.memory_space<vmem>>) semaphore(%arg16 : memref<!tpu.dma_semaphore, #tpu.memory_space<semaphore_mem>>)
    %scan3A = arith.constant 0 : i32
    %scan3A_23 = arith.constant 0 : i32
    %scan3A_24 = arith.constant 26 : i32
    %scan3A_25 = arith.addi %scan3A_23, %scan3A_24 : i32
    %scan3A_26 = arith.constant 1 : i32
    scf.for %scan3A_43 = %scan3A_23 to %scan3A_25 step %scan3A_26  : i32 {
      %mul3A_44 = arith.constant 3 : i32
      %mul3A_45 = arith.muli %scan3A_43, %mul3A_44 : i32
      %add3A_46 = arith.constant 0 : i32
      %add3A_47 = arith.addi %mul3A_45, %add3A_46 : i32
      %dma_wait3A_48 = arith.constant 0 : i32
      %dma_wait3A_49 = tpu.memref_slice %arg7[%add3A_47, %dma_wait3A_48] : memref<80x125xi32, #tpu.memory_space<vmem>> -> memref<1x125xi32, #tpu.memory_space<vmem>>
      %dma_wait3A_50 = tpu.memref_squeeze %dma_wait3A_49 : memref<1x125xi32, #tpu.memory_space<vmem>> -> memref<125xi32, #tpu.memory_space<vmem>>
      %dma_wait3A_51 = arith.constant 0 : i32
      %dma_wait3A_52 = arith.constant 0 : i32
      %dma_wait3A_53 = tpu.memref_slice %arg4[%dma_wait3A_51, %dma_wait3A_52] : memref<10000x64xf32, #tpu.memory_space<hbm>> -> memref<10000x64xf32, #tpu.memory_space<hbm>>
      tpu.wait_indirect_dma semaphore(%arg14 : memref<!tpu.dma_semaphore, #tpu.memory_space<semaphore_mem>>) src(%dma_wait3A_53 : memref<10000x64xf32, #tpu.memory_space<hbm>>) dst(%arg9 : memref<125x64xf32, #tpu.memory_space<vmem>>)
      %dma_start3A_54 = arith.constant 0 : i32
      %dma_start3A_55 = tpu.memref_slice %arg8[%add3A_47, %dma_start3A_54] : memref<80x125xi32, #tpu.memory_space<vmem>> -> memref<1x125xi32, #tpu.memory_space<vmem>>
      %dma_start3A_56 = tpu.memref_squeeze %dma_start3A_55 : memref<1x125xi32, #tpu.memory_space<vmem>> -> memref<125xi32, #tpu.memory_space<vmem>>
      %dma_start3A_57 = arith.constant 0 : i32
      %dma_start3A_58 = arith.constant 0 : i32
      %dma_start3A_59 = tpu.memref_slice %arg13[%dma_start3A_57, %dma_start3A_58] : memref<10240x64xf32, #tpu.memory_space<vmem_shared>> -> memref<10240x64xf32, #tpu.memory_space<vmem_shared>>
      tpu.enqueue_indirect_dma source(%arg9 : memref<125x64xf32, #tpu.memory_space<vmem>>) target(%dma_start3A_59 : memref<10240x64xf32, #tpu.memory_space<vmem_shared>>) offsets(%dma_start3A_56 : memref<125xi32, #tpu.memory_space<vmem>>) semaphore(%arg17 : memref<!tpu.dma_semaphore, #tpu.memory_space<semaphore_mem>>) {add = true}
      %add3A_60 = arith.constant 1 : i32
      %add3A_61 = arith.addi %mul3A_45, %add3A_60 : i32
      %dma_wait3A_62 = arith.constant 0 : i32
      %dma_wait3A_63 = tpu.memref_slice %arg7[%add3A_61, %dma_wait3A_62] : memref<80x125xi32, #tpu.memory_space<vmem>> -> memref<1x125xi32, #tpu.memory_space<vmem>>
      %dma_wait3A_64 = tpu.memref_squeeze %dma_wait3A_63 : memref<1x125xi32, #tpu.memory_space<vmem>> -> memref<125xi32, #tpu.memory_space<vmem>>
      %dma_wait3A_65 = arith.constant 0 : i32
      %dma_wait3A_66 = arith.constant 0 : i32
      %dma_wait3A_67 = tpu.memref_slice %arg4[%dma_wait3A_65, %dma_wait3A_66] : memref<10000x64xf32, #tpu.memory_space<hbm>> -> memref<10000x64xf32, #tpu.memory_space<hbm>>
      tpu.wait_indirect_dma semaphore(%arg15 : memref<!tpu.dma_semaphore, #tpu.memory_space<semaphore_mem>>) src(%dma_wait3A_67 : memref<10000x64xf32, #tpu.memory_space<hbm>>) dst(%arg10 : memref<125x64xf32, #tpu.memory_space<vmem>>)
      %dma_start3A_68 = arith.constant 0 : i32
      %dma_start3A_69 = tpu.memref_slice %arg8[%add3A_61, %dma_start3A_68] : memref<80x125xi32, #tpu.memory_space<vmem>> -> memref<1x125xi32, #tpu.memory_space<vmem>>
      %dma_start3A_70 = tpu.memref_squeeze %dma_start3A_69 : memref<1x125xi32, #tpu.memory_space<vmem>> -> memref<125xi32, #tpu.memory_space<vmem>>
      %dma_start3A_71 = arith.constant 0 : i32
      %dma_start3A_72 = arith.constant 0 : i32
      %dma_start3A_73 = tpu.memref_slice %arg13[%dma_start3A_71, %dma_start3A_72] : memref<10240x64xf32, #tpu.memory_space<vmem_shared>> -> memref<10240x64xf32, #tpu.memory_space<vmem_shared>>
      tpu.enqueue_indirect_dma source(%arg10 : memref<125x64xf32, #tpu.memory_space<vmem>>) target(%dma_start3A_73 : memref<10240x64xf32, #tpu.memory_space<vmem_shared>>) offsets(%dma_start3A_70 : memref<125xi32, #tpu.memory_space<vmem>>) semaphore(%arg18 : memref<!tpu.dma_semaphore, #tpu.memory_space<semaphore_mem>>) {add = true}
      %add3A_74 = arith.constant 2 : i32
      %add3A_75 = arith.addi %mul3A_45, %add3A_74 : i32
      %dma_wait3A_76 = arith.constant 0 : i32
      %dma_wait3A_77 = tpu.memref_slice %arg7[%add3A_75, %dma_wait3A_76] : memref<80x125xi32, #tpu.memory_space<vmem>> -> memref<1x125xi32, #tpu.memory_space<vmem>>
      %dma_wait3A_78 = tpu.memref_squeeze %dma_wait3A_77 : memref<1x125xi32, #tpu.memory_space<vmem>> -> memref<125xi32, #tpu.memory_space<vmem>>
      %dma_wait3A_79 = arith.constant 0 : i32
      %dma_wait3A_80 = arith.constant 0 : i32
      %dma_wait3A_81 = tpu.memref_slice %arg4[%dma_wait3A_79, %dma_wait3A_80] : memref<10000x64xf32, #tpu.memory_space<hbm>> -> memref<10000x64xf32, #tpu.memory_space<hbm>>
      tpu.wait_indirect_dma semaphore(%arg16 : memref<!tpu.dma_semaphore, #tpu.memory_space<semaphore_mem>>) src(%dma_wait3A_81 : memref<10000x64xf32, #tpu.memory_space<hbm>>) dst(%arg11 : memref<125x64xf32, #tpu.memory_space<vmem>>)
      %dma_start3A_82 = arith.constant 0 : i32
      %dma_start3A_83 = tpu.memref_slice %arg8[%add3A_75, %dma_start3A_82] : memref<80x125xi32, #tpu.memory_space<vmem>> -> memref<1x125xi32, #tpu.memory_space<vmem>>
      %dma_start3A_84 = tpu.memref_squeeze %dma_start3A_83 : memref<1x125xi32, #tpu.memory_space<vmem>> -> memref<125xi32, #tpu.memory_space<vmem>>
      %dma_start3A_85 = arith.constant 0 : i32
      %dma_start3A_86 = arith.constant 0 : i32
      %dma_start3A_87 = tpu.memref_slice %arg13[%dma_start3A_85, %dma_start3A_86] : memref<10240x64xf32, #tpu.memory_space<vmem_shared>> -> memref<10240x64xf32, #tpu.memory_space<vmem_shared>>
      tpu.enqueue_indirect_dma source(%arg11 : memref<125x64xf32, #tpu.memory_space<vmem>>) target(%dma_start3A_87 : memref<10240x64xf32, #tpu.memory_space<vmem_shared>>) offsets(%dma_start3A_84 : memref<125xi32, #tpu.memory_space<vmem>>) semaphore(%arg19 : memref<!tpu.dma_semaphore, #tpu.memory_space<semaphore_mem>>) {add = true}
      %add3A_88 = arith.constant 3 : i32
      %add3A_89 = arith.addi %mul3A_45, %add3A_88 : i32
      %add3A_90 = arith.constant 0 : i32
      %add3A_91 = arith.addi %add3A_89, %add3A_90 : i32
      %add3A_92 = arith.constant 0 : i32
      %add3A_93 = arith.addi %mul3A_45, %add3A_92 : i32
      %dma_wait3A_94 = arith.constant 0 : i32
      %dma_wait3A_95 = tpu.memref_slice %arg8[%add3A_93, %dma_wait3A_94] : memref<80x125xi32, #tpu.memory_space<vmem>> -> memref<1x125xi32, #tpu.memory_space<vmem>>
      %dma_wait3A_96 = tpu.memref_squeeze %dma_wait3A_95 : memref<1x125xi32, #tpu.memory_space<vmem>> -> memref<125xi32, #tpu.memory_space<vmem>>
      %dma_wait3A_97 = arith.constant 0 : i32
      %dma_wait3A_98 = arith.constant 0 : i32
      %dma_wait3A_99 = tpu.memref_slice %arg13[%dma_wait3A_97, %dma_wait3A_98] : memref<10240x64xf32, #tpu.memory_space<vmem_shared>> -> memref<10240x64xf32, #tpu.memory_space<vmem_shared>>
      tpu.wait_indirect_dma semaphore(%arg17 : memref<!tpu.dma_semaphore, #tpu.memory_space<semaphore_mem>>) src(%arg9 : memref<125x64xf32, #tpu.memory_space<vmem>>) dst(%dma_wait3A_99 : memref<10240x64xf32, #tpu.memory_space<vmem_shared>>)
      %lt3A = arith.constant 80 : i32
      %lt3A_100 = arith.cmpi slt, %add3A_91, %lt3A : i32
      %convert_element_type3A = arith.extui %lt3A_100 : i1 to i32
      %cond3A = arith.constant 0 : i32
      %cond3A_101 = arith.cmpi ne, %convert_element_type3A, %cond3A : i32
      scf.if %cond3A_101 {
        %dma_start3A_136 = arith.constant 0 : i32
        %dma_start3A_137 = tpu.memref_slice %arg7[%add3A_91, %dma_start3A_136] : memref<80x125xi32, #tpu.memory_space<vmem>> -> memref<1x125xi32, #tpu.memory_space<vmem>>
        %dma_start3A_138 = tpu.memref_squeeze %dma_start3A_137 : memref<1x125xi32, #tpu.memory_space<vmem>> -> memref<125xi32, #tpu.memory_space<vmem>>
        %dma_start3A_139 = arith.constant 0 : i32
        %dma_start3A_140 = arith.constant 0 : i32
        %dma_start3A_141 = tpu.memref_slice %arg4[%dma_start3A_139, %dma_start3A_140] : memref<10000x64xf32, #tpu.memory_space<hbm>> -> memref<10000x64xf32, #tpu.memory_space<hbm>>
        tpu.enqueue_indirect_dma source(%dma_start3A_141 : memref<10000x64xf32, #tpu.memory_space<hbm>>) target(%arg9 : memref<125x64xf32, #tpu.memory_space<vmem>>) offsets(%dma_start3A_138 : memref<125xi32, #tpu.memory_space<vmem>>) semaphore(%arg14 : memref<!tpu.dma_semaphore, #tpu.memory_space<semaphore_mem>>)
      } else {
      }
      %add3A_102 = arith.constant 3 : i32
      %add3A_103 = arith.addi %mul3A_45, %add3A_102 : i32
      %add3A_104 = arith.constant 1 : i32
      %add3A_105 = arith.addi %add3A_103, %add3A_104 : i32
      %add3A_106 = arith.constant 1 : i32
      %add3A_107 = arith.addi %mul3A_45, %add3A_106 : i32
      %dma_wait3A_108 = arith.constant 0 : i32
      %dma_wait3A_109 = tpu.memref_slice %arg8[%add3A_107, %dma_wait3A_108] : memref<80x125xi32, #tpu.memory_space<vmem>> -> memref<1x125xi32, #tpu.memory_space<vmem>>
      %dma_wait3A_110 = tpu.memref_squeeze %dma_wait3A_109 : memref<1x125xi32, #tpu.memory_space<vmem>> -> memref<125xi32, #tpu.memory_space<vmem>>
      %dma_wait3A_111 = arith.constant 0 : i32
      %dma_wait3A_112 = arith.constant 0 : i32
      %dma_wait3A_113 = tpu.memref_slice %arg13[%dma_wait3A_111, %dma_wait3A_112] : memref<10240x64xf32, #tpu.memory_space<vmem_shared>> -> memref<10240x64xf32, #tpu.memory_space<vmem_shared>>
      tpu.wait_indirect_dma semaphore(%arg18 : memref<!tpu.dma_semaphore, #tpu.memory_space<semaphore_mem>>) src(%arg10 : memref<125x64xf32, #tpu.memory_space<vmem>>) dst(%dma_wait3A_113 : memref<10240x64xf32, #tpu.memory_space<vmem_shared>>)
      %lt3A_114 = arith.constant 80 : i32
      %lt3A_115 = arith.cmpi slt, %add3A_105, %lt3A_114 : i32
      %convert_element_type3A_116 = arith.extui %lt3A_115 : i1 to i32
      %cond3A_117 = arith.constant 0 : i32
      %cond3A_118 = arith.cmpi ne, %convert_element_type3A_116, %cond3A_117 : i32
      scf.if %cond3A_118 {
        %dma_start3A_136 = arith.constant 0 : i32
        %dma_start3A_137 = tpu.memref_slice %arg7[%add3A_105, %dma_start3A_136] : memref<80x125xi32, #tpu.memory_space<vmem>> -> memref<1x125xi32, #tpu.memory_space<vmem>>
        %dma_start3A_138 = tpu.memref_squeeze %dma_start3A_137 : memref<1x125xi32, #tpu.memory_space<vmem>> -> memref<125xi32, #tpu.memory_space<vmem>>
        %dma_start3A_139 = arith.constant 0 : i32
        %dma_start3A_140 = arith.constant 0 : i32
        %dma_start3A_141 = tpu.memref_slice %arg4[%dma_start3A_139, %dma_start3A_140] : memref<10000x64xf32, #tpu.memory_space<hbm>> -> memref<10000x64xf32, #tpu.memory_space<hbm>>
        tpu.enqueue_indirect_dma source(%dma_start3A_141 : memref<10000x64xf32, #tpu.memory_space<hbm>>) target(%arg10 : memref<125x64xf32, #tpu.memory_space<vmem>>) offsets(%dma_start3A_138 : memref<125xi32, #tpu.memory_space<vmem>>) semaphore(%arg15 : memref<!tpu.dma_semaphore, #tpu.memory_space<semaphore_mem>>)
      } else {
      }
      %add3A_119 = arith.constant 3 : i32
      %add3A_120 = arith.addi %mul3A_45, %add3A_119 : i32
      %add3A_121 = arith.constant 2 : i32
      %add3A_122 = arith.addi %add3A_120, %add3A_121 : i32
      %add3A_123 = arith.constant 2 : i32
      %add3A_124 = arith.addi %mul3A_45, %add3A_123 : i32
      %dma_wait3A_125 = arith.constant 0 : i32
      %dma_wait3A_126 = tpu.memref_slice %arg8[%add3A_124, %dma_wait3A_125] : memref<80x125xi32, #tpu.memory_space<vmem>> -> memref<1x125xi32, #tpu.memory_space<vmem>>
      %dma_wait3A_127 = tpu.memref_squeeze %dma_wait3A_126 : memref<1x125xi32, #tpu.memory_space<vmem>> -> memref<125xi32, #tpu.memory_space<vmem>>
      %dma_wait3A_128 = arith.constant 0 : i32
      %dma_wait3A_129 = arith.constant 0 : i32
      %dma_wait3A_130 = tpu.memref_slice %arg13[%dma_wait3A_128, %dma_wait3A_129] : memref<10240x64xf32, #tpu.memory_space<vmem_shared>> -> memref<10240x64xf32, #tpu.memory_space<vmem_shared>>
      tpu.wait_indirect_dma semaphore(%arg19 : memref<!tpu.dma_semaphore, #tpu.memory_space<semaphore_mem>>) src(%arg11 : memref<125x64xf32, #tpu.memory_space<vmem>>) dst(%dma_wait3A_130 : memref<10240x64xf32, #tpu.memory_space<vmem_shared>>)
      %lt3A_131 = arith.constant 80 : i32
      %lt3A_132 = arith.cmpi slt, %add3A_122, %lt3A_131 : i32
      %convert_element_type3A_133 = arith.extui %lt3A_132 : i1 to i32
      %cond3A_134 = arith.constant 0 : i32
      %cond3A_135 = arith.cmpi ne, %convert_element_type3A_133, %cond3A_134 : i32
      scf.if %cond3A_135 {
        %dma_start3A_136 = arith.constant 0 : i32
        %dma_start3A_137 = tpu.memref_slice %arg7[%add3A_122, %dma_start3A_136] : memref<80x125xi32, #tpu.memory_space<vmem>> -> memref<1x125xi32, #tpu.memory_space<vmem>>
        %dma_start3A_138 = tpu.memref_squeeze %dma_start3A_137 : memref<1x125xi32, #tpu.memory_space<vmem>> -> memref<125xi32, #tpu.memory_space<vmem>>
        %dma_start3A_139 = arith.constant 0 : i32
        %dma_start3A_140 = arith.constant 0 : i32
        %dma_start3A_141 = tpu.memref_slice %arg4[%dma_start3A_139, %dma_start3A_140] : memref<10000x64xf32, #tpu.memory_space<hbm>> -> memref<10000x64xf32, #tpu.memory_space<hbm>>
        tpu.enqueue_indirect_dma source(%dma_start3A_141 : memref<10000x64xf32, #tpu.memory_space<hbm>>) target(%arg11 : memref<125x64xf32, #tpu.memory_space<vmem>>) offsets(%dma_start3A_138 : memref<125xi32, #tpu.memory_space<vmem>>) semaphore(%arg16 : memref<!tpu.dma_semaphore, #tpu.memory_space<semaphore_mem>>)
      } else {
      }
    }
    %scan3A_27 = arith.constant 26 : i32
    %dma_wait3A = arith.constant 78 : i32
    %dma_wait3A_28 = arith.constant 0 : i32
    %dma_wait3A_29 = tpu.memref_slice %arg7[%dma_wait3A, %dma_wait3A_28] : memref<80x125xi32, #tpu.memory_space<vmem>> -> memref<1x125xi32, #tpu.memory_space<vmem>>
    %dma_wait3A_30 = tpu.memref_squeeze %dma_wait3A_29 : memref<1x125xi32, #tpu.memory_space<vmem>> -> memref<125xi32, #tpu.memory_space<vmem>>
    %dma_wait3A_31 = arith.constant 0 : i32
    %dma_wait3A_32 = arith.constant 0 : i32
    %dma_wait3A_33 = tpu.memref_slice %arg4[%dma_wait3A_31, %dma_wait3A_32] : memref<10000x64xf32, #tpu.memory_space<hbm>> -> memref<10000x64xf32, #tpu.memory_space<hbm>>
    tpu.wait_indirect_dma semaphore(%arg14 : memref<!tpu.dma_semaphore, #tpu.memory_space<semaphore_mem>>) src(%dma_wait3A_33 : memref<10000x64xf32, #tpu.memory_space<hbm>>) dst(%arg9 : memref<125x64xf32, #tpu.memory_space<vmem>>)
    %run_scoped3A = arith.constant 78 : i32
    "tpu.region"() ({
      %run_scoped3A_43 = tpu.sem_alloc : memref<!tpu.dma_semaphore, #tpu.memory_space<semaphore_mem>>
      %dma_start3A_44 = arith.constant 0 : i32
      %dma_start3A_45 = tpu.memref_slice %arg8[%run_scoped3A, %dma_start3A_44] : memref<80x125xi32, #tpu.memory_space<vmem>> -> memref<1x125xi32, #tpu.memory_space<vmem>>
      %dma_start3A_46 = tpu.memref_squeeze %dma_start3A_45 : memref<1x125xi32, #tpu.memory_space<vmem>> -> memref<125xi32, #tpu.memory_space<vmem>>
      %dma_start3A_47 = arith.constant 0 : i32
      %dma_start3A_48 = arith.constant 0 : i32
      %dma_start3A_49 = tpu.memref_slice %arg13[%dma_start3A_47, %dma_start3A_48] : memref<10240x64xf32, #tpu.memory_space<vmem_shared>> -> memref<10240x64xf32, #tpu.memory_space<vmem_shared>>
      tpu.enqueue_indirect_dma source(%arg9 : memref<125x64xf32, #tpu.memory_space<vmem>>) target(%dma_start3A_49 : memref<10240x64xf32, #tpu.memory_space<vmem_shared>>) offsets(%dma_start3A_46 : memref<125xi32, #tpu.memory_space<vmem>>) semaphore(%run_scoped3A_43 : memref<!tpu.dma_semaphore, #tpu.memory_space<semaphore_mem>>) {add = true}
      %dma_wait3A_50 = arith.constant 0 : i32
      %dma_wait3A_51 = tpu.memref_slice %arg8[%run_scoped3A, %dma_wait3A_50] : memref<80x125xi32, #tpu.memory_space<vmem>> -> memref<1x125xi32, #tpu.memory_space<vmem>>
      %dma_wait3A_52 = tpu.memref_squeeze %dma_wait3A_51 : memref<1x125xi32, #tpu.memory_space<vmem>> -> memref<125xi32, #tpu.memory_space<vmem>>
      %dma_wait3A_53 = arith.constant 0 : i32
      %dma_wait3A_54 = arith.constant 0 : i32
      %dma_wait3A_55 = tpu.memref_slice %arg13[%dma_wait3A_53, %dma_wait3A_54] : memref<10240x64xf32, #tpu.memory_space<vmem_shared>> -> memref<10240x64xf32, #tpu.memory_space<vmem_shared>>
      tpu.wait_indirect_dma semaphore(%run_scoped3A_43 : memref<!tpu.dma_semaphore, #tpu.memory_space<semaphore_mem>>) src(%arg9 : memref<125x64xf32, #tpu.memory_space<vmem>>) dst(%dma_wait3A_55 : memref<10240x64xf32, #tpu.memory_space<vmem_shared>>)
      tpu.yield
    }) : () -> ()
    %dma_wait3A_34 = arith.constant 79 : i32
    %dma_wait3A_35 = arith.constant 0 : i32
    %dma_wait3A_36 = tpu.memref_slice %arg7[%dma_wait3A_34, %dma_wait3A_35] : memref<80x125xi32, #tpu.memory_space<vmem>> -> memref<1x125xi32, #tpu.memory_space<vmem>>
    %dma_wait3A_37 = tpu.memref_squeeze %dma_wait3A_36 : memref<1x125xi32, #tpu.memory_space<vmem>> -> memref<125xi32, #tpu.memory_space<vmem>>
    %dma_wait3A_38 = arith.constant 0 : i32
    %dma_wait3A_39 = arith.constant 0 : i32
    %dma_wait3A_40 = tpu.memref_slice %arg4[%dma_wait3A_38, %dma_wait3A_39] : memref<10000x64xf32, #tpu.memory_space<hbm>> -> memref<10000x64xf32, #tpu.memory_space<hbm>>
    tpu.wait_indirect_dma semaphore(%arg15 : memref<!tpu.dma_semaphore, #tpu.memory_space<semaphore_mem>>) src(%dma_wait3A_40 : memref<10000x64xf32, #tpu.memory_space<hbm>>) dst(%arg10 : memref<125x64xf32, #tpu.memory_space<vmem>>)
    %run_scoped3A_41 = arith.constant 79 : i32
    "tpu.region"() ({
      %run_scoped3A_43 = tpu.sem_alloc : memref<!tpu.dma_semaphore, #tpu.memory_space<semaphore_mem>>
      %dma_start3A_44 = arith.constant 0 : i32
      %dma_start3A_45 = tpu.memref_slice %arg8[%run_scoped3A_41, %dma_start3A_44] : memref<80x125xi32, #tpu.memory_space<vmem>> -> memref<1x125xi32, #tpu.memory_space<vmem>>
      %dma_start3A_46 = tpu.memref_squeeze %dma_start3A_45 : memref<1x125xi32, #tpu.memory_space<vmem>> -> memref<125xi32, #tpu.memory_space<vmem>>
      %dma_start3A_47 = arith.constant 0 : i32
      %dma_start3A_48 = arith.constant 0 : i32
      %dma_start3A_49 = tpu.memref_slice %arg13[%dma_start3A_47, %dma_start3A_48] : memref<10240x64xf32, #tpu.memory_space<vmem_shared>> -> memref<10240x64xf32, #tpu.memory_space<vmem_shared>>
      tpu.enqueue_indirect_dma source(%arg10 : memref<125x64xf32, #tpu.memory_space<vmem>>) target(%dma_start3A_49 : memref<10240x64xf32, #tpu.memory_space<vmem_shared>>) offsets(%dma_start3A_46 : memref<125xi32, #tpu.memory_space<vmem>>) semaphore(%run_scoped3A_43 : memref<!tpu.dma_semaphore, #tpu.memory_space<semaphore_mem>>) {add = true}
      %dma_wait3A_50 = arith.constant 0 : i32
      %dma_wait3A_51 = tpu.memref_slice %arg8[%run_scoped3A_41, %dma_wait3A_50] : memref<80x125xi32, #tpu.memory_space<vmem>> -> memref<1x125xi32, #tpu.memory_space<vmem>>
      %dma_wait3A_52 = tpu.memref_squeeze %dma_wait3A_51 : memref<1x125xi32, #tpu.memory_space<vmem>> -> memref<125xi32, #tpu.memory_space<vmem>>
      %dma_wait3A_53 = arith.constant 0 : i32
      %dma_wait3A_54 = arith.constant 0 : i32
      %dma_wait3A_55 = tpu.memref_slice %arg13[%dma_wait3A_53, %dma_wait3A_54] : memref<10240x64xf32, #tpu.memory_space<vmem_shared>> -> memref<10240x64xf32, #tpu.memory_space<vmem_shared>>
      tpu.wait_indirect_dma semaphore(%run_scoped3A_43 : memref<!tpu.dma_semaphore, #tpu.memory_space<semaphore_mem>>) src(%arg10 : memref<125x64xf32, #tpu.memory_space<vmem>>) dst(%dma_wait3A_55 : memref<10240x64xf32, #tpu.memory_space<vmem_shared>>)
      tpu.yield
    }) : () -> ()
    %barrier3A_42 = arith.constant 0 : index
    tpu.barrier barrier_id(%barrier3A_42)
    "tpu.region"() ({
      %run_scoped3A_43 = tpu.sem_alloc : memref<!tpu.dma_semaphore, #tpu.memory_space<semaphore_mem>>
      %dma_start3A_44 = arith.constant 0 : i32
      %dma_start3A_45 = tpu.memref_slice %arg13[%mul3A_2, %dma_start3A_44] : memref<10240x64xf32, #tpu.memory_space<vmem_shared>> -> memref<640x64xf32, #tpu.memory_space<vmem_shared>>
      %dma_start3A_46 = arith.constant 0 : i32
      %dma_start3A_47 = tpu.memref_slice %arg13[%mul3A_2, %dma_start3A_46] : memref<10240x64xf32, #tpu.memory_space<vmem_shared>> -> memref<640x64xf32, #tpu.memory_space<vmem_shared>>
      tpu.enqueue_dma source(%dma_start3A_47 : memref<640x64xf32, #tpu.memory_space<vmem_shared>>) target(%arg12 : memref<640x64xf32, #tpu.memory_space<vmem>>) target_semaphore(%run_scoped3A_43 : memref<!tpu.dma_semaphore, #tpu.memory_space<semaphore_mem>>)
      %dma_wait3A_48 = arith.constant 0 : i32
      %dma_wait3A_49 = tpu.memref_slice %arg13[%mul3A_2, %dma_wait3A_48] : memref<10240x64xf32, #tpu.memory_space<vmem_shared>> -> memref<640x64xf32, #tpu.memory_space<vmem_shared>>
      %dma_wait3A_50 = arith.constant 0 : i32
      %dma_wait3A_51 = tpu.memref_slice %arg13[%mul3A_2, %dma_wait3A_50] : memref<10240x64xf32, #tpu.memory_space<vmem_shared>> -> memref<640x64xf32, #tpu.memory_space<vmem_shared>>
      tpu.wait_dma2 semaphore(%run_scoped3A_43 : memref<!tpu.dma_semaphore, #tpu.memory_space<semaphore_mem>>) src(%dma_wait3A_51 : memref<640x64xf32, #tpu.memory_space<vmem_shared>>) dst(%arg12 : memref<640x64xf32, #tpu.memory_space<vmem>>)
      tpu.yield
    }) : () -> ()
    "tpu.region"() ({
      %run_scoped3A_43 = tpu.sem_alloc : memref<!tpu.dma_semaphore, #tpu.memory_space<semaphore_mem>>
      %dma_start3A_44 = arith.constant 0 : i32
      %dma_start3A_45 = arith.constant 0 : i32
      %dma_start3A_46 = tpu.memref_slice %arg6[%arg0, %dma_start3A_44, %dma_start3A_45] : memref<2x10240x64xf32, #tpu.memory_space<hbm>> -> memref<1x10240x64xf32, #tpu.memory_space<hbm>>
      %dma_start3A_47 = tpu.memref_squeeze %dma_start3A_46 : memref<1x10240x64xf32, #tpu.memory_space<hbm>> -> memref<10240x64xf32, #tpu.memory_space<hbm>>
      %dma_start3A_48 = arith.constant 0 : i32
      %dma_start3A_49 = tpu.memref_slice %dma_start3A_47[%mul3A_2, %dma_start3A_48] : memref<10240x64xf32, #tpu.memory_space<hbm>> -> memref<640x64xf32, #tpu.memory_space<hbm>>
      %dma_start3A_50 = arith.constant 0 : i32
      %dma_start3A_51 = arith.constant 0 : i32
      %dma_start3A_52 = tpu.memref_slice %arg6[%arg0, %dma_start3A_50, %dma_start3A_51] : memref<2x10240x64xf32, #tpu.memory_space<hbm>> -> memref<1x10240x64xf32, #tpu.memory_space<hbm>>
      %dma_start3A_53 = tpu.memref_squeeze %dma_start3A_52 : memref<1x10240x64xf32, #tpu.memory_space<hbm>> -> memref<10240x64xf32, #tpu.memory_space<hbm>>
      %dma_start3A_54 = arith.constant 0 : i32
      %dma_start3A_55 = tpu.memref_slice %dma_start3A_53[%mul3A_2, %dma_start3A_54] : memref<10240x64xf32, #tpu.memory_space<hbm>> -> memref<640x64xf32, #tpu.memory_space<hbm>>
      tpu.enqueue_dma source(%arg12 : memref<640x64xf32, #tpu.memory_space<vmem>>) target(%dma_start3A_55 : memref<640x64xf32, #tpu.memory_space<hbm>>) target_semaphore(%run_scoped3A_43 : memref<!tpu.dma_semaphore, #tpu.memory_space<semaphore_mem>>)
      %dma_wait3A_56 = arith.constant 0 : i32
      %dma_wait3A_57 = arith.constant 0 : i32
      %dma_wait3A_58 = tpu.memref_slice %arg6[%arg0, %dma_wait3A_56, %dma_wait3A_57] : memref<2x10240x64xf32, #tpu.memory_space<hbm>> -> memref<1x10240x64xf32, #tpu.memory_space<hbm>>
      %dma_wait3A_59 = tpu.memref_squeeze %dma_wait3A_58 : memref<1x10240x64xf32, #tpu.memory_space<hbm>> -> memref<10240x64xf32, #tpu.memory_space<hbm>>
      %dma_wait3A_60 = arith.constant 0 : i32
      %dma_wait3A_61 = tpu.memref_slice %dma_wait3A_59[%mul3A_2, %dma_wait3A_60] : memref<10240x64xf32, #tpu.memory_space<hbm>> -> memref<640x64xf32, #tpu.memory_space<hbm>>
      %dma_wait3A_62 = arith.constant 0 : i32
      %dma_wait3A_63 = arith.constant 0 : i32
      %dma_wait3A_64 = tpu.memref_slice %arg6[%arg0, %dma_wait3A_62, %dma_wait3A_63] : memref<2x10240x64xf32, #tpu.memory_space<hbm>> -> memref<1x10240x64xf32, #tpu.memory_space<hbm>>
      %dma_wait3A_65 = tpu.memref_squeeze %dma_wait3A_64 : memref<1x10240x64xf32, #tpu.memory_space<hbm>> -> memref<10240x64xf32, #tpu.memory_space<hbm>>
      %dma_wait3A_66 = arith.constant 0 : i32
      %dma_wait3A_67 = tpu.memref_slice %dma_wait3A_65[%mul3A_2, %dma_wait3A_66] : memref<10240x64xf32, #tpu.memory_space<hbm>> -> memref<640x64xf32, #tpu.memory_space<hbm>>
      tpu.wait_dma2 semaphore(%run_scoped3A_43 : memref<!tpu.dma_semaphore, #tpu.memory_space<semaphore_mem>>) src(%arg12 : memref<640x64xf32, #tpu.memory_space<vmem>>) dst(%dma_wait3A_67 : memref<640x64xf32, #tpu.memory_space<hbm>>)
      tpu.yield
    }) : () -> ()
    return
  }
}

#map = affine_map<(d0, d1) -> (0, 0, 0)>
#map1 = affine_map<(d0, d1) -> (0, 0)>
module attributes {stable_mosaic.version = 14 : i64} {
  func.func @_edge_call(%arg0: i32, %arg1: i32, %arg2: memref<32x80x125xi32, #tpu.memory_space<hbm>>, %arg3: memref<32x80x125xi32, #tpu.memory_space<hbm>>, %arg4: memref<10000x64xf32, #tpu.memory_space<hbm>>, %arg5: memref<10240x64xf32, #tpu.memory_space<hbm>>, %arg6: memref<2x10240x64xf32, #tpu.memory_space<hbm>>, %arg7: memref<80x125xi32, #tpu.memory_space<vmem>>, %arg8: memref<80x125xi32, #tpu.memory_space<vmem>>, %arg9: memref<125x64xf32, #tpu.memory_space<vmem>>, %arg10: memref<125x64xf32, #tpu.memory_space<vmem>>, %arg11: memref<125x64xf32, #tpu.memory_space<vmem>>, %arg12: memref<640x64xf32, #tpu.memory_space<vmem>>, %arg13: memref<10240x64xf32, #tpu.memory_space<vmem_shared>>, %arg14: memref<!tpu.dma_semaphore, #tpu.memory_space<semaphore_mem>>, %arg15: memref<!tpu.dma_semaphore, #tpu.memory_space<semaphore_mem>>, %arg16: memref<!tpu.dma_semaphore, #tpu.memory_space<semaphore_mem>>, %arg17: memref<!tpu.dma_semaphore, #tpu.memory_space<semaphore_mem>>, %arg18: memref<!tpu.dma_semaphore, #tpu.memory_space<semaphore_mem>>, %arg19: memref<!tpu.dma_semaphore, #tpu.memory_space<semaphore_mem>>) attributes {dimension_semantics = [#tpu.dimension_semantics<core_parallel>, #tpu.dimension_semantics<subcore_parallel>], iteration_bounds = array<i64: 2, 16>, scalar_prefetch = 0 : i64, scratch_operands = 13 : i64, tpu.core_type = #tpu.core_type<sc_vector_subcore>, window_params = [{transform_indices = #map}, {transform_indices = #map}, {transform_indices = #map1}, {transform_indices = #map1}, {transform_indices = #map}]} {
    %mul3A = arith.constant 2 : i32
    %mul3A_0 = arith.muli %arg1, %mul3A : i32
    %add3A = arith.addi %mul3A_0, %arg0 : i32
    %mul3A_1 = arith.constant 640 : i32
    %mul3A_2 = arith.muli %arg1, %mul3A_1 : i32
    "tpu.region"() ({
      %run_scoped3A_43 = tpu.sem_alloc : memref<!tpu.dma_semaphore, #tpu.memory_space<semaphore_mem>>
      %dma_start3A_44 = arith.constant 0 : i32
      %dma_start3A_45 = arith.constant 0 : i32
      %dma_start3A_46 = tpu.memref_slice %arg2[%add3A, %dma_start3A_44, %dma_start3A_45] : memref<32x80x125xi32, #tpu.memory_space<hbm>> -> memref<1x80x125xi32, #tpu.memory_space<hbm>>
      %dma_start3A_47 = tpu.memref_squeeze %dma_start3A_46 : memref<1x80x125xi32, #tpu.memory_space<hbm>> -> memref<80x125xi32, #tpu.memory_space<hbm>>
      %dma_start3A_48 = arith.constant 0 : i32
      %dma_start3A_49 = arith.constant 0 : i32
      %dma_start3A_50 = tpu.memref_slice %arg2[%add3A, %dma_start3A_48, %dma_start3A_49] : memref<32x80x125xi32, #tpu.memory_space<hbm>> -> memref<1x80x125xi32, #tpu.memory_space<hbm>>
      %dma_start3A_51 = tpu.memref_squeeze %dma_start3A_50 : memref<1x80x125xi32, #tpu.memory_space<hbm>> -> memref<80x125xi32, #tpu.memory_space<hbm>>
      tpu.enqueue_dma source(%dma_start3A_51 : memref<80x125xi32, #tpu.memory_space<hbm>>) target(%arg7 : memref<80x125xi32, #tpu.memory_space<vmem>>) target_semaphore(%run_scoped3A_43 : memref<!tpu.dma_semaphore, #tpu.memory_space<semaphore_mem>>)
      %dma_wait3A_52 = arith.constant 0 : i32
      %dma_wait3A_53 = arith.constant 0 : i32
      %dma_wait3A_54 = tpu.memref_slice %arg2[%add3A, %dma_wait3A_52, %dma_wait3A_53] : memref<32x80x125xi32, #tpu.memory_space<hbm>> -> memref<1x80x125xi32, #tpu.memory_space<hbm>>
      %dma_wait3A_55 = tpu.memref_squeeze %dma_wait3A_54 : memref<1x80x125xi32, #tpu.memory_space<hbm>> -> memref<80x125xi32, #tpu.memory_space<hbm>>
      %dma_wait3A_56 = arith.constant 0 : i32
      %dma_wait3A_57 = arith.constant 0 : i32
      %dma_wait3A_58 = tpu.memref_slice %arg2[%add3A, %dma_wait3A_56, %dma_wait3A_57] : memref<32x80x125xi32, #tpu.memory_space<hbm>> -> memref<1x80x125xi32, #tpu.memory_space<hbm>>
      %dma_wait3A_59 = tpu.memref_squeeze %dma_wait3A_58 : memref<1x80x125xi32, #tpu.memory_space<hbm>> -> memref<80x125xi32, #tpu.memory_space<hbm>>
      tpu.wait_dma2 semaphore(%run_scoped3A_43 : memref<!tpu.dma_semaphore, #tpu.memory_space<semaphore_mem>>) src(%dma_wait3A_59 : memref<80x125xi32, #tpu.memory_space<hbm>>) dst(%arg7 : memref<80x125xi32, #tpu.memory_space<vmem>>)
      tpu.yield
    }) : () -> ()
    "tpu.region"() ({
      %run_scoped3A_43 = tpu.sem_alloc : memref<!tpu.dma_semaphore, #tpu.memory_space<semaphore_mem>>
      %dma_start3A_44 = arith.constant 0 : i32
      %dma_start3A_45 = arith.constant 0 : i32
      %dma_start3A_46 = tpu.memref_slice %arg3[%add3A, %dma_start3A_44, %dma_start3A_45] : memref<32x80x125xi32, #tpu.memory_space<hbm>> -> memref<1x80x125xi32, #tpu.memory_space<hbm>>
      %dma_start3A_47 = tpu.memref_squeeze %dma_start3A_46 : memref<1x80x125xi32, #tpu.memory_space<hbm>> -> memref<80x125xi32, #tpu.memory_space<hbm>>
      %dma_start3A_48 = arith.constant 0 : i32
      %dma_start3A_49 = arith.constant 0 : i32
      %dma_start3A_50 = tpu.memref_slice %arg3[%add3A, %dma_start3A_48, %dma_start3A_49] : memref<32x80x125xi32, #tpu.memory_space<hbm>> -> memref<1x80x125xi32, #tpu.memory_space<hbm>>
      %dma_start3A_51 = tpu.memref_squeeze %dma_start3A_50 : memref<1x80x125xi32, #tpu.memory_space<hbm>> -> memref<80x125xi32, #tpu.memory_space<hbm>>
      tpu.enqueue_dma source(%dma_start3A_51 : memref<80x125xi32, #tpu.memory_space<hbm>>) target(%arg8 : memref<80x125xi32, #tpu.memory_space<vmem>>) target_semaphore(%run_scoped3A_43 : memref<!tpu.dma_semaphore, #tpu.memory_space<semaphore_mem>>)
      %dma_wait3A_52 = arith.constant 0 : i32
      %dma_wait3A_53 = arith.constant 0 : i32
      %dma_wait3A_54 = tpu.memref_slice %arg3[%add3A, %dma_wait3A_52, %dma_wait3A_53] : memref<32x80x125xi32, #tpu.memory_space<hbm>> -> memref<1x80x125xi32, #tpu.memory_space<hbm>>
      %dma_wait3A_55 = tpu.memref_squeeze %dma_wait3A_54 : memref<1x80x125xi32, #tpu.memory_space<hbm>> -> memref<80x125xi32, #tpu.memory_space<hbm>>
      %dma_wait3A_56 = arith.constant 0 : i32
      %dma_wait3A_57 = arith.constant 0 : i32
      %dma_wait3A_58 = tpu.memref_slice %arg3[%add3A, %dma_wait3A_56, %dma_wait3A_57] : memref<32x80x125xi32, #tpu.memory_space<hbm>> -> memref<1x80x125xi32, #tpu.memory_space<hbm>>
      %dma_wait3A_59 = tpu.memref_squeeze %dma_wait3A_58 : memref<1x80x125xi32, #tpu.memory_space<hbm>> -> memref<80x125xi32, #tpu.memory_space<hbm>>
      tpu.wait_dma2 semaphore(%run_scoped3A_43 : memref<!tpu.dma_semaphore, #tpu.memory_space<semaphore_mem>>) src(%dma_wait3A_59 : memref<80x125xi32, #tpu.memory_space<hbm>>) dst(%arg8 : memref<80x125xi32, #tpu.memory_space<vmem>>)
      tpu.yield
    }) : () -> ()
    "tpu.region"() ({
      %run_scoped3A_43 = tpu.sem_alloc : memref<!tpu.dma_semaphore, #tpu.memory_space<semaphore_mem>>
      %dma_start3A_44 = arith.constant 0 : i32
      %dma_start3A_45 = tpu.memref_slice %arg5[%mul3A_2, %dma_start3A_44] : memref<10240x64xf32, #tpu.memory_space<hbm>> -> memref<640x64xf32, #tpu.memory_space<hbm>>
      %dma_start3A_46 = arith.constant 0 : i32
      %dma_start3A_47 = tpu.memref_slice %arg5[%mul3A_2, %dma_start3A_46] : memref<10240x64xf32, #tpu.memory_space<hbm>> -> memref<640x64xf32, #tpu.memory_space<hbm>>
      tpu.enqueue_dma source(%dma_start3A_47 : memref<640x64xf32, #tpu.memory_space<hbm>>) target(%arg12 : memref<640x64xf32, #tpu.memory_space<vmem>>) target_semaphore(%run_scoped3A_43 : memref<!tpu.dma_semaphore, #tpu.memory_space<semaphore_mem>>)
      %dma_wait3A_48 = arith.constant 0 : i32
      %dma_wait3A_49 = tpu.memref_slice %arg5[%mul3A_2, %dma_wait3A_48] : memref<10240x64xf32, #tpu.memory_space<hbm>> -> memref<640x64xf32, #tpu.memory_space<hbm>>
      %dma_wait3A_50 = arith.constant 0 : i32
      %dma_wait3A_51 = tpu.memref_slice %arg5[%mul3A_2, %dma_wait3A_50] : memref<10240x64xf32, #tpu.memory_space<hbm>> -> memref<640x64xf32, #tpu.memory_space<hbm>>
      tpu.wait_dma2 semaphore(%run_scoped3A_43 : memref<!tpu.dma_semaphore, #tpu.memory_space<semaphore_mem>>) src(%dma_wait3A_51 : memref<640x64xf32, #tpu.memory_space<hbm>>) dst(%arg12 : memref<640x64xf32, #tpu.memory_space<vmem>>)
      tpu.yield
    }) : () -> ()
    "tpu.region"() ({
      %run_scoped3A_43 = tpu.sem_alloc : memref<!tpu.dma_semaphore, #tpu.memory_space<semaphore_mem>>
      %dma_start3A_44 = arith.constant 0 : i32
      %dma_start3A_45 = tpu.memref_slice %arg13[%mul3A_2, %dma_start3A_44] : memref<10240x64xf32, #tpu.memory_space<vmem_shared>> -> memref<640x64xf32, #tpu.memory_space<vmem_shared>>
      %dma_start3A_46 = arith.constant 0 : i32
      %dma_start3A_47 = tpu.memref_slice %arg13[%mul3A_2, %dma_start3A_46] : memref<10240x64xf32, #tpu.memory_space<vmem_shared>> -> memref<640x64xf32, #tpu.memory_space<vmem_shared>>
      tpu.enqueue_dma source(%arg12 : memref<640x64xf32, #tpu.memory_space<vmem>>) target(%dma_start3A_47 : memref<640x64xf32, #tpu.memory_space<vmem_shared>>) target_semaphore(%run_scoped3A_43 : memref<!tpu.dma_semaphore, #tpu.memory_space<semaphore_mem>>)
      %dma_wait3A_48 = arith.constant 0 : i32
      %dma_wait3A_49 = tpu.memref_slice %arg13[%mul3A_2, %dma_wait3A_48] : memref<10240x64xf32, #tpu.memory_space<vmem_shared>> -> memref<640x64xf32, #tpu.memory_space<vmem_shared>>
      %dma_wait3A_50 = arith.constant 0 : i32
      %dma_wait3A_51 = tpu.memref_slice %arg13[%mul3A_2, %dma_wait3A_50] : memref<10240x64xf32, #tpu.memory_space<vmem_shared>> -> memref<640x64xf32, #tpu.memory_space<vmem_shared>>
      tpu.wait_dma2 semaphore(%run_scoped3A_43 : memref<!tpu.dma_semaphore, #tpu.memory_space<semaphore_mem>>) src(%arg12 : memref<640x64xf32, #tpu.memory_space<vmem>>) dst(%dma_wait3A_51 : memref<640x64xf32, #tpu.memory_space<vmem_shared>>)
      tpu.yield
    }) : () -> ()
    %barrier3A = arith.constant 0 : index
    tpu.barrier barrier_id(%barrier3A)
    %dma_start3A = arith.constant 0 : i32
    %dma_start3A_3 = arith.constant 0 : i32
    %dma_start3A_4 = tpu.memref_slice %arg7[%dma_start3A, %dma_start3A_3] : memref<80x125xi32, #tpu.memory_space<vmem>> -> memref<1x125xi32, #tpu.memory_space<vmem>>
    %dma_start3A_5 = tpu.memref_squeeze %dma_start3A_4 : memref<1x125xi32, #tpu.memory_space<vmem>> -> memref<125xi32, #tpu.memory_space<vmem>>
    %dma_start3A_6 = arith.constant 0 : i32
    %dma_start3A_7 = arith.constant 0 : i32
    %dma_start3A_8 = tpu.memref_slice %arg4[%dma_start3A_6, %dma_start3A_7] : memref<10000x64xf32, #tpu.memory_space<hbm>> -> memref<10000x64xf32, #tpu.memory_space<hbm>>
    tpu.enqueue_indirect_dma source(%dma_start3A_8 : memref<10000x64xf32, #tpu.memory_space<hbm>>) target(%arg9 : memref<125x64xf32, #tpu.memory_space<vmem>>) offsets(%dma_start3A_5 : memref<125xi32, #tpu.memory_space<vmem>>) semaphore(%arg14 : memref<!tpu.dma_semaphore, #tpu.memory_space<semaphore_mem>>)
    %dma_start3A_9 = arith.constant 1 : i32
    %dma_start3A_10 = arith.constant 0 : i32
    %dma_start3A_11 = tpu.memref_slice %arg7[%dma_start3A_9, %dma_start3A_10] : memref<80x125xi32, #tpu.memory_space<vmem>> -> memref<1x125xi32, #tpu.memory_space<vmem>>
    %dma_start3A_12 = tpu.memref_squeeze %dma_start3A_11 : memref<1x125xi32, #tpu.memory_space<vmem>> -> memref<125xi32, #tpu.memory_space<vmem>>
    %dma_start3A_13 = arith.constant 0 : i32
    %dma_start3A_14 = arith.constant 0 : i32
    %dma_start3A_15 = tpu.memref_slice %arg4[%dma_start3A_13, %dma_start3A_14] : memref<10000x64xf32, #tpu.memory_space<hbm>> -> memref<10000x64xf32, #tpu.memory_space<hbm>>
    tpu.enqueue_indirect_dma source(%dma_start3A_15 : memref<10000x64xf32, #tpu.memory_space<hbm>>) target(%arg10 : memref<125x64xf32, #tpu.memory_space<vmem>>) offsets(%dma_start3A_12 : memref<125xi32, #tpu.memory_space<vmem>>) semaphore(%arg15 : memref<!tpu.dma_semaphore, #tpu.memory_space<semaphore_mem>>)
    %dma_start3A_16 = arith.constant 2 : i32
    %dma_start3A_17 = arith.constant 0 : i32
    %dma_start3A_18 = tpu.memref_slice %arg7[%dma_start3A_16, %dma_start3A_17] : memref<80x125xi32, #tpu.memory_space<vmem>> -> memref<1x125xi32, #tpu.memory_space<vmem>>
    %dma_start3A_19 = tpu.memref_squeeze %dma_start3A_18 : memref<1x125xi32, #tpu.memory_space<vmem>> -> memref<125xi32, #tpu.memory_space<vmem>>
    %dma_start3A_20 = arith.constant 0 : i32
    %dma_start3A_21 = arith.constant 0 : i32
    %dma_start3A_22 = tpu.memref_slice %arg4[%dma_start3A_20, %dma_start3A_21] : memref<10000x64xf32, #tpu.memory_space<hbm>> -> memref<10000x64xf32, #tpu.memory_space<hbm>>
    tpu.enqueue_indirect_dma source(%dma_start3A_22 : memref<10000x64xf32, #tpu.memory_space<hbm>>) target(%arg11 : memref<125x64xf32, #tpu.memory_space<vmem>>) offsets(%dma_start3A_19 : memref<125xi32, #tpu.memory_space<vmem>>) semaphore(%arg16 : memref<!tpu.dma_semaphore, #tpu.memory_space<semaphore_mem>>)
    %scan3A = arith.constant 0 : i32
    %scan3A_23 = arith.constant 0 : i32
    %scan3A_24 = arith.constant 26 : i32
    %scan3A_25 = arith.addi %scan3A_23, %scan3A_24 : i32
    %scan3A_26 = arith.constant 1 : i32
    scf.for %scan3A_43 = %scan3A_23 to %scan3A_25 step %scan3A_26  : i32 {
      %mul3A_44 = arith.constant 3 : i32
      %mul3A_45 = arith.muli %scan3A_43, %mul3A_44 : i32
      %add3A_46 = arith.constant 0 : i32
      %add3A_47 = arith.addi %mul3A_45, %add3A_46 : i32
      %dma_wait3A_48 = arith.constant 0 : i32
      %dma_wait3A_49 = tpu.memref_slice %arg7[%add3A_47, %dma_wait3A_48] : memref<80x125xi32, #tpu.memory_space<vmem>> -> memref<1x125xi32, #tpu.memory_space<vmem>>
      %dma_wait3A_50 = tpu.memref_squeeze %dma_wait3A_49 : memref<1x125xi32, #tpu.memory_space<vmem>> -> memref<125xi32, #tpu.memory_space<vmem>>
      %dma_wait3A_51 = arith.constant 0 : i32
      %dma_wait3A_52 = arith.constant 0 : i32
      %dma_wait3A_53 = tpu.memref_slice %arg4[%dma_wait3A_51, %dma_wait3A_52] : memref<10000x64xf32, #tpu.memory_space<hbm>> -> memref<10000x64xf32, #tpu.memory_space<hbm>>
      tpu.wait_indirect_dma semaphore(%arg14 : memref<!tpu.dma_semaphore, #tpu.memory_space<semaphore_mem>>) src(%dma_wait3A_53 : memref<10000x64xf32, #tpu.memory_space<hbm>>) dst(%arg9 : memref<125x64xf32, #tpu.memory_space<vmem>>)
      %dma_start3A_54 = arith.constant 0 : i32
      %dma_start3A_55 = tpu.memref_slice %arg8[%add3A_47, %dma_start3A_54] : memref<80x125xi32, #tpu.memory_space<vmem>> -> memref<1x125xi32, #tpu.memory_space<vmem>>
      %dma_start3A_56 = tpu.memref_squeeze %dma_start3A_55 : memref<1x125xi32, #tpu.memory_space<vmem>> -> memref<125xi32, #tpu.memory_space<vmem>>
      %dma_start3A_57 = arith.constant 0 : i32
      %dma_start3A_58 = arith.constant 0 : i32
      %dma_start3A_59 = tpu.memref_slice %arg13[%dma_start3A_57, %dma_start3A_58] : memref<10240x64xf32, #tpu.memory_space<vmem_shared>> -> memref<10240x64xf32, #tpu.memory_space<vmem_shared>>
      tpu.enqueue_indirect_dma source(%arg9 : memref<125x64xf32, #tpu.memory_space<vmem>>) target(%dma_start3A_59 : memref<10240x64xf32, #tpu.memory_space<vmem_shared>>) offsets(%dma_start3A_56 : memref<125xi32, #tpu.memory_space<vmem>>) semaphore(%arg17 : memref<!tpu.dma_semaphore, #tpu.memory_space<semaphore_mem>>) {add = true}
      %add3A_60 = arith.constant 1 : i32
      %add3A_61 = arith.addi %mul3A_45, %add3A_60 : i32
      %dma_wait3A_62 = arith.constant 0 : i32
      %dma_wait3A_63 = tpu.memref_slice %arg7[%add3A_61, %dma_wait3A_62] : memref<80x125xi32, #tpu.memory_space<vmem>> -> memref<1x125xi32, #tpu.memory_space<vmem>>
      %dma_wait3A_64 = tpu.memref_squeeze %dma_wait3A_63 : memref<1x125xi32, #tpu.memory_space<vmem>> -> memref<125xi32, #tpu.memory_space<vmem>>
      %dma_wait3A_65 = arith.constant 0 : i32
      %dma_wait3A_66 = arith.constant 0 : i32
      %dma_wait3A_67 = tpu.memref_slice %arg4[%dma_wait3A_65, %dma_wait3A_66] : memref<10000x64xf32, #tpu.memory_space<hbm>> -> memref<10000x64xf32, #tpu.memory_space<hbm>>
      tpu.wait_indirect_dma semaphore(%arg15 : memref<!tpu.dma_semaphore, #tpu.memory_space<semaphore_mem>>) src(%dma_wait3A_67 : memref<10000x64xf32, #tpu.memory_space<hbm>>) dst(%arg10 : memref<125x64xf32, #tpu.memory_space<vmem>>)
      %dma_start3A_68 = arith.constant 0 : i32
      %dma_start3A_69 = tpu.memref_slice %arg8[%add3A_61, %dma_start3A_68] : memref<80x125xi32, #tpu.memory_space<vmem>> -> memref<1x125xi32, #tpu.memory_space<vmem>>
      %dma_start3A_70 = tpu.memref_squeeze %dma_start3A_69 : memref<1x125xi32, #tpu.memory_space<vmem>> -> memref<125xi32, #tpu.memory_space<vmem>>
      %dma_start3A_71 = arith.constant 0 : i32
      %dma_start3A_72 = arith.constant 0 : i32
      %dma_start3A_73 = tpu.memref_slice %arg13[%dma_start3A_71, %dma_start3A_72] : memref<10240x64xf32, #tpu.memory_space<vmem_shared>> -> memref<10240x64xf32, #tpu.memory_space<vmem_shared>>
      tpu.enqueue_indirect_dma source(%arg10 : memref<125x64xf32, #tpu.memory_space<vmem>>) target(%dma_start3A_73 : memref<10240x64xf32, #tpu.memory_space<vmem_shared>>) offsets(%dma_start3A_70 : memref<125xi32, #tpu.memory_space<vmem>>) semaphore(%arg18 : memref<!tpu.dma_semaphore, #tpu.memory_space<semaphore_mem>>) {add = true}
      %add3A_74 = arith.constant 2 : i32
      %add3A_75 = arith.addi %mul3A_45, %add3A_74 : i32
      %dma_wait3A_76 = arith.constant 0 : i32
      %dma_wait3A_77 = tpu.memref_slice %arg7[%add3A_75, %dma_wait3A_76] : memref<80x125xi32, #tpu.memory_space<vmem>> -> memref<1x125xi32, #tpu.memory_space<vmem>>
      %dma_wait3A_78 = tpu.memref_squeeze %dma_wait3A_77 : memref<1x125xi32, #tpu.memory_space<vmem>> -> memref<125xi32, #tpu.memory_space<vmem>>
      %dma_wait3A_79 = arith.constant 0 : i32
      %dma_wait3A_80 = arith.constant 0 : i32
      %dma_wait3A_81 = tpu.memref_slice %arg4[%dma_wait3A_79, %dma_wait3A_80] : memref<10000x64xf32, #tpu.memory_space<hbm>> -> memref<10000x64xf32, #tpu.memory_space<hbm>>
      tpu.wait_indirect_dma semaphore(%arg16 : memref<!tpu.dma_semaphore, #tpu.memory_space<semaphore_mem>>) src(%dma_wait3A_81 : memref<10000x64xf32, #tpu.memory_space<hbm>>) dst(%arg11 : memref<125x64xf32, #tpu.memory_space<vmem>>)
      %dma_start3A_82 = arith.constant 0 : i32
      %dma_start3A_83 = tpu.memref_slice %arg8[%add3A_75, %dma_start3A_82] : memref<80x125xi32, #tpu.memory_space<vmem>> -> memref<1x125xi32, #tpu.memory_space<vmem>>
      %dma_start3A_84 = tpu.memref_squeeze %dma_start3A_83 : memref<1x125xi32, #tpu.memory_space<vmem>> -> memref<125xi32, #tpu.memory_space<vmem>>
      %dma_start3A_85 = arith.constant 0 : i32
      %dma_start3A_86 = arith.constant 0 : i32
      %dma_start3A_87 = tpu.memref_slice %arg13[%dma_start3A_85, %dma_start3A_86] : memref<10240x64xf32, #tpu.memory_space<vmem_shared>> -> memref<10240x64xf32, #tpu.memory_space<vmem_shared>>
      tpu.enqueue_indirect_dma source(%arg11 : memref<125x64xf32, #tpu.memory_space<vmem>>) target(%dma_start3A_87 : memref<10240x64xf32, #tpu.memory_space<vmem_shared>>) offsets(%dma_start3A_84 : memref<125xi32, #tpu.memory_space<vmem>>) semaphore(%arg19 : memref<!tpu.dma_semaphore, #tpu.memory_space<semaphore_mem>>) {add = true}
      %add3A_88 = arith.constant 3 : i32
      %add3A_89 = arith.addi %mul3A_45, %add3A_88 : i32
      %add3A_90 = arith.constant 0 : i32
      %add3A_91 = arith.addi %add3A_89, %add3A_90 : i32
      %add3A_92 = arith.constant 0 : i32
      %add3A_93 = arith.addi %mul3A_45, %add3A_92 : i32
      %dma_wait3A_94 = arith.constant 0 : i32
      %dma_wait3A_95 = tpu.memref_slice %arg8[%add3A_93, %dma_wait3A_94] : memref<80x125xi32, #tpu.memory_space<vmem>> -> memref<1x125xi32, #tpu.memory_space<vmem>>
      %dma_wait3A_96 = tpu.memref_squeeze %dma_wait3A_95 : memref<1x125xi32, #tpu.memory_space<vmem>> -> memref<125xi32, #tpu.memory_space<vmem>>
      %dma_wait3A_97 = arith.constant 0 : i32
      %dma_wait3A_98 = arith.constant 0 : i32
      %dma_wait3A_99 = tpu.memref_slice %arg13[%dma_wait3A_97, %dma_wait3A_98] : memref<10240x64xf32, #tpu.memory_space<vmem_shared>> -> memref<10240x64xf32, #tpu.memory_space<vmem_shared>>
      tpu.wait_indirect_dma semaphore(%arg17 : memref<!tpu.dma_semaphore, #tpu.memory_space<semaphore_mem>>) src(%arg9 : memref<125x64xf32, #tpu.memory_space<vmem>>) dst(%dma_wait3A_99 : memref<10240x64xf32, #tpu.memory_space<vmem_shared>>)
      %lt3A = arith.constant 80 : i32
      %lt3A_100 = arith.cmpi slt, %add3A_91, %lt3A : i32
      %convert_element_type3A = arith.extui %lt3A_100 : i1 to i32
      %cond3A = arith.constant 0 : i32
      %cond3A_101 = arith.cmpi ne, %convert_element_type3A, %cond3A : i32
      scf.if %cond3A_101 {
        %dma_start3A_136 = arith.constant 0 : i32
        %dma_start3A_137 = tpu.memref_slice %arg7[%add3A_91, %dma_start3A_136] : memref<80x125xi32, #tpu.memory_space<vmem>> -> memref<1x125xi32, #tpu.memory_space<vmem>>
        %dma_start3A_138 = tpu.memref_squeeze %dma_start3A_137 : memref<1x125xi32, #tpu.memory_space<vmem>> -> memref<125xi32, #tpu.memory_space<vmem>>
        %dma_start3A_139 = arith.constant 0 : i32
        %dma_start3A_140 = arith.constant 0 : i32
        %dma_start3A_141 = tpu.memref_slice %arg4[%dma_start3A_139, %dma_start3A_140] : memref<10000x64xf32, #tpu.memory_space<hbm>> -> memref<10000x64xf32, #tpu.memory_space<hbm>>
        tpu.enqueue_indirect_dma source(%dma_start3A_141 : memref<10000x64xf32, #tpu.memory_space<hbm>>) target(%arg9 : memref<125x64xf32, #tpu.memory_space<vmem>>) offsets(%dma_start3A_138 : memref<125xi32, #tpu.memory_space<vmem>>) semaphore(%arg14 : memref<!tpu.dma_semaphore, #tpu.memory_space<semaphore_mem>>)
      } else {
      }
      %add3A_102 = arith.constant 3 : i32
      %add3A_103 = arith.addi %mul3A_45, %add3A_102 : i32
      %add3A_104 = arith.constant 1 : i32
      %add3A_105 = arith.addi %add3A_103, %add3A_104 : i32
      %add3A_106 = arith.constant 1 : i32
      %add3A_107 = arith.addi %mul3A_45, %add3A_106 : i32
      %dma_wait3A_108 = arith.constant 0 : i32
      %dma_wait3A_109 = tpu.memref_slice %arg8[%add3A_107, %dma_wait3A_108] : memref<80x125xi32, #tpu.memory_space<vmem>> -> memref<1x125xi32, #tpu.memory_space<vmem>>
      %dma_wait3A_110 = tpu.memref_squeeze %dma_wait3A_109 : memref<1x125xi32, #tpu.memory_space<vmem>> -> memref<125xi32, #tpu.memory_space<vmem>>
      %dma_wait3A_111 = arith.constant 0 : i32
      %dma_wait3A_112 = arith.constant 0 : i32
      %dma_wait3A_113 = tpu.memref_slice %arg13[%dma_wait3A_111, %dma_wait3A_112] : memref<10240x64xf32, #tpu.memory_space<vmem_shared>> -> memref<10240x64xf32, #tpu.memory_space<vmem_shared>>
      tpu.wait_indirect_dma semaphore(%arg18 : memref<!tpu.dma_semaphore, #tpu.memory_space<semaphore_mem>>) src(%arg10 : memref<125x64xf32, #tpu.memory_space<vmem>>) dst(%dma_wait3A_113 : memref<10240x64xf32, #tpu.memory_space<vmem_shared>>)
      %lt3A_114 = arith.constant 80 : i32
      %lt3A_115 = arith.cmpi slt, %add3A_105, %lt3A_114 : i32
      %convert_element_type3A_116 = arith.extui %lt3A_115 : i1 to i32
      %cond3A_117 = arith.constant 0 : i32
      %cond3A_118 = arith.cmpi ne, %convert_element_type3A_116, %cond3A_117 : i32
      scf.if %cond3A_118 {
        %dma_start3A_136 = arith.constant 0 : i32
        %dma_start3A_137 = tpu.memref_slice %arg7[%add3A_105, %dma_start3A_136] : memref<80x125xi32, #tpu.memory_space<vmem>> -> memref<1x125xi32, #tpu.memory_space<vmem>>
        %dma_start3A_138 = tpu.memref_squeeze %dma_start3A_137 : memref<1x125xi32, #tpu.memory_space<vmem>> -> memref<125xi32, #tpu.memory_space<vmem>>
        %dma_start3A_139 = arith.constant 0 : i32
        %dma_start3A_140 = arith.constant 0 : i32
        %dma_start3A_141 = tpu.memref_slice %arg4[%dma_start3A_139, %dma_start3A_140] : memref<10000x64xf32, #tpu.memory_space<hbm>> -> memref<10000x64xf32, #tpu.memory_space<hbm>>
        tpu.enqueue_indirect_dma source(%dma_start3A_141 : memref<10000x64xf32, #tpu.memory_space<hbm>>) target(%arg10 : memref<125x64xf32, #tpu.memory_space<vmem>>) offsets(%dma_start3A_138 : memref<125xi32, #tpu.memory_space<vmem>>) semaphore(%arg15 : memref<!tpu.dma_semaphore, #tpu.memory_space<semaphore_mem>>)
      } else {
      }
      %add3A_119 = arith.constant 3 : i32
      %add3A_120 = arith.addi %mul3A_45, %add3A_119 : i32
      %add3A_121 = arith.constant 2 : i32
      %add3A_122 = arith.addi %add3A_120, %add3A_121 : i32
      %add3A_123 = arith.constant 2 : i32
      %add3A_124 = arith.addi %mul3A_45, %add3A_123 : i32
      %dma_wait3A_125 = arith.constant 0 : i32
      %dma_wait3A_126 = tpu.memref_slice %arg8[%add3A_124, %dma_wait3A_125] : memref<80x125xi32, #tpu.memory_space<vmem>> -> memref<1x125xi32, #tpu.memory_space<vmem>>
      %dma_wait3A_127 = tpu.memref_squeeze %dma_wait3A_126 : memref<1x125xi32, #tpu.memory_space<vmem>> -> memref<125xi32, #tpu.memory_space<vmem>>
      %dma_wait3A_128 = arith.constant 0 : i32
      %dma_wait3A_129 = arith.constant 0 : i32
      %dma_wait3A_130 = tpu.memref_slice %arg13[%dma_wait3A_128, %dma_wait3A_129] : memref<10240x64xf32, #tpu.memory_space<vmem_shared>> -> memref<10240x64xf32, #tpu.memory_space<vmem_shared>>
      tpu.wait_indirect_dma semaphore(%arg19 : memref<!tpu.dma_semaphore, #tpu.memory_space<semaphore_mem>>) src(%arg11 : memref<125x64xf32, #tpu.memory_space<vmem>>) dst(%dma_wait3A_130 : memref<10240x64xf32, #tpu.memory_space<vmem_shared>>)
      %lt3A_131 = arith.constant 80 : i32
      %lt3A_132 = arith.cmpi slt, %add3A_122, %lt3A_131 : i32
      %convert_element_type3A_133 = arith.extui %lt3A_132 : i1 to i32
      %cond3A_134 = arith.constant 0 : i32
      %cond3A_135 = arith.cmpi ne, %convert_element_type3A_133, %cond3A_134 : i32
      scf.if %cond3A_135 {
        %dma_start3A_136 = arith.constant 0 : i32
        %dma_start3A_137 = tpu.memref_slice %arg7[%add3A_122, %dma_start3A_136] : memref<80x125xi32, #tpu.memory_space<vmem>> -> memref<1x125xi32, #tpu.memory_space<vmem>>
        %dma_start3A_138 = tpu.memref_squeeze %dma_start3A_137 : memref<1x125xi32, #tpu.memory_space<vmem>> -> memref<125xi32, #tpu.memory_space<vmem>>
        %dma_start3A_139 = arith.constant 0 : i32
        %dma_start3A_140 = arith.constant 0 : i32
        %dma_start3A_141 = tpu.memref_slice %arg4[%dma_start3A_139, %dma_start3A_140] : memref<10000x64xf32, #tpu.memory_space<hbm>> -> memref<10000x64xf32, #tpu.memory_space<hbm>>
        tpu.enqueue_indirect_dma source(%dma_start3A_141 : memref<10000x64xf32, #tpu.memory_space<hbm>>) target(%arg11 : memref<125x64xf32, #tpu.memory_space<vmem>>) offsets(%dma_start3A_138 : memref<125xi32, #tpu.memory_space<vmem>>) semaphore(%arg16 : memref<!tpu.dma_semaphore, #tpu.memory_space<semaphore_mem>>)
      } else {
      }
    }
    %scan3A_27 = arith.constant 26 : i32
    %dma_wait3A = arith.constant 78 : i32
    %dma_wait3A_28 = arith.constant 0 : i32
    %dma_wait3A_29 = tpu.memref_slice %arg7[%dma_wait3A, %dma_wait3A_28] : memref<80x125xi32, #tpu.memory_space<vmem>> -> memref<1x125xi32, #tpu.memory_space<vmem>>
    %dma_wait3A_30 = tpu.memref_squeeze %dma_wait3A_29 : memref<1x125xi32, #tpu.memory_space<vmem>> -> memref<125xi32, #tpu.memory_space<vmem>>
    %dma_wait3A_31 = arith.constant 0 : i32
    %dma_wait3A_32 = arith.constant 0 : i32
    %dma_wait3A_33 = tpu.memref_slice %arg4[%dma_wait3A_31, %dma_wait3A_32] : memref<10000x64xf32, #tpu.memory_space<hbm>> -> memref<10000x64xf32, #tpu.memory_space<hbm>>
    tpu.wait_indirect_dma semaphore(%arg14 : memref<!tpu.dma_semaphore, #tpu.memory_space<semaphore_mem>>) src(%dma_wait3A_33 : memref<10000x64xf32, #tpu.memory_space<hbm>>) dst(%arg9 : memref<125x64xf32, #tpu.memory_space<vmem>>)
    %run_scoped3A = arith.constant 78 : i32
    "tpu.region"() ({
      %run_scoped3A_43 = tpu.sem_alloc : memref<!tpu.dma_semaphore, #tpu.memory_space<semaphore_mem>>
      %dma_start3A_44 = arith.constant 0 : i32
      %dma_start3A_45 = tpu.memref_slice %arg8[%run_scoped3A, %dma_start3A_44] : memref<80x125xi32, #tpu.memory_space<vmem>> -> memref<1x125xi32, #tpu.memory_space<vmem>>
      %dma_start3A_46 = tpu.memref_squeeze %dma_start3A_45 : memref<1x125xi32, #tpu.memory_space<vmem>> -> memref<125xi32, #tpu.memory_space<vmem>>
      %dma_start3A_47 = arith.constant 0 : i32
      %dma_start3A_48 = arith.constant 0 : i32
      %dma_start3A_49 = tpu.memref_slice %arg13[%dma_start3A_47, %dma_start3A_48] : memref<10240x64xf32, #tpu.memory_space<vmem_shared>> -> memref<10240x64xf32, #tpu.memory_space<vmem_shared>>
      tpu.enqueue_indirect_dma source(%arg9 : memref<125x64xf32, #tpu.memory_space<vmem>>) target(%dma_start3A_49 : memref<10240x64xf32, #tpu.memory_space<vmem_shared>>) offsets(%dma_start3A_46 : memref<125xi32, #tpu.memory_space<vmem>>) semaphore(%run_scoped3A_43 : memref<!tpu.dma_semaphore, #tpu.memory_space<semaphore_mem>>) {add = true}
      %dma_wait3A_50 = arith.constant 0 : i32
      %dma_wait3A_51 = tpu.memref_slice %arg8[%run_scoped3A, %dma_wait3A_50] : memref<80x125xi32, #tpu.memory_space<vmem>> -> memref<1x125xi32, #tpu.memory_space<vmem>>
      %dma_wait3A_52 = tpu.memref_squeeze %dma_wait3A_51 : memref<1x125xi32, #tpu.memory_space<vmem>> -> memref<125xi32, #tpu.memory_space<vmem>>
      %dma_wait3A_53 = arith.constant 0 : i32
      %dma_wait3A_54 = arith.constant 0 : i32
      %dma_wait3A_55 = tpu.memref_slice %arg13[%dma_wait3A_53, %dma_wait3A_54] : memref<10240x64xf32, #tpu.memory_space<vmem_shared>> -> memref<10240x64xf32, #tpu.memory_space<vmem_shared>>
      tpu.wait_indirect_dma semaphore(%run_scoped3A_43 : memref<!tpu.dma_semaphore, #tpu.memory_space<semaphore_mem>>) src(%arg9 : memref<125x64xf32, #tpu.memory_space<vmem>>) dst(%dma_wait3A_55 : memref<10240x64xf32, #tpu.memory_space<vmem_shared>>)
      tpu.yield
    }) : () -> ()
    %dma_wait3A_34 = arith.constant 79 : i32
    %dma_wait3A_35 = arith.constant 0 : i32
    %dma_wait3A_36 = tpu.memref_slice %arg7[%dma_wait3A_34, %dma_wait3A_35] : memref<80x125xi32, #tpu.memory_space<vmem>> -> memref<1x125xi32, #tpu.memory_space<vmem>>
    %dma_wait3A_37 = tpu.memref_squeeze %dma_wait3A_36 : memref<1x125xi32, #tpu.memory_space<vmem>> -> memref<125xi32, #tpu.memory_space<vmem>>
    %dma_wait3A_38 = arith.constant 0 : i32
    %dma_wait3A_39 = arith.constant 0 : i32
    %dma_wait3A_40 = tpu.memref_slice %arg4[%dma_wait3A_38, %dma_wait3A_39] : memref<10000x64xf32, #tpu.memory_space<hbm>> -> memref<10000x64xf32, #tpu.memory_space<hbm>>
    tpu.wait_indirect_dma semaphore(%arg15 : memref<!tpu.dma_semaphore, #tpu.memory_space<semaphore_mem>>) src(%dma_wait3A_40 : memref<10000x64xf32, #tpu.memory_space<hbm>>) dst(%arg10 : memref<125x64xf32, #tpu.memory_space<vmem>>)
    %run_scoped3A_41 = arith.constant 79 : i32
    "tpu.region"() ({
      %run_scoped3A_43 = tpu.sem_alloc : memref<!tpu.dma_semaphore, #tpu.memory_space<semaphore_mem>>
      %dma_start3A_44 = arith.constant 0 : i32
      %dma_start3A_45 = tpu.memref_slice %arg8[%run_scoped3A_41, %dma_start3A_44] : memref<80x125xi32, #tpu.memory_space<vmem>> -> memref<1x125xi32, #tpu.memory_space<vmem>>
      %dma_start3A_46 = tpu.memref_squeeze %dma_start3A_45 : memref<1x125xi32, #tpu.memory_space<vmem>> -> memref<125xi32, #tpu.memory_space<vmem>>
      %dma_start3A_47 = arith.constant 0 : i32
      %dma_start3A_48 = arith.constant 0 : i32
      %dma_start3A_49 = tpu.memref_slice %arg13[%dma_start3A_47, %dma_start3A_48] : memref<10240x64xf32, #tpu.memory_space<vmem_shared>> -> memref<10240x64xf32, #tpu.memory_space<vmem_shared>>
      tpu.enqueue_indirect_dma source(%arg10 : memref<125x64xf32, #tpu.memory_space<vmem>>) target(%dma_start3A_49 : memref<10240x64xf32, #tpu.memory_space<vmem_shared>>) offsets(%dma_start3A_46 : memref<125xi32, #tpu.memory_space<vmem>>) semaphore(%run_scoped3A_43 : memref<!tpu.dma_semaphore, #tpu.memory_space<semaphore_mem>>) {add = true}
      %dma_wait3A_50 = arith.constant 0 : i32
      %dma_wait3A_51 = tpu.memref_slice %arg8[%run_scoped3A_41, %dma_wait3A_50] : memref<80x125xi32, #tpu.memory_space<vmem>> -> memref<1x125xi32, #tpu.memory_space<vmem>>
      %dma_wait3A_52 = tpu.memref_squeeze %dma_wait3A_51 : memref<1x125xi32, #tpu.memory_space<vmem>> -> memref<125xi32, #tpu.memory_space<vmem>>
      %dma_wait3A_53 = arith.constant 0 : i32
      %dma_wait3A_54 = arith.constant 0 : i32
      %dma_wait3A_55 = tpu.memref_slice %arg13[%dma_wait3A_53, %dma_wait3A_54] : memref<10240x64xf32, #tpu.memory_space<vmem_shared>> -> memref<10240x64xf32, #tpu.memory_space<vmem_shared>>
      tpu.wait_indirect_dma semaphore(%run_scoped3A_43 : memref<!tpu.dma_semaphore, #tpu.memory_space<semaphore_mem>>) src(%arg10 : memref<125x64xf32, #tpu.memory_space<vmem>>) dst(%dma_wait3A_55 : memref<10240x64xf32, #tpu.memory_space<vmem_shared>>)
      tpu.yield
    }) : () -> ()
    %barrier3A_42 = arith.constant 0 : index
    tpu.barrier barrier_id(%barrier3A_42)
    "tpu.region"() ({
      %run_scoped3A_43 = tpu.sem_alloc : memref<!tpu.dma_semaphore, #tpu.memory_space<semaphore_mem>>
      %dma_start3A_44 = arith.constant 0 : i32
      %dma_start3A_45 = tpu.memref_slice %arg13[%mul3A_2, %dma_start3A_44] : memref<10240x64xf32, #tpu.memory_space<vmem_shared>> -> memref<640x64xf32, #tpu.memory_space<vmem_shared>>
      %dma_start3A_46 = arith.constant 0 : i32
      %dma_start3A_47 = tpu.memref_slice %arg13[%mul3A_2, %dma_start3A_46] : memref<10240x64xf32, #tpu.memory_space<vmem_shared>> -> memref<640x64xf32, #tpu.memory_space<vmem_shared>>
      tpu.enqueue_dma source(%dma_start3A_47 : memref<640x64xf32, #tpu.memory_space<vmem_shared>>) target(%arg12 : memref<640x64xf32, #tpu.memory_space<vmem>>) target_semaphore(%run_scoped3A_43 : memref<!tpu.dma_semaphore, #tpu.memory_space<semaphore_mem>>)
      %dma_wait3A_48 = arith.constant 0 : i32
      %dma_wait3A_49 = tpu.memref_slice %arg13[%mul3A_2, %dma_wait3A_48] : memref<10240x64xf32, #tpu.memory_space<vmem_shared>> -> memref<640x64xf32, #tpu.memory_space<vmem_shared>>
      %dma_wait3A_50 = arith.constant 0 : i32
      %dma_wait3A_51 = tpu.memref_slice %arg13[%mul3A_2, %dma_wait3A_50] : memref<10240x64xf32, #tpu.memory_space<vmem_shared>> -> memref<640x64xf32, #tpu.memory_space<vmem_shared>>
      tpu.wait_dma2 semaphore(%run_scoped3A_43 : memref<!tpu.dma_semaphore, #tpu.memory_space<semaphore_mem>>) src(%dma_wait3A_51 : memref<640x64xf32, #tpu.memory_space<vmem_shared>>) dst(%arg12 : memref<640x64xf32, #tpu.memory_space<vmem>>)
      tpu.yield
    }) : () -> ()
    "tpu.region"() ({
      %run_scoped3A_43 = tpu.sem_alloc : memref<!tpu.dma_semaphore, #tpu.memory_space<semaphore_mem>>
      %dma_start3A_44 = arith.constant 0 : i32
      %dma_start3A_45 = arith.constant 0 : i32
      %dma_start3A_46 = tpu.memref_slice %arg6[%arg0, %dma_start3A_44, %dma_start3A_45] : memref<2x10240x64xf32, #tpu.memory_space<hbm>> -> memref<1x10240x64xf32, #tpu.memory_space<hbm>>
      %dma_start3A_47 = tpu.memref_squeeze %dma_start3A_46 : memref<1x10240x64xf32, #tpu.memory_space<hbm>> -> memref<10240x64xf32, #tpu.memory_space<hbm>>
      %dma_start3A_48 = arith.constant 0 : i32
      %dma_start3A_49 = tpu.memref_slice %dma_start3A_47[%mul3A_2, %dma_start3A_48] : memref<10240x64xf32, #tpu.memory_space<hbm>> -> memref<640x64xf32, #tpu.memory_space<hbm>>
      %dma_start3A_50 = arith.constant 0 : i32
      %dma_start3A_51 = arith.constant 0 : i32
      %dma_start3A_52 = tpu.memref_slice %arg6[%arg0, %dma_start3A_50, %dma_start3A_51] : memref<2x10240x64xf32, #tpu.memory_space<hbm>> -> memref<1x10240x64xf32, #tpu.memory_space<hbm>>
      %dma_start3A_53 = tpu.memref_squeeze %dma_start3A_52 : memref<1x10240x64xf32, #tpu.memory_space<hbm>> -> memref<10240x64xf32, #tpu.memory_space<hbm>>
      %dma_start3A_54 = arith.constant 0 : i32
      %dma_start3A_55 = tpu.memref_slice %dma_start3A_53[%mul3A_2, %dma_start3A_54] : memref<10240x64xf32, #tpu.memory_space<hbm>> -> memref<640x64xf32, #tpu.memory_space<hbm>>
      tpu.enqueue_dma source(%arg12 : memref<640x64xf32, #tpu.memory_space<vmem>>) target(%dma_start3A_55 : memref<640x64xf32, #tpu.memory_space<hbm>>) target_semaphore(%run_scoped3A_43 : memref<!tpu.dma_semaphore, #tpu.memory_space<semaphore_mem>>)
      %dma_wait3A_56 = arith.constant 0 : i32
      %dma_wait3A_57 = arith.constant 0 : i32
      %dma_wait3A_58 = tpu.memref_slice %arg6[%arg0, %dma_wait3A_56, %dma_wait3A_57] : memref<2x10240x64xf32, #tpu.memory_space<hbm>> -> memref<1x10240x64xf32, #tpu.memory_space<hbm>>
      %dma_wait3A_59 = tpu.memref_squeeze %dma_wait3A_58 : memref<1x10240x64xf32, #tpu.memory_space<hbm>> -> memref<10240x64xf32, #tpu.memory_space<hbm>>
      %dma_wait3A_60 = arith.constant 0 : i32
      %dma_wait3A_61 = tpu.memref_slice %dma_wait3A_59[%mul3A_2, %dma_wait3A_60] : memref<10240x64xf32, #tpu.memory_space<hbm>> -> memref<640x64xf32, #tpu.memory_space<hbm>>
      %dma_wait3A_62 = arith.constant 0 : i32
      %dma_wait3A_63 = arith.constant 0 : i32
      %dma_wait3A_64 = tpu.memref_slice %arg6[%arg0, %dma_wait3A_62, %dma_wait3A_63] : memref<2x10240x64xf32, #tpu.memory_space<hbm>> -> memref<1x10240x64xf32, #tpu.memory_space<hbm>>
      %dma_wait3A_65 = tpu.memref_squeeze %dma_wait3A_64 : memref<1x10240x64xf32, #tpu.memory_space<hbm>> -> memref<10240x64xf32, #tpu.memory_space<hbm>>
      %dma_wait3A_66 = arith.constant 0 : i32
      %dma_wait3A_67 = tpu.memref_slice %dma_wait3A_65[%mul3A_2, %dma_wait3A_66] : memref<10240x64xf32, #tpu.memory_space<hbm>> -> memref<640x64xf32, #tpu.memory_space<hbm>>
      tpu.wait_dma2 semaphore(%run_scoped3A_43 : memref<!tpu.dma_semaphore, #tpu.memory_space<semaphore_mem>>) src(%arg12 : memref<640x64xf32, #tpu.memory_space<vmem>>) dst(%dma_wait3A_67 : memref<640x64xf32, #tpu.memory_space<hbm>>)
      tpu.yield
    }) : () -> ()
    return
  }
}

#map = affine_map<(d0, d1) -> (0, 0, 0)>
#map1 = affine_map<(d0, d1) -> (0, 0)>
module attributes {stable_mosaic.version = 14 : i64} {
  func.func @_edge_call(%arg0: i32, %arg1: i32, %arg2: memref<32x80x125xi32, #tpu.memory_space<hbm>>, %arg3: memref<32x80x125xi32, #tpu.memory_space<hbm>>, %arg4: memref<10000x64xf32, #tpu.memory_space<hbm>>, %arg5: memref<10240x64xf32, #tpu.memory_space<hbm>>, %arg6: memref<2x10240x64xf32, #tpu.memory_space<hbm>>, %arg7: memref<80x125xi32, #tpu.memory_space<vmem>>, %arg8: memref<80x125xi32, #tpu.memory_space<vmem>>, %arg9: memref<125x64xf32, #tpu.memory_space<vmem>>, %arg10: memref<125x64xf32, #tpu.memory_space<vmem>>, %arg11: memref<125x64xf32, #tpu.memory_space<vmem>>, %arg12: memref<640x64xf32, #tpu.memory_space<vmem>>, %arg13: memref<10240x64xf32, #tpu.memory_space<vmem_shared>>, %arg14: memref<!tpu.dma_semaphore, #tpu.memory_space<semaphore_mem>>, %arg15: memref<!tpu.dma_semaphore, #tpu.memory_space<semaphore_mem>>, %arg16: memref<!tpu.dma_semaphore, #tpu.memory_space<semaphore_mem>>, %arg17: memref<!tpu.dma_semaphore, #tpu.memory_space<semaphore_mem>>, %arg18: memref<!tpu.dma_semaphore, #tpu.memory_space<semaphore_mem>>, %arg19: memref<!tpu.dma_semaphore, #tpu.memory_space<semaphore_mem>>) attributes {dimension_semantics = [#tpu.dimension_semantics<core_parallel>, #tpu.dimension_semantics<subcore_parallel>], iteration_bounds = array<i64: 2, 16>, scalar_prefetch = 0 : i64, scratch_operands = 13 : i64, tpu.core_type = #tpu.core_type<sc_vector_subcore>, window_params = [{transform_indices = #map}, {transform_indices = #map}, {transform_indices = #map1}, {transform_indices = #map1}, {transform_indices = #map}]} {
    %mul3A = arith.constant 2 : i32
    %mul3A_0 = arith.muli %arg1, %mul3A : i32
    %add3A = arith.addi %mul3A_0, %arg0 : i32
    %mul3A_1 = arith.constant 640 : i32
    %mul3A_2 = arith.muli %arg1, %mul3A_1 : i32
    "tpu.region"() ({
      %run_scoped3A_43 = tpu.sem_alloc : memref<!tpu.dma_semaphore, #tpu.memory_space<semaphore_mem>>
      %dma_start3A_44 = arith.constant 0 : i32
      %dma_start3A_45 = arith.constant 0 : i32
      %dma_start3A_46 = tpu.memref_slice %arg2[%add3A, %dma_start3A_44, %dma_start3A_45] : memref<32x80x125xi32, #tpu.memory_space<hbm>> -> memref<1x80x125xi32, #tpu.memory_space<hbm>>
      %dma_start3A_47 = tpu.memref_squeeze %dma_start3A_46 : memref<1x80x125xi32, #tpu.memory_space<hbm>> -> memref<80x125xi32, #tpu.memory_space<hbm>>
      %dma_start3A_48 = arith.constant 0 : i32
      %dma_start3A_49 = arith.constant 0 : i32
      %dma_start3A_50 = tpu.memref_slice %arg2[%add3A, %dma_start3A_48, %dma_start3A_49] : memref<32x80x125xi32, #tpu.memory_space<hbm>> -> memref<1x80x125xi32, #tpu.memory_space<hbm>>
      %dma_start3A_51 = tpu.memref_squeeze %dma_start3A_50 : memref<1x80x125xi32, #tpu.memory_space<hbm>> -> memref<80x125xi32, #tpu.memory_space<hbm>>
      tpu.enqueue_dma source(%dma_start3A_51 : memref<80x125xi32, #tpu.memory_space<hbm>>) target(%arg7 : memref<80x125xi32, #tpu.memory_space<vmem>>) target_semaphore(%run_scoped3A_43 : memref<!tpu.dma_semaphore, #tpu.memory_space<semaphore_mem>>)
      %dma_wait3A_52 = arith.constant 0 : i32
      %dma_wait3A_53 = arith.constant 0 : i32
      %dma_wait3A_54 = tpu.memref_slice %arg2[%add3A, %dma_wait3A_52, %dma_wait3A_53] : memref<32x80x125xi32, #tpu.memory_space<hbm>> -> memref<1x80x125xi32, #tpu.memory_space<hbm>>
      %dma_wait3A_55 = tpu.memref_squeeze %dma_wait3A_54 : memref<1x80x125xi32, #tpu.memory_space<hbm>> -> memref<80x125xi32, #tpu.memory_space<hbm>>
      %dma_wait3A_56 = arith.constant 0 : i32
      %dma_wait3A_57 = arith.constant 0 : i32
      %dma_wait3A_58 = tpu.memref_slice %arg2[%add3A, %dma_wait3A_56, %dma_wait3A_57] : memref<32x80x125xi32, #tpu.memory_space<hbm>> -> memref<1x80x125xi32, #tpu.memory_space<hbm>>
      %dma_wait3A_59 = tpu.memref_squeeze %dma_wait3A_58 : memref<1x80x125xi32, #tpu.memory_space<hbm>> -> memref<80x125xi32, #tpu.memory_space<hbm>>
      tpu.wait_dma2 semaphore(%run_scoped3A_43 : memref<!tpu.dma_semaphore, #tpu.memory_space<semaphore_mem>>) src(%dma_wait3A_59 : memref<80x125xi32, #tpu.memory_space<hbm>>) dst(%arg7 : memref<80x125xi32, #tpu.memory_space<vmem>>)
      tpu.yield
    }) : () -> ()
    "tpu.region"() ({
      %run_scoped3A_43 = tpu.sem_alloc : memref<!tpu.dma_semaphore, #tpu.memory_space<semaphore_mem>>
      %dma_start3A_44 = arith.constant 0 : i32
      %dma_start3A_45 = arith.constant 0 : i32
      %dma_start3A_46 = tpu.memref_slice %arg3[%add3A, %dma_start3A_44, %dma_start3A_45] : memref<32x80x125xi32, #tpu.memory_space<hbm>> -> memref<1x80x125xi32, #tpu.memory_space<hbm>>
      %dma_start3A_47 = tpu.memref_squeeze %dma_start3A_46 : memref<1x80x125xi32, #tpu.memory_space<hbm>> -> memref<80x125xi32, #tpu.memory_space<hbm>>
      %dma_start3A_48 = arith.constant 0 : i32
      %dma_start3A_49 = arith.constant 0 : i32
      %dma_start3A_50 = tpu.memref_slice %arg3[%add3A, %dma_start3A_48, %dma_start3A_49] : memref<32x80x125xi32, #tpu.memory_space<hbm>> -> memref<1x80x125xi32, #tpu.memory_space<hbm>>
      %dma_start3A_51 = tpu.memref_squeeze %dma_start3A_50 : memref<1x80x125xi32, #tpu.memory_space<hbm>> -> memref<80x125xi32, #tpu.memory_space<hbm>>
      tpu.enqueue_dma source(%dma_start3A_51 : memref<80x125xi32, #tpu.memory_space<hbm>>) target(%arg8 : memref<80x125xi32, #tpu.memory_space<vmem>>) target_semaphore(%run_scoped3A_43 : memref<!tpu.dma_semaphore, #tpu.memory_space<semaphore_mem>>)
      %dma_wait3A_52 = arith.constant 0 : i32
      %dma_wait3A_53 = arith.constant 0 : i32
      %dma_wait3A_54 = tpu.memref_slice %arg3[%add3A, %dma_wait3A_52, %dma_wait3A_53] : memref<32x80x125xi32, #tpu.memory_space<hbm>> -> memref<1x80x125xi32, #tpu.memory_space<hbm>>
      %dma_wait3A_55 = tpu.memref_squeeze %dma_wait3A_54 : memref<1x80x125xi32, #tpu.memory_space<hbm>> -> memref<80x125xi32, #tpu.memory_space<hbm>>
      %dma_wait3A_56 = arith.constant 0 : i32
      %dma_wait3A_57 = arith.constant 0 : i32
      %dma_wait3A_58 = tpu.memref_slice %arg3[%add3A, %dma_wait3A_56, %dma_wait3A_57] : memref<32x80x125xi32, #tpu.memory_space<hbm>> -> memref<1x80x125xi32, #tpu.memory_space<hbm>>
      %dma_wait3A_59 = tpu.memref_squeeze %dma_wait3A_58 : memref<1x80x125xi32, #tpu.memory_space<hbm>> -> memref<80x125xi32, #tpu.memory_space<hbm>>
      tpu.wait_dma2 semaphore(%run_scoped3A_43 : memref<!tpu.dma_semaphore, #tpu.memory_space<semaphore_mem>>) src(%dma_wait3A_59 : memref<80x125xi32, #tpu.memory_space<hbm>>) dst(%arg8 : memref<80x125xi32, #tpu.memory_space<vmem>>)
      tpu.yield
    }) : () -> ()
    "tpu.region"() ({
      %run_scoped3A_43 = tpu.sem_alloc : memref<!tpu.dma_semaphore, #tpu.memory_space<semaphore_mem>>
      %dma_start3A_44 = arith.constant 0 : i32
      %dma_start3A_45 = tpu.memref_slice %arg5[%mul3A_2, %dma_start3A_44] : memref<10240x64xf32, #tpu.memory_space<hbm>> -> memref<640x64xf32, #tpu.memory_space<hbm>>
      %dma_start3A_46 = arith.constant 0 : i32
      %dma_start3A_47 = tpu.memref_slice %arg5[%mul3A_2, %dma_start3A_46] : memref<10240x64xf32, #tpu.memory_space<hbm>> -> memref<640x64xf32, #tpu.memory_space<hbm>>
      tpu.enqueue_dma source(%dma_start3A_47 : memref<640x64xf32, #tpu.memory_space<hbm>>) target(%arg12 : memref<640x64xf32, #tpu.memory_space<vmem>>) target_semaphore(%run_scoped3A_43 : memref<!tpu.dma_semaphore, #tpu.memory_space<semaphore_mem>>)
      %dma_wait3A_48 = arith.constant 0 : i32
      %dma_wait3A_49 = tpu.memref_slice %arg5[%mul3A_2, %dma_wait3A_48] : memref<10240x64xf32, #tpu.memory_space<hbm>> -> memref<640x64xf32, #tpu.memory_space<hbm>>
      %dma_wait3A_50 = arith.constant 0 : i32
      %dma_wait3A_51 = tpu.memref_slice %arg5[%mul3A_2, %dma_wait3A_50] : memref<10240x64xf32, #tpu.memory_space<hbm>> -> memref<640x64xf32, #tpu.memory_space<hbm>>
      tpu.wait_dma2 semaphore(%run_scoped3A_43 : memref<!tpu.dma_semaphore, #tpu.memory_space<semaphore_mem>>) src(%dma_wait3A_51 : memref<640x64xf32, #tpu.memory_space<hbm>>) dst(%arg12 : memref<640x64xf32, #tpu.memory_space<vmem>>)
      tpu.yield
    }) : () -> ()
    "tpu.region"() ({
      %run_scoped3A_43 = tpu.sem_alloc : memref<!tpu.dma_semaphore, #tpu.memory_space<semaphore_mem>>
      %dma_start3A_44 = arith.constant 0 : i32
      %dma_start3A_45 = tpu.memref_slice %arg13[%mul3A_2, %dma_start3A_44] : memref<10240x64xf32, #tpu.memory_space<vmem_shared>> -> memref<640x64xf32, #tpu.memory_space<vmem_shared>>
      %dma_start3A_46 = arith.constant 0 : i32
      %dma_start3A_47 = tpu.memref_slice %arg13[%mul3A_2, %dma_start3A_46] : memref<10240x64xf32, #tpu.memory_space<vmem_shared>> -> memref<640x64xf32, #tpu.memory_space<vmem_shared>>
      tpu.enqueue_dma source(%arg12 : memref<640x64xf32, #tpu.memory_space<vmem>>) target(%dma_start3A_47 : memref<640x64xf32, #tpu.memory_space<vmem_shared>>) target_semaphore(%run_scoped3A_43 : memref<!tpu.dma_semaphore, #tpu.memory_space<semaphore_mem>>)
      %dma_wait3A_48 = arith.constant 0 : i32
      %dma_wait3A_49 = tpu.memref_slice %arg13[%mul3A_2, %dma_wait3A_48] : memref<10240x64xf32, #tpu.memory_space<vmem_shared>> -> memref<640x64xf32, #tpu.memory_space<vmem_shared>>
      %dma_wait3A_50 = arith.constant 0 : i32
      %dma_wait3A_51 = tpu.memref_slice %arg13[%mul3A_2, %dma_wait3A_50] : memref<10240x64xf32, #tpu.memory_space<vmem_shared>> -> memref<640x64xf32, #tpu.memory_space<vmem_shared>>
      tpu.wait_dma2 semaphore(%run_scoped3A_43 : memref<!tpu.dma_semaphore, #tpu.memory_space<semaphore_mem>>) src(%arg12 : memref<640x64xf32, #tpu.memory_space<vmem>>) dst(%dma_wait3A_51 : memref<640x64xf32, #tpu.memory_space<vmem_shared>>)
      tpu.yield
    }) : () -> ()
    %barrier3A = arith.constant 0 : index
    tpu.barrier barrier_id(%barrier3A)
    %dma_start3A = arith.constant 0 : i32
    %dma_start3A_3 = arith.constant 0 : i32
    %dma_start3A_4 = tpu.memref_slice %arg7[%dma_start3A, %dma_start3A_3] : memref<80x125xi32, #tpu.memory_space<vmem>> -> memref<1x125xi32, #tpu.memory_space<vmem>>
    %dma_start3A_5 = tpu.memref_squeeze %dma_start3A_4 : memref<1x125xi32, #tpu.memory_space<vmem>> -> memref<125xi32, #tpu.memory_space<vmem>>
    %dma_start3A_6 = arith.constant 0 : i32
    %dma_start3A_7 = arith.constant 0 : i32
    %dma_start3A_8 = tpu.memref_slice %arg4[%dma_start3A_6, %dma_start3A_7] : memref<10000x64xf32, #tpu.memory_space<hbm>> -> memref<10000x64xf32, #tpu.memory_space<hbm>>
    tpu.enqueue_indirect_dma source(%dma_start3A_8 : memref<10000x64xf32, #tpu.memory_space<hbm>>) target(%arg9 : memref<125x64xf32, #tpu.memory_space<vmem>>) offsets(%dma_start3A_5 : memref<125xi32, #tpu.memory_space<vmem>>) semaphore(%arg14 : memref<!tpu.dma_semaphore, #tpu.memory_space<semaphore_mem>>)
    %dma_start3A_9 = arith.constant 1 : i32
    %dma_start3A_10 = arith.constant 0 : i32
    %dma_start3A_11 = tpu.memref_slice %arg7[%dma_start3A_9, %dma_start3A_10] : memref<80x125xi32, #tpu.memory_space<vmem>> -> memref<1x125xi32, #tpu.memory_space<vmem>>
    %dma_start3A_12 = tpu.memref_squeeze %dma_start3A_11 : memref<1x125xi32, #tpu.memory_space<vmem>> -> memref<125xi32, #tpu.memory_space<vmem>>
    %dma_start3A_13 = arith.constant 0 : i32
    %dma_start3A_14 = arith.constant 0 : i32
    %dma_start3A_15 = tpu.memref_slice %arg4[%dma_start3A_13, %dma_start3A_14] : memref<10000x64xf32, #tpu.memory_space<hbm>> -> memref<10000x64xf32, #tpu.memory_space<hbm>>
    tpu.enqueue_indirect_dma source(%dma_start3A_15 : memref<10000x64xf32, #tpu.memory_space<hbm>>) target(%arg10 : memref<125x64xf32, #tpu.memory_space<vmem>>) offsets(%dma_start3A_12 : memref<125xi32, #tpu.memory_space<vmem>>) semaphore(%arg15 : memref<!tpu.dma_semaphore, #tpu.memory_space<semaphore_mem>>)
    %dma_start3A_16 = arith.constant 2 : i32
    %dma_start3A_17 = arith.constant 0 : i32
    %dma_start3A_18 = tpu.memref_slice %arg7[%dma_start3A_16, %dma_start3A_17] : memref<80x125xi32, #tpu.memory_space<vmem>> -> memref<1x125xi32, #tpu.memory_space<vmem>>
    %dma_start3A_19 = tpu.memref_squeeze %dma_start3A_18 : memref<1x125xi32, #tpu.memory_space<vmem>> -> memref<125xi32, #tpu.memory_space<vmem>>
    %dma_start3A_20 = arith.constant 0 : i32
    %dma_start3A_21 = arith.constant 0 : i32
    %dma_start3A_22 = tpu.memref_slice %arg4[%dma_start3A_20, %dma_start3A_21] : memref<10000x64xf32, #tpu.memory_space<hbm>> -> memref<10000x64xf32, #tpu.memory_space<hbm>>
    tpu.enqueue_indirect_dma source(%dma_start3A_22 : memref<10000x64xf32, #tpu.memory_space<hbm>>) target(%arg11 : memref<125x64xf32, #tpu.memory_space<vmem>>) offsets(%dma_start3A_19 : memref<125xi32, #tpu.memory_space<vmem>>) semaphore(%arg16 : memref<!tpu.dma_semaphore, #tpu.memory_space<semaphore_mem>>)
    %scan3A = arith.constant 0 : i32
    %scan3A_23 = arith.constant 0 : i32
    %scan3A_24 = arith.constant 26 : i32
    %scan3A_25 = arith.addi %scan3A_23, %scan3A_24 : i32
    %scan3A_26 = arith.constant 1 : i32
    scf.for %scan3A_43 = %scan3A_23 to %scan3A_25 step %scan3A_26  : i32 {
      %mul3A_44 = arith.constant 3 : i32
      %mul3A_45 = arith.muli %scan3A_43, %mul3A_44 : i32
      %add3A_46 = arith.constant 0 : i32
      %add3A_47 = arith.addi %mul3A_45, %add3A_46 : i32
      %dma_wait3A_48 = arith.constant 0 : i32
      %dma_wait3A_49 = tpu.memref_slice %arg7[%add3A_47, %dma_wait3A_48] : memref<80x125xi32, #tpu.memory_space<vmem>> -> memref<1x125xi32, #tpu.memory_space<vmem>>
      %dma_wait3A_50 = tpu.memref_squeeze %dma_wait3A_49 : memref<1x125xi32, #tpu.memory_space<vmem>> -> memref<125xi32, #tpu.memory_space<vmem>>
      %dma_wait3A_51 = arith.constant 0 : i32
      %dma_wait3A_52 = arith.constant 0 : i32
      %dma_wait3A_53 = tpu.memref_slice %arg4[%dma_wait3A_51, %dma_wait3A_52] : memref<10000x64xf32, #tpu.memory_space<hbm>> -> memref<10000x64xf32, #tpu.memory_space<hbm>>
      tpu.wait_indirect_dma semaphore(%arg14 : memref<!tpu.dma_semaphore, #tpu.memory_space<semaphore_mem>>) src(%dma_wait3A_53 : memref<10000x64xf32, #tpu.memory_space<hbm>>) dst(%arg9 : memref<125x64xf32, #tpu.memory_space<vmem>>)
      %dma_start3A_54 = arith.constant 0 : i32
      %dma_start3A_55 = tpu.memref_slice %arg8[%add3A_47, %dma_start3A_54] : memref<80x125xi32, #tpu.memory_space<vmem>> -> memref<1x125xi32, #tpu.memory_space<vmem>>
      %dma_start3A_56 = tpu.memref_squeeze %dma_start3A_55 : memref<1x125xi32, #tpu.memory_space<vmem>> -> memref<125xi32, #tpu.memory_space<vmem>>
      %dma_start3A_57 = arith.constant 0 : i32
      %dma_start3A_58 = arith.constant 0 : i32
      %dma_start3A_59 = tpu.memref_slice %arg13[%dma_start3A_57, %dma_start3A_58] : memref<10240x64xf32, #tpu.memory_space<vmem_shared>> -> memref<10240x64xf32, #tpu.memory_space<vmem_shared>>
      tpu.enqueue_indirect_dma source(%arg9 : memref<125x64xf32, #tpu.memory_space<vmem>>) target(%dma_start3A_59 : memref<10240x64xf32, #tpu.memory_space<vmem_shared>>) offsets(%dma_start3A_56 : memref<125xi32, #tpu.memory_space<vmem>>) semaphore(%arg17 : memref<!tpu.dma_semaphore, #tpu.memory_space<semaphore_mem>>) {add = true}
      %add3A_60 = arith.constant 1 : i32
      %add3A_61 = arith.addi %mul3A_45, %add3A_60 : i32
      %dma_wait3A_62 = arith.constant 0 : i32
      %dma_wait3A_63 = tpu.memref_slice %arg7[%add3A_61, %dma_wait3A_62] : memref<80x125xi32, #tpu.memory_space<vmem>> -> memref<1x125xi32, #tpu.memory_space<vmem>>
      %dma_wait3A_64 = tpu.memref_squeeze %dma_wait3A_63 : memref<1x125xi32, #tpu.memory_space<vmem>> -> memref<125xi32, #tpu.memory_space<vmem>>
      %dma_wait3A_65 = arith.constant 0 : i32
      %dma_wait3A_66 = arith.constant 0 : i32
      %dma_wait3A_67 = tpu.memref_slice %arg4[%dma_wait3A_65, %dma_wait3A_66] : memref<10000x64xf32, #tpu.memory_space<hbm>> -> memref<10000x64xf32, #tpu.memory_space<hbm>>
      tpu.wait_indirect_dma semaphore(%arg15 : memref<!tpu.dma_semaphore, #tpu.memory_space<semaphore_mem>>) src(%dma_wait3A_67 : memref<10000x64xf32, #tpu.memory_space<hbm>>) dst(%arg10 : memref<125x64xf32, #tpu.memory_space<vmem>>)
      %dma_start3A_68 = arith.constant 0 : i32
      %dma_start3A_69 = tpu.memref_slice %arg8[%add3A_61, %dma_start3A_68] : memref<80x125xi32, #tpu.memory_space<vmem>> -> memref<1x125xi32, #tpu.memory_space<vmem>>
      %dma_start3A_70 = tpu.memref_squeeze %dma_start3A_69 : memref<1x125xi32, #tpu.memory_space<vmem>> -> memref<125xi32, #tpu.memory_space<vmem>>
      %dma_start3A_71 = arith.constant 0 : i32
      %dma_start3A_72 = arith.constant 0 : i32
      %dma_start3A_73 = tpu.memref_slice %arg13[%dma_start3A_71, %dma_start3A_72] : memref<10240x64xf32, #tpu.memory_space<vmem_shared>> -> memref<10240x64xf32, #tpu.memory_space<vmem_shared>>
      tpu.enqueue_indirect_dma source(%arg10 : memref<125x64xf32, #tpu.memory_space<vmem>>) target(%dma_start3A_73 : memref<10240x64xf32, #tpu.memory_space<vmem_shared>>) offsets(%dma_start3A_70 : memref<125xi32, #tpu.memory_space<vmem>>) semaphore(%arg18 : memref<!tpu.dma_semaphore, #tpu.memory_space<semaphore_mem>>) {add = true}
      %add3A_74 = arith.constant 2 : i32
      %add3A_75 = arith.addi %mul3A_45, %add3A_74 : i32
      %dma_wait3A_76 = arith.constant 0 : i32
      %dma_wait3A_77 = tpu.memref_slice %arg7[%add3A_75, %dma_wait3A_76] : memref<80x125xi32, #tpu.memory_space<vmem>> -> memref<1x125xi32, #tpu.memory_space<vmem>>
      %dma_wait3A_78 = tpu.memref_squeeze %dma_wait3A_77 : memref<1x125xi32, #tpu.memory_space<vmem>> -> memref<125xi32, #tpu.memory_space<vmem>>
      %dma_wait3A_79 = arith.constant 0 : i32
      %dma_wait3A_80 = arith.constant 0 : i32
      %dma_wait3A_81 = tpu.memref_slice %arg4[%dma_wait3A_79, %dma_wait3A_80] : memref<10000x64xf32, #tpu.memory_space<hbm>> -> memref<10000x64xf32, #tpu.memory_space<hbm>>
      tpu.wait_indirect_dma semaphore(%arg16 : memref<!tpu.dma_semaphore, #tpu.memory_space<semaphore_mem>>) src(%dma_wait3A_81 : memref<10000x64xf32, #tpu.memory_space<hbm>>) dst(%arg11 : memref<125x64xf32, #tpu.memory_space<vmem>>)
      %dma_start3A_82 = arith.constant 0 : i32
      %dma_start3A_83 = tpu.memref_slice %arg8[%add3A_75, %dma_start3A_82] : memref<80x125xi32, #tpu.memory_space<vmem>> -> memref<1x125xi32, #tpu.memory_space<vmem>>
      %dma_start3A_84 = tpu.memref_squeeze %dma_start3A_83 : memref<1x125xi32, #tpu.memory_space<vmem>> -> memref<125xi32, #tpu.memory_space<vmem>>
      %dma_start3A_85 = arith.constant 0 : i32
      %dma_start3A_86 = arith.constant 0 : i32
      %dma_start3A_87 = tpu.memref_slice %arg13[%dma_start3A_85, %dma_start3A_86] : memref<10240x64xf32, #tpu.memory_space<vmem_shared>> -> memref<10240x64xf32, #tpu.memory_space<vmem_shared>>
      tpu.enqueue_indirect_dma source(%arg11 : memref<125x64xf32, #tpu.memory_space<vmem>>) target(%dma_start3A_87 : memref<10240x64xf32, #tpu.memory_space<vmem_shared>>) offsets(%dma_start3A_84 : memref<125xi32, #tpu.memory_space<vmem>>) semaphore(%arg19 : memref<!tpu.dma_semaphore, #tpu.memory_space<semaphore_mem>>) {add = true}
      %add3A_88 = arith.constant 3 : i32
      %add3A_89 = arith.addi %mul3A_45, %add3A_88 : i32
      %add3A_90 = arith.constant 0 : i32
      %add3A_91 = arith.addi %add3A_89, %add3A_90 : i32
      %add3A_92 = arith.constant 0 : i32
      %add3A_93 = arith.addi %mul3A_45, %add3A_92 : i32
      %dma_wait3A_94 = arith.constant 0 : i32
      %dma_wait3A_95 = tpu.memref_slice %arg8[%add3A_93, %dma_wait3A_94] : memref<80x125xi32, #tpu.memory_space<vmem>> -> memref<1x125xi32, #tpu.memory_space<vmem>>
      %dma_wait3A_96 = tpu.memref_squeeze %dma_wait3A_95 : memref<1x125xi32, #tpu.memory_space<vmem>> -> memref<125xi32, #tpu.memory_space<vmem>>
      %dma_wait3A_97 = arith.constant 0 : i32
      %dma_wait3A_98 = arith.constant 0 : i32
      %dma_wait3A_99 = tpu.memref_slice %arg13[%dma_wait3A_97, %dma_wait3A_98] : memref<10240x64xf32, #tpu.memory_space<vmem_shared>> -> memref<10240x64xf32, #tpu.memory_space<vmem_shared>>
      tpu.wait_indirect_dma semaphore(%arg17 : memref<!tpu.dma_semaphore, #tpu.memory_space<semaphore_mem>>) src(%arg9 : memref<125x64xf32, #tpu.memory_space<vmem>>) dst(%dma_wait3A_99 : memref<10240x64xf32, #tpu.memory_space<vmem_shared>>)
      %lt3A = arith.constant 80 : i32
      %lt3A_100 = arith.cmpi slt, %add3A_91, %lt3A : i32
      %convert_element_type3A = arith.extui %lt3A_100 : i1 to i32
      %cond3A = arith.constant 0 : i32
      %cond3A_101 = arith.cmpi ne, %convert_element_type3A, %cond3A : i32
      scf.if %cond3A_101 {
        %dma_start3A_136 = arith.constant 0 : i32
        %dma_start3A_137 = tpu.memref_slice %arg7[%add3A_91, %dma_start3A_136] : memref<80x125xi32, #tpu.memory_space<vmem>> -> memref<1x125xi32, #tpu.memory_space<vmem>>
        %dma_start3A_138 = tpu.memref_squeeze %dma_start3A_137 : memref<1x125xi32, #tpu.memory_space<vmem>> -> memref<125xi32, #tpu.memory_space<vmem>>
        %dma_start3A_139 = arith.constant 0 : i32
        %dma_start3A_140 = arith.constant 0 : i32
        %dma_start3A_141 = tpu.memref_slice %arg4[%dma_start3A_139, %dma_start3A_140] : memref<10000x64xf32, #tpu.memory_space<hbm>> -> memref<10000x64xf32, #tpu.memory_space<hbm>>
        tpu.enqueue_indirect_dma source(%dma_start3A_141 : memref<10000x64xf32, #tpu.memory_space<hbm>>) target(%arg9 : memref<125x64xf32, #tpu.memory_space<vmem>>) offsets(%dma_start3A_138 : memref<125xi32, #tpu.memory_space<vmem>>) semaphore(%arg14 : memref<!tpu.dma_semaphore, #tpu.memory_space<semaphore_mem>>)
      } else {
      }
      %add3A_102 = arith.constant 3 : i32
      %add3A_103 = arith.addi %mul3A_45, %add3A_102 : i32
      %add3A_104 = arith.constant 1 : i32
      %add3A_105 = arith.addi %add3A_103, %add3A_104 : i32
      %add3A_106 = arith.constant 1 : i32
      %add3A_107 = arith.addi %mul3A_45, %add3A_106 : i32
      %dma_wait3A_108 = arith.constant 0 : i32
      %dma_wait3A_109 = tpu.memref_slice %arg8[%add3A_107, %dma_wait3A_108] : memref<80x125xi32, #tpu.memory_space<vmem>> -> memref<1x125xi32, #tpu.memory_space<vmem>>
      %dma_wait3A_110 = tpu.memref_squeeze %dma_wait3A_109 : memref<1x125xi32, #tpu.memory_space<vmem>> -> memref<125xi32, #tpu.memory_space<vmem>>
      %dma_wait3A_111 = arith.constant 0 : i32
      %dma_wait3A_112 = arith.constant 0 : i32
      %dma_wait3A_113 = tpu.memref_slice %arg13[%dma_wait3A_111, %dma_wait3A_112] : memref<10240x64xf32, #tpu.memory_space<vmem_shared>> -> memref<10240x64xf32, #tpu.memory_space<vmem_shared>>
      tpu.wait_indirect_dma semaphore(%arg18 : memref<!tpu.dma_semaphore, #tpu.memory_space<semaphore_mem>>) src(%arg10 : memref<125x64xf32, #tpu.memory_space<vmem>>) dst(%dma_wait3A_113 : memref<10240x64xf32, #tpu.memory_space<vmem_shared>>)
      %lt3A_114 = arith.constant 80 : i32
      %lt3A_115 = arith.cmpi slt, %add3A_105, %lt3A_114 : i32
      %convert_element_type3A_116 = arith.extui %lt3A_115 : i1 to i32
      %cond3A_117 = arith.constant 0 : i32
      %cond3A_118 = arith.cmpi ne, %convert_element_type3A_116, %cond3A_117 : i32
      scf.if %cond3A_118 {
        %dma_start3A_136 = arith.constant 0 : i32
        %dma_start3A_137 = tpu.memref_slice %arg7[%add3A_105, %dma_start3A_136] : memref<80x125xi32, #tpu.memory_space<vmem>> -> memref<1x125xi32, #tpu.memory_space<vmem>>
        %dma_start3A_138 = tpu.memref_squeeze %dma_start3A_137 : memref<1x125xi32, #tpu.memory_space<vmem>> -> memref<125xi32, #tpu.memory_space<vmem>>
        %dma_start3A_139 = arith.constant 0 : i32
        %dma_start3A_140 = arith.constant 0 : i32
        %dma_start3A_141 = tpu.memref_slice %arg4[%dma_start3A_139, %dma_start3A_140] : memref<10000x64xf32, #tpu.memory_space<hbm>> -> memref<10000x64xf32, #tpu.memory_space<hbm>>
        tpu.enqueue_indirect_dma source(%dma_start3A_141 : memref<10000x64xf32, #tpu.memory_space<hbm>>) target(%arg10 : memref<125x64xf32, #tpu.memory_space<vmem>>) offsets(%dma_start3A_138 : memref<125xi32, #tpu.memory_space<vmem>>) semaphore(%arg15 : memref<!tpu.dma_semaphore, #tpu.memory_space<semaphore_mem>>)
      } else {
      }
      %add3A_119 = arith.constant 3 : i32
      %add3A_120 = arith.addi %mul3A_45, %add3A_119 : i32
      %add3A_121 = arith.constant 2 : i32
      %add3A_122 = arith.addi %add3A_120, %add3A_121 : i32
      %add3A_123 = arith.constant 2 : i32
      %add3A_124 = arith.addi %mul3A_45, %add3A_123 : i32
      %dma_wait3A_125 = arith.constant 0 : i32
      %dma_wait3A_126 = tpu.memref_slice %arg8[%add3A_124, %dma_wait3A_125] : memref<80x125xi32, #tpu.memory_space<vmem>> -> memref<1x125xi32, #tpu.memory_space<vmem>>
      %dma_wait3A_127 = tpu.memref_squeeze %dma_wait3A_126 : memref<1x125xi32, #tpu.memory_space<vmem>> -> memref<125xi32, #tpu.memory_space<vmem>>
      %dma_wait3A_128 = arith.constant 0 : i32
      %dma_wait3A_129 = arith.constant 0 : i32
      %dma_wait3A_130 = tpu.memref_slice %arg13[%dma_wait3A_128, %dma_wait3A_129] : memref<10240x64xf32, #tpu.memory_space<vmem_shared>> -> memref<10240x64xf32, #tpu.memory_space<vmem_shared>>
      tpu.wait_indirect_dma semaphore(%arg19 : memref<!tpu.dma_semaphore, #tpu.memory_space<semaphore_mem>>) src(%arg11 : memref<125x64xf32, #tpu.memory_space<vmem>>) dst(%dma_wait3A_130 : memref<10240x64xf32, #tpu.memory_space<vmem_shared>>)
      %lt3A_131 = arith.constant 80 : i32
      %lt3A_132 = arith.cmpi slt, %add3A_122, %lt3A_131 : i32
      %convert_element_type3A_133 = arith.extui %lt3A_132 : i1 to i32
      %cond3A_134 = arith.constant 0 : i32
      %cond3A_135 = arith.cmpi ne, %convert_element_type3A_133, %cond3A_134 : i32
      scf.if %cond3A_135 {
        %dma_start3A_136 = arith.constant 0 : i32
        %dma_start3A_137 = tpu.memref_slice %arg7[%add3A_122, %dma_start3A_136] : memref<80x125xi32, #tpu.memory_space<vmem>> -> memref<1x125xi32, #tpu.memory_space<vmem>>
        %dma_start3A_138 = tpu.memref_squeeze %dma_start3A_137 : memref<1x125xi32, #tpu.memory_space<vmem>> -> memref<125xi32, #tpu.memory_space<vmem>>
        %dma_start3A_139 = arith.constant 0 : i32
        %dma_start3A_140 = arith.constant 0 : i32
        %dma_start3A_141 = tpu.memref_slice %arg4[%dma_start3A_139, %dma_start3A_140] : memref<10000x64xf32, #tpu.memory_space<hbm>> -> memref<10000x64xf32, #tpu.memory_space<hbm>>
        tpu.enqueue_indirect_dma source(%dma_start3A_141 : memref<10000x64xf32, #tpu.memory_space<hbm>>) target(%arg11 : memref<125x64xf32, #tpu.memory_space<vmem>>) offsets(%dma_start3A_138 : memref<125xi32, #tpu.memory_space<vmem>>) semaphore(%arg16 : memref<!tpu.dma_semaphore, #tpu.memory_space<semaphore_mem>>)
      } else {
      }
    }
    %scan3A_27 = arith.constant 26 : i32
    %dma_wait3A = arith.constant 78 : i32
    %dma_wait3A_28 = arith.constant 0 : i32
    %dma_wait3A_29 = tpu.memref_slice %arg7[%dma_wait3A, %dma_wait3A_28] : memref<80x125xi32, #tpu.memory_space<vmem>> -> memref<1x125xi32, #tpu.memory_space<vmem>>
    %dma_wait3A_30 = tpu.memref_squeeze %dma_wait3A_29 : memref<1x125xi32, #tpu.memory_space<vmem>> -> memref<125xi32, #tpu.memory_space<vmem>>
    %dma_wait3A_31 = arith.constant 0 : i32
    %dma_wait3A_32 = arith.constant 0 : i32
    %dma_wait3A_33 = tpu.memref_slice %arg4[%dma_wait3A_31, %dma_wait3A_32] : memref<10000x64xf32, #tpu.memory_space<hbm>> -> memref<10000x64xf32, #tpu.memory_space<hbm>>
    tpu.wait_indirect_dma semaphore(%arg14 : memref<!tpu.dma_semaphore, #tpu.memory_space<semaphore_mem>>) src(%dma_wait3A_33 : memref<10000x64xf32, #tpu.memory_space<hbm>>) dst(%arg9 : memref<125x64xf32, #tpu.memory_space<vmem>>)
    %run_scoped3A = arith.constant 78 : i32
    "tpu.region"() ({
      %run_scoped3A_43 = tpu.sem_alloc : memref<!tpu.dma_semaphore, #tpu.memory_space<semaphore_mem>>
      %dma_start3A_44 = arith.constant 0 : i32
      %dma_start3A_45 = tpu.memref_slice %arg8[%run_scoped3A, %dma_start3A_44] : memref<80x125xi32, #tpu.memory_space<vmem>> -> memref<1x125xi32, #tpu.memory_space<vmem>>
      %dma_start3A_46 = tpu.memref_squeeze %dma_start3A_45 : memref<1x125xi32, #tpu.memory_space<vmem>> -> memref<125xi32, #tpu.memory_space<vmem>>
      %dma_start3A_47 = arith.constant 0 : i32
      %dma_start3A_48 = arith.constant 0 : i32
      %dma_start3A_49 = tpu.memref_slice %arg13[%dma_start3A_47, %dma_start3A_48] : memref<10240x64xf32, #tpu.memory_space<vmem_shared>> -> memref<10240x64xf32, #tpu.memory_space<vmem_shared>>
      tpu.enqueue_indirect_dma source(%arg9 : memref<125x64xf32, #tpu.memory_space<vmem>>) target(%dma_start3A_49 : memref<10240x64xf32, #tpu.memory_space<vmem_shared>>) offsets(%dma_start3A_46 : memref<125xi32, #tpu.memory_space<vmem>>) semaphore(%run_scoped3A_43 : memref<!tpu.dma_semaphore, #tpu.memory_space<semaphore_mem>>) {add = true}
      %dma_wait3A_50 = arith.constant 0 : i32
      %dma_wait3A_51 = tpu.memref_slice %arg8[%run_scoped3A, %dma_wait3A_50] : memref<80x125xi32, #tpu.memory_space<vmem>> -> memref<1x125xi32, #tpu.memory_space<vmem>>
      %dma_wait3A_52 = tpu.memref_squeeze %dma_wait3A_51 : memref<1x125xi32, #tpu.memory_space<vmem>> -> memref<125xi32, #tpu.memory_space<vmem>>
      %dma_wait3A_53 = arith.constant 0 : i32
      %dma_wait3A_54 = arith.constant 0 : i32
      %dma_wait3A_55 = tpu.memref_slice %arg13[%dma_wait3A_53, %dma_wait3A_54] : memref<10240x64xf32, #tpu.memory_space<vmem_shared>> -> memref<10240x64xf32, #tpu.memory_space<vmem_shared>>
      tpu.wait_indirect_dma semaphore(%run_scoped3A_43 : memref<!tpu.dma_semaphore, #tpu.memory_space<semaphore_mem>>) src(%arg9 : memref<125x64xf32, #tpu.memory_space<vmem>>) dst(%dma_wait3A_55 : memref<10240x64xf32, #tpu.memory_space<vmem_shared>>)
      tpu.yield
    }) : () -> ()
    %dma_wait3A_34 = arith.constant 79 : i32
    %dma_wait3A_35 = arith.constant 0 : i32
    %dma_wait3A_36 = tpu.memref_slice %arg7[%dma_wait3A_34, %dma_wait3A_35] : memref<80x125xi32, #tpu.memory_space<vmem>> -> memref<1x125xi32, #tpu.memory_space<vmem>>
    %dma_wait3A_37 = tpu.memref_squeeze %dma_wait3A_36 : memref<1x125xi32, #tpu.memory_space<vmem>> -> memref<125xi32, #tpu.memory_space<vmem>>
    %dma_wait3A_38 = arith.constant 0 : i32
    %dma_wait3A_39 = arith.constant 0 : i32
    %dma_wait3A_40 = tpu.memref_slice %arg4[%dma_wait3A_38, %dma_wait3A_39] : memref<10000x64xf32, #tpu.memory_space<hbm>> -> memref<10000x64xf32, #tpu.memory_space<hbm>>
    tpu.wait_indirect_dma semaphore(%arg15 : memref<!tpu.dma_semaphore, #tpu.memory_space<semaphore_mem>>) src(%dma_wait3A_40 : memref<10000x64xf32, #tpu.memory_space<hbm>>) dst(%arg10 : memref<125x64xf32, #tpu.memory_space<vmem>>)
    %run_scoped3A_41 = arith.constant 79 : i32
    "tpu.region"() ({
      %run_scoped3A_43 = tpu.sem_alloc : memref<!tpu.dma_semaphore, #tpu.memory_space<semaphore_mem>>
      %dma_start3A_44 = arith.constant 0 : i32
      %dma_start3A_45 = tpu.memref_slice %arg8[%run_scoped3A_41, %dma_start3A_44] : memref<80x125xi32, #tpu.memory_space<vmem>> -> memref<1x125xi32, #tpu.memory_space<vmem>>
      %dma_start3A_46 = tpu.memref_squeeze %dma_start3A_45 : memref<1x125xi32, #tpu.memory_space<vmem>> -> memref<125xi32, #tpu.memory_space<vmem>>
      %dma_start3A_47 = arith.constant 0 : i32
      %dma_start3A_48 = arith.constant 0 : i32
      %dma_start3A_49 = tpu.memref_slice %arg13[%dma_start3A_47, %dma_start3A_48] : memref<10240x64xf32, #tpu.memory_space<vmem_shared>> -> memref<10240x64xf32, #tpu.memory_space<vmem_shared>>
      tpu.enqueue_indirect_dma source(%arg10 : memref<125x64xf32, #tpu.memory_space<vmem>>) target(%dma_start3A_49 : memref<10240x64xf32, #tpu.memory_space<vmem_shared>>) offsets(%dma_start3A_46 : memref<125xi32, #tpu.memory_space<vmem>>) semaphore(%run_scoped3A_43 : memref<!tpu.dma_semaphore, #tpu.memory_space<semaphore_mem>>) {add = true}
      %dma_wait3A_50 = arith.constant 0 : i32
      %dma_wait3A_51 = tpu.memref_slice %arg8[%run_scoped3A_41, %dma_wait3A_50] : memref<80x125xi32, #tpu.memory_space<vmem>> -> memref<1x125xi32, #tpu.memory_space<vmem>>
      %dma_wait3A_52 = tpu.memref_squeeze %dma_wait3A_51 : memref<1x125xi32, #tpu.memory_space<vmem>> -> memref<125xi32, #tpu.memory_space<vmem>>
      %dma_wait3A_53 = arith.constant 0 : i32
      %dma_wait3A_54 = arith.constant 0 : i32
      %dma_wait3A_55 = tpu.memref_slice %arg13[%dma_wait3A_53, %dma_wait3A_54] : memref<10240x64xf32, #tpu.memory_space<vmem_shared>> -> memref<10240x64xf32, #tpu.memory_space<vmem_shared>>
      tpu.wait_indirect_dma semaphore(%run_scoped3A_43 : memref<!tpu.dma_semaphore, #tpu.memory_space<semaphore_mem>>) src(%arg10 : memref<125x64xf32, #tpu.memory_space<vmem>>) dst(%dma_wait3A_55 : memref<10240x64xf32, #tpu.memory_space<vmem_shared>>)
      tpu.yield
    }) : () -> ()
    %barrier3A_42 = arith.constant 0 : index
    tpu.barrier barrier_id(%barrier3A_42)
    "tpu.region"() ({
      %run_scoped3A_43 = tpu.sem_alloc : memref<!tpu.dma_semaphore, #tpu.memory_space<semaphore_mem>>
      %dma_start3A_44 = arith.constant 0 : i32
      %dma_start3A_45 = tpu.memref_slice %arg13[%mul3A_2, %dma_start3A_44] : memref<10240x64xf32, #tpu.memory_space<vmem_shared>> -> memref<640x64xf32, #tpu.memory_space<vmem_shared>>
      %dma_start3A_46 = arith.constant 0 : i32
      %dma_start3A_47 = tpu.memref_slice %arg13[%mul3A_2, %dma_start3A_46] : memref<10240x64xf32, #tpu.memory_space<vmem_shared>> -> memref<640x64xf32, #tpu.memory_space<vmem_shared>>
      tpu.enqueue_dma source(%dma_start3A_47 : memref<640x64xf32, #tpu.memory_space<vmem_shared>>) target(%arg12 : memref<640x64xf32, #tpu.memory_space<vmem>>) target_semaphore(%run_scoped3A_43 : memref<!tpu.dma_semaphore, #tpu.memory_space<semaphore_mem>>)
      %dma_wait3A_48 = arith.constant 0 : i32
      %dma_wait3A_49 = tpu.memref_slice %arg13[%mul3A_2, %dma_wait3A_48] : memref<10240x64xf32, #tpu.memory_space<vmem_shared>> -> memref<640x64xf32, #tpu.memory_space<vmem_shared>>
      %dma_wait3A_50 = arith.constant 0 : i32
      %dma_wait3A_51 = tpu.memref_slice %arg13[%mul3A_2, %dma_wait3A_50] : memref<10240x64xf32, #tpu.memory_space<vmem_shared>> -> memref<640x64xf32, #tpu.memory_space<vmem_shared>>
      tpu.wait_dma2 semaphore(%run_scoped3A_43 : memref<!tpu.dma_semaphore, #tpu.memory_space<semaphore_mem>>) src(%dma_wait3A_51 : memref<640x64xf32, #tpu.memory_space<vmem_shared>>) dst(%arg12 : memref<640x64xf32, #tpu.memory_space<vmem>>)
      tpu.yield
    }) : () -> ()
    "tpu.region"() ({
      %run_scoped3A_43 = tpu.sem_alloc : memref<!tpu.dma_semaphore, #tpu.memory_space<semaphore_mem>>
      %dma_start3A_44 = arith.constant 0 : i32
      %dma_start3A_45 = arith.constant 0 : i32
      %dma_start3A_46 = tpu.memref_slice %arg6[%arg0, %dma_start3A_44, %dma_start3A_45] : memref<2x10240x64xf32, #tpu.memory_space<hbm>> -> memref<1x10240x64xf32, #tpu.memory_space<hbm>>
      %dma_start3A_47 = tpu.memref_squeeze %dma_start3A_46 : memref<1x10240x64xf32, #tpu.memory_space<hbm>> -> memref<10240x64xf32, #tpu.memory_space<hbm>>
      %dma_start3A_48 = arith.constant 0 : i32
      %dma_start3A_49 = tpu.memref_slice %dma_start3A_47[%mul3A_2, %dma_start3A_48] : memref<10240x64xf32, #tpu.memory_space<hbm>> -> memref<640x64xf32, #tpu.memory_space<hbm>>
      %dma_start3A_50 = arith.constant 0 : i32
      %dma_start3A_51 = arith.constant 0 : i32
      %dma_start3A_52 = tpu.memref_slice %arg6[%arg0, %dma_start3A_50, %dma_start3A_51] : memref<2x10240x64xf32, #tpu.memory_space<hbm>> -> memref<1x10240x64xf32, #tpu.memory_space<hbm>>
      %dma_start3A_53 = tpu.memref_squeeze %dma_start3A_52 : memref<1x10240x64xf32, #tpu.memory_space<hbm>> -> memref<10240x64xf32, #tpu.memory_space<hbm>>
      %dma_start3A_54 = arith.constant 0 : i32
      %dma_start3A_55 = tpu.memref_slice %dma_start3A_53[%mul3A_2, %dma_start3A_54] : memref<10240x64xf32, #tpu.memory_space<hbm>> -> memref<640x64xf32, #tpu.memory_space<hbm>>
      tpu.enqueue_dma source(%arg12 : memref<640x64xf32, #tpu.memory_space<vmem>>) target(%dma_start3A_55 : memref<640x64xf32, #tpu.memory_space<hbm>>) target_semaphore(%run_scoped3A_43 : memref<!tpu.dma_semaphore, #tpu.memory_space<semaphore_mem>>)
      %dma_wait3A_56 = arith.constant 0 : i32
      %dma_wait3A_57 = arith.constant 0 : i32
      %dma_wait3A_58 = tpu.memref_slice %arg6[%arg0, %dma_wait3A_56, %dma_wait3A_57] : memref<2x10240x64xf32, #tpu.memory_space<hbm>> -> memref<1x10240x64xf32, #tpu.memory_space<hbm>>
      %dma_wait3A_59 = tpu.memref_squeeze %dma_wait3A_58 : memref<1x10240x64xf32, #tpu.memory_space<hbm>> -> memref<10240x64xf32, #tpu.memory_space<hbm>>
      %dma_wait3A_60 = arith.constant 0 : i32
      %dma_wait3A_61 = tpu.memref_slice %dma_wait3A_59[%mul3A_2, %dma_wait3A_60] : memref<10240x64xf32, #tpu.memory_space<hbm>> -> memref<640x64xf32, #tpu.memory_space<hbm>>
      %dma_wait3A_62 = arith.constant 0 : i32
      %dma_wait3A_63 = arith.constant 0 : i32
      %dma_wait3A_64 = tpu.memref_slice %arg6[%arg0, %dma_wait3A_62, %dma_wait3A_63] : memref<2x10240x64xf32, #tpu.memory_space<hbm>> -> memref<1x10240x64xf32, #tpu.memory_space<hbm>>
      %dma_wait3A_65 = tpu.memref_squeeze %dma_wait3A_64 : memref<1x10240x64xf32, #tpu.memory_space<hbm>> -> memref<10240x64xf32, #tpu.memory_space<hbm>>
      %dma_wait3A_66 = arith.constant 0 : i32
      %dma_wait3A_67 = tpu.memref_slice %dma_wait3A_65[%mul3A_2, %dma_wait3A_66] : memref<10240x64xf32, #tpu.memory_space<hbm>> -> memref<640x64xf32, #tpu.memory_space<hbm>>
      tpu.wait_dma2 semaphore(%run_scoped3A_43 : memref<!tpu.dma_semaphore, #tpu.memory_space<semaphore_mem>>) src(%arg12 : memref<640x64xf32, #tpu.memory_space<vmem>>) dst(%dma_wait3A_67 : memref<640x64xf32, #tpu.memory_space<hbm>>)
      tpu.yield
    }) : () -> ()
    return
  }
}

module attributes {stable_mosaic.version = 14 : i64} {
  func.func @_tc_front_body(%arg0: i32, %arg1: memref<1000x128xf32, #tpu.memory_space<vmem>>, %arg2: memref<128x64xf32, #tpu.memory_space<vmem>>, %arg3: memref<1x64xf32, #tpu.memory_space<vmem>>, %arg4: memref<64x64xf32, #tpu.memory_space<vmem>>, %arg5: memref<1000x1xf32, #tpu.memory_space<vmem>>, %arg6: memref<1000x1xf32, #tpu.memory_space<vmem>>, %arg7: memref<1000x64xf32, #tpu.memory_space<vmem>>, %arg8: memref<1000x1xf32, #tpu.memory_space<vmem>>) attributes {dimension_semantics = [#tpu.dimension_semantics<arbitrary>], iteration_bounds = array<i64: 10>, scalar_prefetch = 0 : i64, scratch_operands = 0 : i64, tpu.core_type = #tpu.core_type<tc>, window_params = [{transform_indices = @transform_0, window_bounds = array<i64: 1000, 128>}, {pipeline_mode = #tpu.pipeline_mode<synchronous>, transform_indices = @transform_1, window_bounds = array<i64: 128, 64>}, {pipeline_mode = #tpu.pipeline_mode<synchronous>, transform_indices = @transform_2, window_bounds = array<i64: 1, 64>}, {pipeline_mode = #tpu.pipeline_mode<synchronous>, transform_indices = @transform_3, window_bounds = array<i64: 64, 64>}, {transform_indices = @transform_4, window_bounds = array<i64: 1000, 1>}, {transform_indices = @transform_5, window_bounds = array<i64: 1000, 1>}, {transform_indices = @transform_6, window_bounds = array<i64: 1000, 64>}, {transform_indices = @transform_7, window_bounds = array<i64: 1000, 1>}]} {
    %get3A = arith.constant 0 : index
    %get3A_0 = arith.constant 0 : index
    %get3A_1 = vector.load %arg1[%get3A, %get3A_0] : memref<1000x128xf32, #tpu.memory_space<vmem>>, vector<1000x128xf32>
    %get3A_2 = arith.constant 0 : index
    %get3A_3 = arith.constant 0 : index
    %get3A_4 = vector.load %arg2[%get3A_2, %get3A_3] : memref<128x64xf32, #tpu.memory_space<vmem>>, vector<128x64xf32>
    %dot_general3A = arith.constant dense<0.000000e+00> : vector<1000x64xf32>
    %dot_general3A_5 = tpu.matmul %get3A_1, %get3A_4, %dot_general3A {dimension_numbers = #tpu.dot_dimension_numbers<[1], [0], [0], [1], [0, 0, 1, 1], [], []>, transpose_lhs_hint = false} : vector<1000x128xf32>, vector<128x64xf32>, vector<1000x64xf32> -> vector<1000x64xf32>
    %get3A_6 = arith.constant 0 : index
    %get3A_7 = arith.constant 0 : index
    %get3A_8 = vector.load %arg3[%get3A_6, %get3A_7] : memref<1x64xf32, #tpu.memory_space<vmem>>, vector<1x64xf32>
    %add3A = vector.broadcast %get3A_8 : vector<1x64xf32> to vector<1000x64xf32>
    %add3A_9 = arith.addf %dot_general3A_5, %add3A : vector<1000x64xf32>
    %ge3A = arith.constant 0.000000e+00 : f32
    %ge3A_10 = vector.broadcast %ge3A : f32 to vector<1000x64xf32>
    %ge3A_11 = arith.cmpf oge, %add3A_9, %ge3A_10 : vector<1000x64xf32>
    %mul3A = arith.constant 0.00999999977 : f32
    %mul3A_12 = vector.broadcast %mul3A : f32 to vector<1000x64xf32>
    %mul3A_13 = arith.mulf %mul3A_12, %add3A_9 : vector<1000x64xf32>
    %select_n3A = arith.select %ge3A_11, %add3A_9, %mul3A_13 : vector<1000x64xi1>, vector<1000x64xf32>
    %get3A_14 = arith.constant 0 : index
    %get3A_15 = arith.constant 0 : index
    %get3A_16 = vector.load %arg5[%get3A_14, %get3A_15] : memref<1000x1xf32, #tpu.memory_space<vmem>>, vector<1000x1xf32>
    %add3A_17 = arith.constant 1.000000e+00 : f32
    %add3A_18 = vector.broadcast %add3A_17 : f32 to vector<1000x1xf32>
    %add3A_19 = arith.addf %add3A_18, %get3A_16 : vector<1000x1xf32>
    %get3A_20 = arith.constant 0 : index
    %get3A_21 = arith.constant 0 : index
    %get3A_22 = vector.load %arg6[%get3A_20, %get3A_21] : memref<1000x1xf32, #tpu.memory_space<vmem>>, vector<1000x1xf32>
    %add3A_23 = arith.addf %add3A_19, %get3A_22 : vector<1000x1xf32>
    %rsqrt3A = math.rsqrt %add3A_23 : vector<1000x1xf32>
    %get3A_24 = arith.constant 0 : index
    %get3A_25 = arith.constant 0 : index
    %get3A_26 = vector.load %arg4[%get3A_24, %get3A_25] : memref<64x64xf32, #tpu.memory_space<vmem>>, vector<64x64xf32>
    %dot_general3A_27 = arith.constant dense<0.000000e+00> : vector<1000x64xf32>
    %dot_general3A_28 = tpu.matmul %select_n3A, %get3A_26, %dot_general3A_27 {dimension_numbers = #tpu.dot_dimension_numbers<[1], [0], [0], [1], [0, 0, 1, 1], [], []>, transpose_lhs_hint = false} : vector<1000x64xf32>, vector<64x64xf32>, vector<1000x64xf32> -> vector<1000x64xf32>
    %mul3A_29 = vector.broadcast %rsqrt3A : vector<1000x1xf32> to vector<1000x64xf32>
    %mul3A_30 = arith.mulf %mul3A_29, %dot_general3A_28 : vector<1000x64xf32>
    %swap3A = arith.constant 0 : index
    %swap3A_31 = arith.constant 0 : index
    %swap3A_32 = vector.load %arg7[%swap3A, %swap3A_31] : memref<1000x64xf32, #tpu.memory_space<vmem>>, vector<1000x64xf32>
    tpu.vector_store %arg7[%swap3A, %swap3A_31], %mul3A_30 {strides = array<i32>} : memref<1000x64xf32, #tpu.memory_space<vmem>>, vector<1000x64xf32>,
    %swap3A_33 = arith.constant 0 : index
    %swap3A_34 = arith.constant 0 : index
    %swap3A_35 = vector.load %arg8[%swap3A_33, %swap3A_34] : memref<1000x1xf32, #tpu.memory_space<vmem>>, vector<1000x1xf32>
    tpu.vector_store %arg8[%swap3A_33, %swap3A_34], %rsqrt3A {strides = array<i32>} : memref<1000x1xf32, #tpu.memory_space<vmem>>, vector<1000x1xf32>,
    return
  }
  func.func @transform_0(%arg0: i32) -> (i32, i32) {
    %c0_i32 = arith.constant 0 : i32
    %c0_i32_0 = arith.constant 0 : i32
    return %arg0, %c0_i32 : i32, i32
  }
  func.func @transform_1(%arg0: i32) -> (i32, i32) {
    %c0_i32 = arith.constant 0 : i32
    %c0_i32_0 = arith.constant 0 : i32
    %c0_i32_1 = arith.constant 0 : i32
    return %c0_i32, %c0_i32_0 : i32, i32
  }
  func.func @transform_2(%arg0: i32) -> (i32, i32) {
    %c0_i32 = arith.constant 0 : i32
    %c0_i32_0 = arith.constant 0 : i32
    %c0_i32_1 = arith.constant 0 : i32
    return %c0_i32, %c0_i32_0 : i32, i32
  }
  func.func @transform_3(%arg0: i32) -> (i32, i32) {
    %c0_i32 = arith.constant 0 : i32
    %c0_i32_0 = arith.constant 0 : i32
    %c0_i32_1 = arith.constant 0 : i32
    return %c0_i32, %c0_i32_0 : i32, i32
  }
  func.func @transform_4(%arg0: i32) -> (i32, i32) {
    %c0_i32 = arith.constant 0 : i32
    %c0_i32_0 = arith.constant 0 : i32
    return %arg0, %c0_i32 : i32, i32
  }
  func.func @transform_5(%arg0: i32) -> (i32, i32) {
    %c0_i32 = arith.constant 0 : i32
    %c0_i32_0 = arith.constant 0 : i32
    return %arg0, %c0_i32 : i32, i32
  }
  func.func @transform_6(%arg0: i32) -> (i32, i32) {
    %c0_i32 = arith.constant 0 : i32
    %c0_i32_0 = arith.constant 0 : i32
    return %arg0, %c0_i32 : i32, i32
  }
  func.func @transform_7(%arg0: i32) -> (i32, i32) {
    %c0_i32 = arith.constant 0 : i32
    %c0_i32_0 = arith.constant 0 : i32
    return %arg0, %c0_i32 : i32, i32
  }
}

module attributes {stable_mosaic.version = 14 : i64} {
  func.func @_tc_layer_body(%arg0: i32, %arg1: memref<2x1000x64xf32, #tpu.memory_space<vmem>>, %arg2: memref<1000x64xf32, #tpu.memory_space<vmem>>, %arg3: memref<1000x1xf32, #tpu.memory_space<vmem>>, %arg4: memref<1x64xf32, #tpu.memory_space<vmem>>, %arg5: memref<64x64xf32, #tpu.memory_space<vmem>>, %arg6: memref<1000x64xf32, #tpu.memory_space<vmem>>, %arg7: memref<1000x64xf32, #tpu.memory_space<vmem>>) attributes {dimension_semantics = [#tpu.dimension_semantics<arbitrary>], iteration_bounds = array<i64: 10>, scalar_prefetch = 0 : i64, scratch_operands = 0 : i64, tpu.core_type = #tpu.core_type<tc>, window_params = [{transform_indices = @transform_0, window_bounds = array<i64: 2, 1000, 64>}, {transform_indices = @transform_1, window_bounds = array<i64: 1000, 64>}, {transform_indices = @transform_2, window_bounds = array<i64: 1000, 1>}, {pipeline_mode = #tpu.pipeline_mode<synchronous>, transform_indices = @transform_3, window_bounds = array<i64: 1, 64>}, {pipeline_mode = #tpu.pipeline_mode<synchronous>, transform_indices = @transform_4, window_bounds = array<i64: 64, 64>}, {transform_indices = @transform_5, window_bounds = array<i64: 1000, 64>}, {transform_indices = @transform_6, window_bounds = array<i64: 1000, 64>}]} {
    %get3A = arith.constant 0 : index
    %get3A_0 = arith.constant 0 : index
    %get3A_1 = vector.load %arg3[%get3A, %get3A_0] : memref<1000x1xf32, #tpu.memory_space<vmem>>, vector<1000x1xf32>
    %get3A_2 = arith.constant 0 : index
    %get3A_3 = arith.constant 0 : index
    %get3A_4 = arith.constant 0 : index
    %get3A_5 = vector.load %arg1[%get3A_2, %get3A_3, %get3A_4] : memref<2x1000x64xf32, #tpu.memory_space<vmem>>, vector<1x1000x64xf32>
    %get3A_6 = vector.shape_cast %get3A_5 : vector<1x1000x64xf32> to vector<1000x64xf32>
    %get3A_7 = arith.constant 1 : index
    %get3A_8 = arith.constant 0 : index
    %get3A_9 = arith.constant 0 : index
    %get3A_10 = vector.load %arg1[%get3A_7, %get3A_8, %get3A_9] : memref<2x1000x64xf32, #tpu.memory_space<vmem>>, vector<1x1000x64xf32>
    %get3A_11 = vector.shape_cast %get3A_10 : vector<1x1000x64xf32> to vector<1000x64xf32>
    %add3A = arith.addf %get3A_6, %get3A_11 : vector<1000x64xf32>
    %get3A_12 = arith.constant 0 : index
    %get3A_13 = arith.constant 0 : index
    %get3A_14 = vector.load %arg2[%get3A_12, %get3A_13] : memref<1000x64xf32, #tpu.memory_space<vmem>>, vector<1000x64xf32>
    %add3A_15 = arith.addf %add3A, %get3A_14 : vector<1000x64xf32>
    %mul3A = vector.broadcast %get3A_1 : vector<1000x1xf32> to vector<1000x64xf32>
    %mul3A_16 = arith.mulf %add3A_15, %mul3A : vector<1000x64xf32>
    %get3A_17 = arith.constant 0 : index
    %get3A_18 = arith.constant 0 : index
    %get3A_19 = vector.load %arg4[%get3A_17, %get3A_18] : memref<1x64xf32, #tpu.memory_space<vmem>>, vector<1x64xf32>
    %add3A_20 = vector.broadcast %get3A_19 : vector<1x64xf32> to vector<1000x64xf32>
    %add3A_21 = arith.addf %mul3A_16, %add3A_20 : vector<1000x64xf32>
    %ge3A = arith.constant 0.000000e+00 : f32
    %ge3A_22 = vector.broadcast %ge3A : f32 to vector<1000x64xf32>
    %ge3A_23 = arith.cmpf oge, %add3A_21, %ge3A_22 : vector<1000x64xf32>
    %mul3A_24 = arith.constant 0.00999999977 : f32
    %mul3A_25 = vector.broadcast %mul3A_24 : f32 to vector<1000x64xf32>
    %mul3A_26 = arith.mulf %mul3A_25, %add3A_21 : vector<1000x64xf32>
    %select_n3A = arith.select %ge3A_23, %add3A_21, %mul3A_26 : vector<1000x64xi1>, vector<1000x64xf32>
    %swap3A = arith.constant 0 : index
    %swap3A_27 = arith.constant 0 : index
    %swap3A_28 = vector.load %arg6[%swap3A, %swap3A_27] : memref<1000x64xf32, #tpu.memory_space<vmem>>, vector<1000x64xf32>
    tpu.vector_store %arg6[%swap3A, %swap3A_27], %select_n3A {strides = array<i32>} : memref<1000x64xf32, #tpu.memory_space<vmem>>, vector<1000x64xf32>,
    %get3A_29 = arith.constant 0 : index
    %get3A_30 = arith.constant 0 : index
    %get3A_31 = vector.load %arg5[%get3A_29, %get3A_30] : memref<64x64xf32, #tpu.memory_space<vmem>>, vector<64x64xf32>
    %dot_general3A = arith.constant dense<0.000000e+00> : vector<1000x64xf32>
    %dot_general3A_32 = tpu.matmul %select_n3A, %get3A_31, %dot_general3A {dimension_numbers = #tpu.dot_dimension_numbers<[1], [0], [0], [1], [0, 0, 1, 1], [], []>, transpose_lhs_hint = false} : vector<1000x64xf32>, vector<64x64xf32>, vector<1000x64xf32> -> vector<1000x64xf32>
    %mul3A_33 = vector.broadcast %get3A_1 : vector<1000x1xf32> to vector<1000x64xf32>
    %mul3A_34 = arith.mulf %mul3A_33, %dot_general3A_32 : vector<1000x64xf32>
    %swap3A_35 = arith.constant 0 : index
    %swap3A_36 = arith.constant 0 : index
    %swap3A_37 = vector.load %arg7[%swap3A_35, %swap3A_36] : memref<1000x64xf32, #tpu.memory_space<vmem>>, vector<1000x64xf32>
    tpu.vector_store %arg7[%swap3A_35, %swap3A_36], %mul3A_34 {strides = array<i32>} : memref<1000x64xf32, #tpu.memory_space<vmem>>, vector<1000x64xf32>,
    return
  }
  func.func @transform_0(%arg0: i32) -> (i32, i32, i32) {
    %c0_i32 = arith.constant 0 : i32
    %c0_i32_0 = arith.constant 0 : i32
    %c0_i32_1 = arith.constant 0 : i32
    return %c0_i32, %arg0, %c0_i32_0 : i32, i32, i32
  }
  func.func @transform_1(%arg0: i32) -> (i32, i32) {
    %c0_i32 = arith.constant 0 : i32
    %c0_i32_0 = arith.constant 0 : i32
    return %arg0, %c0_i32 : i32, i32
  }
  func.func @transform_2(%arg0: i32) -> (i32, i32) {
    %c0_i32 = arith.constant 0 : i32
    %c0_i32_0 = arith.constant 0 : i32
    return %arg0, %c0_i32 : i32, i32
  }
  func.func @transform_3(%arg0: i32) -> (i32, i32) {
    %c0_i32 = arith.constant 0 : i32
    %c0_i32_0 = arith.constant 0 : i32
    %c0_i32_1 = arith.constant 0 : i32
    return %c0_i32, %c0_i32_0 : i32, i32
  }
  func.func @transform_4(%arg0: i32) -> (i32, i32) {
    %c0_i32 = arith.constant 0 : i32
    %c0_i32_0 = arith.constant 0 : i32
    %c0_i32_1 = arith.constant 0 : i32
    return %c0_i32, %c0_i32_0 : i32, i32
  }
  func.func @transform_5(%arg0: i32) -> (i32, i32) {
    %c0_i32 = arith.constant 0 : i32
    %c0_i32_0 = arith.constant 0 : i32
    return %arg0, %c0_i32 : i32, i32
  }
  func.func @transform_6(%arg0: i32) -> (i32, i32) {
    %c0_i32 = arith.constant 0 : i32
    %c0_i32_0 = arith.constant 0 : i32
    return %arg0, %c0_i32 : i32, i32
  }
}

module attributes {stable_mosaic.version = 14 : i64} {
  func.func @_tc_layer_body(%arg0: i32, %arg1: memref<2x1000x64xf32, #tpu.memory_space<vmem>>, %arg2: memref<1000x64xf32, #tpu.memory_space<vmem>>, %arg3: memref<1000x1xf32, #tpu.memory_space<vmem>>, %arg4: memref<1x64xf32, #tpu.memory_space<vmem>>, %arg5: memref<64x64xf32, #tpu.memory_space<vmem>>, %arg6: memref<1000x64xf32, #tpu.memory_space<vmem>>, %arg7: memref<1000x64xf32, #tpu.memory_space<vmem>>) attributes {dimension_semantics = [#tpu.dimension_semantics<arbitrary>], iteration_bounds = array<i64: 10>, scalar_prefetch = 0 : i64, scratch_operands = 0 : i64, tpu.core_type = #tpu.core_type<tc>, window_params = [{transform_indices = @transform_0, window_bounds = array<i64: 2, 1000, 64>}, {transform_indices = @transform_1, window_bounds = array<i64: 1000, 64>}, {transform_indices = @transform_2, window_bounds = array<i64: 1000, 1>}, {pipeline_mode = #tpu.pipeline_mode<synchronous>, transform_indices = @transform_3, window_bounds = array<i64: 1, 64>}, {pipeline_mode = #tpu.pipeline_mode<synchronous>, transform_indices = @transform_4, window_bounds = array<i64: 64, 64>}, {transform_indices = @transform_5, window_bounds = array<i64: 1000, 64>}, {transform_indices = @transform_6, window_bounds = array<i64: 1000, 64>}]} {
    %get3A = arith.constant 0 : index
    %get3A_0 = arith.constant 0 : index
    %get3A_1 = vector.load %arg3[%get3A, %get3A_0] : memref<1000x1xf32, #tpu.memory_space<vmem>>, vector<1000x1xf32>
    %get3A_2 = arith.constant 0 : index
    %get3A_3 = arith.constant 0 : index
    %get3A_4 = arith.constant 0 : index
    %get3A_5 = vector.load %arg1[%get3A_2, %get3A_3, %get3A_4] : memref<2x1000x64xf32, #tpu.memory_space<vmem>>, vector<1x1000x64xf32>
    %get3A_6 = vector.shape_cast %get3A_5 : vector<1x1000x64xf32> to vector<1000x64xf32>
    %get3A_7 = arith.constant 1 : index
    %get3A_8 = arith.constant 0 : index
    %get3A_9 = arith.constant 0 : index
    %get3A_10 = vector.load %arg1[%get3A_7, %get3A_8, %get3A_9] : memref<2x1000x64xf32, #tpu.memory_space<vmem>>, vector<1x1000x64xf32>
    %get3A_11 = vector.shape_cast %get3A_10 : vector<1x1000x64xf32> to vector<1000x64xf32>
    %add3A = arith.addf %get3A_6, %get3A_11 : vector<1000x64xf32>
    %get3A_12 = arith.constant 0 : index
    %get3A_13 = arith.constant 0 : index
    %get3A_14 = vector.load %arg2[%get3A_12, %get3A_13] : memref<1000x64xf32, #tpu.memory_space<vmem>>, vector<1000x64xf32>
    %add3A_15 = arith.addf %add3A, %get3A_14 : vector<1000x64xf32>
    %mul3A = vector.broadcast %get3A_1 : vector<1000x1xf32> to vector<1000x64xf32>
    %mul3A_16 = arith.mulf %add3A_15, %mul3A : vector<1000x64xf32>
    %get3A_17 = arith.constant 0 : index
    %get3A_18 = arith.constant 0 : index
    %get3A_19 = vector.load %arg4[%get3A_17, %get3A_18] : memref<1x64xf32, #tpu.memory_space<vmem>>, vector<1x64xf32>
    %add3A_20 = vector.broadcast %get3A_19 : vector<1x64xf32> to vector<1000x64xf32>
    %add3A_21 = arith.addf %mul3A_16, %add3A_20 : vector<1000x64xf32>
    %ge3A = arith.constant 0.000000e+00 : f32
    %ge3A_22 = vector.broadcast %ge3A : f32 to vector<1000x64xf32>
    %ge3A_23 = arith.cmpf oge, %add3A_21, %ge3A_22 : vector<1000x64xf32>
    %mul3A_24 = arith.constant 0.00999999977 : f32
    %mul3A_25 = vector.broadcast %mul3A_24 : f32 to vector<1000x64xf32>
    %mul3A_26 = arith.mulf %mul3A_25, %add3A_21 : vector<1000x64xf32>
    %select_n3A = arith.select %ge3A_23, %add3A_21, %mul3A_26 : vector<1000x64xi1>, vector<1000x64xf32>
    %swap3A = arith.constant 0 : index
    %swap3A_27 = arith.constant 0 : index
    %swap3A_28 = vector.load %arg6[%swap3A, %swap3A_27] : memref<1000x64xf32, #tpu.memory_space<vmem>>, vector<1000x64xf32>
    tpu.vector_store %arg6[%swap3A, %swap3A_27], %select_n3A {strides = array<i32>} : memref<1000x64xf32, #tpu.memory_space<vmem>>, vector<1000x64xf32>,
    %get3A_29 = arith.constant 0 : index
    %get3A_30 = arith.constant 0 : index
    %get3A_31 = vector.load %arg5[%get3A_29, %get3A_30] : memref<64x64xf32, #tpu.memory_space<vmem>>, vector<64x64xf32>
    %dot_general3A = arith.constant dense<0.000000e+00> : vector<1000x64xf32>
    %dot_general3A_32 = tpu.matmul %select_n3A, %get3A_31, %dot_general3A {dimension_numbers = #tpu.dot_dimension_numbers<[1], [0], [0], [1], [0, 0, 1, 1], [], []>, transpose_lhs_hint = false} : vector<1000x64xf32>, vector<64x64xf32>, vector<1000x64xf32> -> vector<1000x64xf32>
    %mul3A_33 = vector.broadcast %get3A_1 : vector<1000x1xf32> to vector<1000x64xf32>
    %mul3A_34 = arith.mulf %mul3A_33, %dot_general3A_32 : vector<1000x64xf32>
    %swap3A_35 = arith.constant 0 : index
    %swap3A_36 = arith.constant 0 : index
    %swap3A_37 = vector.load %arg7[%swap3A_35, %swap3A_36] : memref<1000x64xf32, #tpu.memory_space<vmem>>, vector<1000x64xf32>
    tpu.vector_store %arg7[%swap3A_35, %swap3A_36], %mul3A_34 {strides = array<i32>} : memref<1000x64xf32, #tpu.memory_space<vmem>>, vector<1000x64xf32>,
    return
  }
  func.func @transform_0(%arg0: i32) -> (i32, i32, i32) {
    %c0_i32 = arith.constant 0 : i32
    %c0_i32_0 = arith.constant 0 : i32
    %c0_i32_1 = arith.constant 0 : i32
    return %c0_i32, %arg0, %c0_i32_0 : i32, i32, i32
  }
  func.func @transform_1(%arg0: i32) -> (i32, i32) {
    %c0_i32 = arith.constant 0 : i32
    %c0_i32_0 = arith.constant 0 : i32
    return %arg0, %c0_i32 : i32, i32
  }
  func.func @transform_2(%arg0: i32) -> (i32, i32) {
    %c0_i32 = arith.constant 0 : i32
    %c0_i32_0 = arith.constant 0 : i32
    return %arg0, %c0_i32 : i32, i32
  }
  func.func @transform_3(%arg0: i32) -> (i32, i32) {
    %c0_i32 = arith.constant 0 : i32
    %c0_i32_0 = arith.constant 0 : i32
    %c0_i32_1 = arith.constant 0 : i32
    return %c0_i32, %c0_i32_0 : i32, i32
  }
  func.func @transform_4(%arg0: i32) -> (i32, i32) {
    %c0_i32 = arith.constant 0 : i32
    %c0_i32_0 = arith.constant 0 : i32
    %c0_i32_1 = arith.constant 0 : i32
    return %c0_i32, %c0_i32_0 : i32, i32
  }
  func.func @transform_5(%arg0: i32) -> (i32, i32) {
    %c0_i32 = arith.constant 0 : i32
    %c0_i32_0 = arith.constant 0 : i32
    return %arg0, %c0_i32 : i32, i32
  }
  func.func @transform_6(%arg0: i32) -> (i32, i32) {
    %c0_i32 = arith.constant 0 : i32
    %c0_i32_0 = arith.constant 0 : i32
    return %arg0, %c0_i32 : i32, i32
  }
}

</mosaic_0001>

<sc_bundles>
// kernel: kernel.12.cloned.1.call-start
scs
__scs_entry_jumppad:
0x0: {  	(pc) =	sbr.rel $0x88, $3  }
0x1: {  	(tag) =	ssettag $0x0;
	lr =	simm.s32 $0x1  }
0x2: {  	[smem:$0x3F9B] =	sst lr;
	_ =	strace $0xD0000000  }
0x3: {  	_ = 	snop  }
0x4: {  	_ = 	snop  }
0x5: {  	_ = 	snop  }
0x6: {  	_ = 	snop  }
0x7: {  	_ = 	snop  }
__scs_overlays_trampoline_lowered:
0x8: {  	[smem:$0x3FAA] =	sst s0  }
0x9: {  	[smem:$0x3FAB] =	sst s1  }
0xa: {  	[smem:$0x3FAC] =	sst s2  }
0xb: {  	[smem:$0x3FAD] =	sst s3  }
0xc: {  	[smem:$0x3FAE] =	sst s4  }
0xd: {  	[smem:$0x3FAF] =	sst s5  }
0xe: {  	[smem:$0x3FB0] =	sst s6  }
0xf: {  	[smem:$0x3FB1] =	sst s7  }
0x10: {  	[smem:$0x3FB2] =	sst s8  }
0x11: {  	[smem:$0x3FB3] =	sst s9;
	s0 =	simm.s32 @!p0 $0x0  }
0x12: {  	s1 =	sld [smem:$0x3F99];
	s0 =	simm.s32 @p0 $0x1  }
0x13: {  	[smem:$0x3FB4] =	sst s0;
	s0 =	simm.s32 @!p1 $0x0  }
0x14: {  	s2 =	sld [smem:$0x3F98];
	s0 =	simm.s32 @p1 $0x1  }
0x15: {  	[smem:$0x3FB5] =	sst s0;
	s0 =	simm.s32 @!p2 $0x0  }
0x16: {  	s3 =	sld [smem:$0x3FDB];
	s0 =	simm.s32 @p2 $0x1  }
0x17: {  	s4 =	simm.s32 $0x1BF5;
	[smem:$0x3FB7] =	sst s0  }
0x18: {  	s0 =	sld [smem:$0x3F9A];
	_ =	swait.ge [sflag:s4], $0x0  }
0x19: {  	s7 =	sld [smem:$0x3F9B]  }
0x1a: {  	s8 =	sadd.s32 $0xFFFFE003, lr  }
0x1b: {  	s9 =	sadd.s32 $0xFFFFFEF7, lr;
	s5 =	simm.s32 $0xFFFFFFFF;
	p2 =	slt.u32 s8, $0xFFFFF086  }
0x1c: {  	p1 =	slt.u32 s9, $0xF7A;
	s5 =	simm.s32 @!p2 $0x0  }
0x1d: {  	s5 =	simm.s32 @p1 $0x1;
	p0 =	seq.s32 s7, s2  }
0x1e: {  	s7 =	smul.u32 @!p0 $0xF7A, s2;
	p2 =	seq.s32 @!p0 s5, $0x0  }
0x1f: {  	s9 =	smul.u32 $0xF7A, s1;
	s8 =	simm.s32 @!p0 $0x1BF5;
	p2 =	por !p2, p0  }
0x20: {  	[sflag:s8] =	ssyncset.s32 @!p0 $0xFFFFF086;
	s6 =	sadd.s32 @!p0 s3, s7;
	s7 =	simm.s32 @!p0 $0x108  }
0x21: {  	s3 =	sadd.s32 s3, s9;
	s6 =	sadd.s32 @!p0 $0x88, s6;
	s7 =	simm.s32 @p2 $0x1082  }
0x22: {  	[simem:s7], [sflag:s8] =	dma.local @!p0 [hbm:s6], $0xF7A  }
0x23: {  	s9 =	sor.u32 $0xD0000000, s2;
	s6 =	simm.s32 $0x108;
	_ =	swait.ge @!p0 [sflag:s8], $0x0  }
0x24: {  	s3 =	sadd.s32 $0x88, s3;
	s6 =	simm.s32 @!p1 $0x1082;
	[sflag:s4] =	ssyncset.s32 $0xFFFFF086  }
0x25: {  	[simem:s6], [sflag:s4] =	dma.local [hbm:s3], $0xF7A  }
0x26: {  	[smem:$0x3F9B] =	sst s1;
	(tag) =	ssettag s2;
	_ =	strace s9  }
0x27: {  	s1 =	sld [smem:$0x3FAB]  }
0x28: {  	s2 =	sld [smem:$0x3FAC]  }
0x29: {  	s4 =	sld [smem:$0x3FAE]  }
0x2a: {  	p0 =	seq.s32 s5, $0x0;
	s5 =	sld [smem:$0x3FAF]  }
0x2b: {  	s6 =	sld [smem:$0x3FB0]  }
0x2c: {  	s7 =	sld [smem:$0x3FB1]  }
0x2d: {  	s3 =	simm.s32 $0x108;
	s8 =	sld [smem:$0x3FB2]  }
0x2e: {  	s3 =	simm.s32 @!p0 $0x1082;
	s9 =	sld [smem:$0x3FB3]  }
0x2f: {  	lr =	sadd.s32 s0, s3;
	s0 =	sld [smem:$0x3FAA]  }
0x30: {  	s3 =	sld [smem:$0x3FAD]  }
0x31: {  	[smem:$0x3FB6] =	sst s10  }
0x32: {  	s10 =	sld [smem:$0x3FB4];
	_ =	sdelay $0x3  }
0x33: {  	p0 =	seq.s32 s10, $0x1;
	s10 =	sld [smem:$0x3FB6];
	_ =	sdelay $0x3  }
0x34: {  	[smem:$0x3FB6] =	sst s10  }
0x35: {  	s10 =	sld [smem:$0x3FB5];
	_ =	sdelay $0x3  }
0x36: {  	p1 =	seq.s32 s10, $0x1;
	s10 =	sld [smem:$0x3FB6];
	_ =	sdelay $0x3  }
0x37: {  	[smem:$0x3FB6] =	sst s10  }
0x38: {  	s10 =	sld [smem:$0x3FB7]  }
0x39: {  	_ = 	snop;
	(pc) =	sbr.ind lr, $3  }
0x3a: {  	_ = 	snop  }
0x3b: {  	_ = 	snop  }
0x3c: {  	p2 =	seq.s32 s10, $0x1;
	s10 =	sld [smem:$0x3FB6]  }
0x3d: {  	_ =	shalt  }
0x3e: {  	_ =	shalt  }
0x3f: {  	_ =	shalt  }
0x40: {  	_ =	shalt  }
0x41: {  	_ =	shalt  }
0x42: {  	_ =	shalt  }
0x43: {  	_ =	shalt  }
0x44: {  	_ =	shalt  }
0x45: {  	_ =	shalt  }
0x46: {  	_ =	shalt  }
0x47: {  	_ =	shalt  }
0x48: {  	_ =	shalt  }
0x49: {  	_ =	shalt  }
0x4a: {  	_ =	shalt  }
0x4b: {  	_ =	shalt  }
0x4c: {  	_ =	shalt  }
0x4d: {  	_ =	shalt  }
0x4e: {  	_ =	shalt  }
0x4f: {  	_ =	shalt  }
0x50: {  	_ =	shalt  }
0x51: {  	_ =	shalt  }
0x52: {  	_ =	shalt  }
0x53: {  	_ =	shalt  }
0x54: {  	_ =	shalt  }
0x55: {  	_ =	shalt  }
0x56: {  	_ =	shalt  }
0x57: {  	_ =	shalt  }
0x58: {  	_ =	shalt  }
0x59: {  	_ =	shalt  }
0x5a: {  	_ =	shalt  }
0x5b: {  	_ =	shalt  }
0x5c: {  	_ =	shalt  }
0x5d: {  	_ =	shalt  }
0x5e: {  	_ =	shalt  }
0x5f: {  	_ =	shalt  }
0x60: {  	_ =	shalt  }
0x61: {  	_ =	shalt  }
0x62: {  	_ =	shalt  }
0x63: {  	_ =	shalt  }
0x64: {  	_ =	shalt  }
0x65: {  	_ =	shalt  }
0x66: {  	_ =	shalt  }
0x67: {  	_ =	shalt  }
0x68: {  	_ =	shalt  }
0x69: {  	_ =	shalt  }
0x6a: {  	_ =	shalt  }
0x6b: {  	_ =	shalt  }
0x6c: {  	_ =	shalt  }
0x6d: {  	_ =	shalt  }
0x6e: {  	_ =	shalt  }
0x6f: {  	_ =	shalt  }
0x70: {  	_ =	shalt  }
0x71: {  	_ =	shalt  }
0x72: {  	_ =	shalt  }
0x73: {  	_ =	shalt  }
0x74: {  	_ =	shalt  }
0x75: {  	_ =	shalt  }
0x76: {  	_ =	shalt  }
0x77: {  	_ =	shalt  }
0x78: {  	_ =	shalt  }
0x79: {  	_ =	shalt  }
0x7a: {  	_ =	shalt  }
0x7b: {  	_ =	shalt  }
0x7c: {  	_ =	shalt  }
0x7d: {  	_ =	shalt  }
0x7e: {  	_ =	shalt  }
0x7f: {  	_ =	shalt  }
0x80: {  	_ =	shalt  }
0x81: {  	_ =	shalt  }
0x82: {  	_ =	shalt  }
0x83: {  	_ =	shalt  }
0x84: {  	_ =	shalt  }
0x85: {  	_ =	shalt  }
0x86: {  	_ =	shalt  }
0x87: {  	_ =	shalt  }
.Lfunc_end0:
.L_simem_size_0:
called_computation_lowered:
.L_overlay_start_0:
0x88: {  	s2 =	sld [smem:$0x3FD9]  }
0x89: {  	s3 =	sld [smem:$0x3FFE];
	_ =	sdelay $0x1  }
0x8a: {  	s1 =	srdreg.scid  }
0x8b: {  	s0 =	sand.u32 $0x1, s1  }
0x8c: {  	s14 =	sshll.u32 s0, $0xA;
	s2 =	sadd.s32 s3, s2  }
0x8d: {  	s2 =	sadd.s32 s2, s14  }
0x8e: {  	[smem:$0x3FC2] =	sst s2  }
0x8f: {  	_ = 	snop  }
0x90: {  	s2 =	sld [smem:$0x3FD0];
	_ =	sdelay $0x2  }
0x91: {  	s15 =	simm.s32 $0xA;
	s4 =	simm.s32 $0x10  }
0x92: {  	[smem:s4], [sflag:s15] =	dma.local [hbm:s2], $0x1  }
0x93: {  	_ =	swait.eq [sflag:s15], $0x1  }
0x94: {  	[sflag:s15] =	ssyncset.done $0x0  }
0x95: {  	s16 =	sld [smem:$0x11];
	[sflag:s15] =	ssyncadd.s32 $0xFFFFFFFF  }
0x96: {  	s17 =	sld [smem:$0x12];
	(tm) =	ssettm $0x1  }
0x97: {  	s18 =	sld [smem:$0x3FFB];
	_ =	sdelay $0x3  }
0x98: {  	_ =	strace s18  }
0x99: {  	s4 =	sld [smem:$0x3FFC];
	_ =	sdelay $0x3  }
0x9a: {  	_ =	strace s4  }
0x9b: {  	s4 =	sld [smem:$0x3FFD];
	_ =	sdelay $0x3  }
0x9c: {  	_ =	strace s4  }
0x9d: {  	_ =	strace $0x8FFFFFFF  }
0x9e: {  	s19 =	sld [smem:$0x3FDB];
	_ =	sdelay $0x1  }
0x9f: {  	s5 =	simm.s32 $_scs_section_size  }
0xa0: {  	s6 =	simm.s32 $_size__tile_overlayer_lowered;
	s7 =	simm.s32 $_tile_overlayer_lowered  }
0xa1: {  	s22 =	simm.s32 $0x1BFF;
	s21 =	sshll.u32 s7, $0x1;
	s4 =	sadd.s32 s5, s19  }
0xa2: {  	s8 =	simm.s32 $0x0;
	s20 =	sshll.u32 s6, $0x1;
	s6 =	sadd.s32 s21, s4  }
0xa3: {  	[timem:s8], [sflag:s22] =	dma.local [hbm:s6], s20  }
0xa4: {  	_ =	swait.ge [sflag:s22], s20  }
0xa5: {  	s5 =	ssub.s32 $0x0, s20;
	[sflag:s22] =	ssyncset.done $0x0  }
0xa6: {  	[sflag:s22] =	ssyncadd.s32 s5;
	_ =	sdelay $0x1  }
0xa7: {  	s23 =	simm.s32 $0x1B8B  }
0xa8: {  	_ =	swait.ge [sflag:s23], $0x1  }
0xa9: {  	[sflag:s23] =	ssyncset.done $0x0  }
0xaa: {  	s25 =	simm.s32 $0x1B8E;
	s24 =	sld [smem:$0x3FFE];
	[sflag:s23] =	ssyncadd.s32 $0xFFFFFFFF  }
0xab: {  	s26 =	simm.s32 $execute0_lowered;
	[smem:$0x3FD2] =	sst s25  }
0xac: {  	s6 =	sshll.u32 s26, $0x1;
	_ =	strace $0x80000046;
	[dreg:$0x1] =	wrdreg $0xFFFFFFFF  }
0xad: {  	s28 =	simm.s32 $_size_execute0_lowered;
	s4 =	sadd.s32 s4, s6;
	[dreg:$0x0] =	wrdreg $0x0  }
0xae: {  	s6 =	sshll.u32 s28, $0x1;
	[dreg:$0x2] =	wrdreg s4  }
0xaf: {  	[dreg:$0x3] =	wrdreg s6  }
0xb0: {  	[dreg:$0x4] =	wrdreg $0xC0  }
0xb1: {  	_ =	task [dreg:s8], $0x5FFFF  }
0xb2: {  	[dreg:$0x1] =	wrdreg $0xFFFFFFFF  }
0xb3: {  	[dreg:$0x0] =	wrdreg $0x60  }
0xb4: {  	[dreg:$0x2] =	wrdreg s24  }
0xb5: {  	[dreg:$0x3] =	wrdreg s17  }
0xb6: {  	[dreg:$0x4] =	wrdreg s16  }
0xb7: {  	[dreg:$0x5] =	wrdreg $0x57D00  }
0xb8: {  	[dreg:$0x6] =	wrdreg $0x9  }
0xb9: {  	_ =	task.clear_ibuf [dreg:s8], $0x7FFFF;
	_ =	strace $0x90000046  }
0xba: {  	s29 =	simm.s32 $0x9;
	_ =	strace $0x80000048  }
0xbb: {  	_ =	swait.ge [sflag:s29], $0x1  }
0xbc: {  	[sflag:s29] =	ssyncadd.s32 $0xFFFFFFFF  }
0xbd: {  	_ =	strace $0x90000048  }
0xbe: {  	_ =	sfence  }
0xbf: {  	s30 =	sld [smem:$0x0];
	_ =	sdelay $0x2  }
0xc0: {  	s31 =	sshll.u32 s1, $0xD;
	s1 =	sshrl.u32 s1, $0x2  }
0xc1: {  	s3 =	sand.u32 $0x4000, s31;
	s1 =	sadd.s32 s1, s30  }
0xc2: {  	s0 =	sor.u32 s3, s0;
	s1 =	sshll.u32 s1, $0x11  }
0xc3: {  	s0 =	sor.u32 s1, s0  }
0xc4: {  	s0 =	sadd.s32 $0x8F2B, s0  }
0xc5: {  	[sflag:s0] =	ssyncadd.remote.s32 $0x1  }
0xc6: {  	_ =	sfence.sel $0xFFFF  }
0xc7: {  	[dreg:$0x0] =	wrdreg $0xFFFFFFFF;
	(pc) =	sbr.abs _section_cstart, $3  }
0xc8: {  	[dreg:$0x1] =	wrdreg $0xFFFFFFFF  }
0xc9: {  	_ =	task.clear_ibuf [dreg:s8], $0x2FFFF;
	_ =	strace $0x9FFFFFFF  }
0xca: {  	(tm) =	ssettm $0x7FFFFFFF  }
0xcb: {  	_ =	shalt  }
tec
execute0_lowered:
.L_overlay_start_1:
0x0: {  	(tag) =	ssettag $0x1  }
0x1: {  	s4 =	rddreg [dreg:$0x0]  }
0x2: {  	s6 =	rddreg [dreg:$0x1]  }
0x3: {  	s8 =	rddreg [dreg:$0x2];
	s1 =	srdreg.scid  }
0x4: {  	s0 =	stileid.u32;
	s2 =	rddreg [dreg:$0x3]  }
0x5: {  	s3 =	simm.s32 $0x0;
	s5 =	sand.u32 $0x1, s1;
	s1 =	rddreg [dreg:$0x4]  }
0x6: {  	s7 =	sshll.u32 s0, $0x1;
	[smem:$0x7FF] =	sst s3;
	s9 =	smul.u32 $0x2800, s0  }
0x7: {  	s7 =	sor.u32 s5, s7;
	_ =	strace $0x80000047;
	s10 =	ssub.s32 $0x2, s5  }
0x8: {  	s12 =	smul.u32 $0x5000, s5;
	s11 =	sshrl.u32 s10, $0x1;
	s13 =	sshrl.u32 s9, $0x3  }
0x9: {  	s7 =	smul.u32 $0x500, s7;
	s10 =	ssub.s32 s10, s11;
	s6 =	sadd.s32 s6, s13  }
0xa: {  	s14 =	sadd.s32 s8, s12;
	s11 =	simm.s32 $0x2FD0;
	s12 =	simm.s32 $0x7D  }
0xb: {  	s7 =	sadd.s32 s7, s4;
	s4 =	sadd.s32 $0xD800, s4;
	s8 =	smax.u32 s10, $0x1  }
0xc: {  	s10 =	simm.s32 $0x2800;
	s13 =	sadd.s32 s13, s14;
	s14 =	simm.s32 $0x0  }
0xd: {  	s5 =	sadd.s32 $0x3800, s7;
	s7 =	sadd.s32 s9, s2;
	s9 =	simm.s32 $0x1  }
.LBB2_1:
0xe: {  	[tilespmem:s3], [sflag:$0x1] =	stream.linear.gather [hbm4b:s5+s3], $0x2800, $0x38;
	[tilespmem:$0x7FD0] =	vst v63  }
0xf: {  	_ =	swait.ge [sflag:s9], $0x2800  }
0x10: {  	[sflag:s9] =	ssyncset.done $0x0  }
0x11: {  	[sflag:s9] =	ssyncadd.s32 $0xFFFFD800  }
0x12: {  	[tilespmem:s10], [sflag:$0x1] =	stream.linear.gather [hbm4b:s4+s3], $0x7D0, $0x38;
	[tilespmem:$0x7FD0] =	vst v63  }
0x13: {  	_ =	swait.ge [sflag:s9], $0x7D0  }
0x14: {  	[sflag:s9] =	ssyncset.done $0x0  }
0x15: {  	[sflag:s9] =	ssyncadd.s32 $0xFFFFF830  }
0x16: {  	[tilespmem:s11], [sflag:$0x1] =	stream.linear.gather [hbm4b:s6+s3], $0x2800, $0x38;
	[tilespmem:$0x7FD0] =	vst v63  }
0x17: {  	_ =	swait.ge [sflag:s9], $0x2800  }
0x18: {  	[sflag:s9] =	ssyncset.done $0x0  }
0x19: {  	[sflag:s9] =	ssyncadd.s32 $0xFFFFD800  }
0x1a: {  	[spmem:s7] =	stream.linear.scatter [tilespmem:s11], [sflag:$0x1], $0x2800, $0x38;
	[tilespmem:$0x7FD0] =	vst v63  }
0x1b: {  	_ =	swait.ge [sflag:s9], $0x2800  }
0x1c: {  	[sflag:s9] =	ssyncset.done $0x0  }
0x1d: {  	[sflag:s9] =	ssyncadd.s32 $0xFFFFD800  }
0x1e: {  	s15 =	simm.s32 $0x0;
	[bflag:$0x0] =	sbarrier.arrive $0xFFFF  }
0x1f: {  	[spmem:s2] =	stream.indirect.scatter.add.f32 [tilespmem:s10], [sflag:$0x1], $0x10, s15, s12, $0xb8;
	[tilespmem:$0x7FD0] =	vst v63  }
0x20: {  	_ =	swait.ge [sflag:s9], $0x7D0  }
0x21: {  	s15 =	simm.s32 $0x200;
	[sflag:s9] =	ssyncset.done $0x0  }
.LBB2_2:
0x22: {  	s16 =	sshra.s32 s15, $0x2;
	[sflag:s9] =	ssyncadd.s32 $0xFFFFF830;
	p0 =	sne.s32 s15, $0x9E00  }
0x23: {  	[spmem:s2] =	stream.indirect.scatter.add.f32 [tilespmem:s10], [sflag:$0x1], $0x10, s16, s12, $0xb8;
	[tilespmem:$0x7FD0] =	vst v63  }
.Ltmp0:
0x24: {  	_ = 	snop;
	(pc) =	sbr.rel @p0 .LBB2_2-.Ltmp0, $4  }
0x25: {  	_ = 	snop  }
0x26: {  	s15 =	sadd.s32 $0x200, s15  }
0x27: {  	_ =	swait.ge [sflag:s9], $0x7D0  }
0x28: {  	[sflag:s9] =	ssyncset.done $0x0  }
0x29: {  	[sflag:s9] =	ssyncadd.s32 $0xFFFFF830  }
0x2a: {  	[bflag:$0x0] =	sbarrier.arrive $0xFFFF  }
0x2b: {  	[tilespmem:s11], [sflag:$0x1] =	stream.linear.gather [spmem:s7], $0x2800, $0x38;
	[tilespmem:$0x7FD0] =	vst v63  }
0x2c: {  	s14 =	sadd.s32 $0x1, s14;
	_ =	swait.ge [sflag:s9], $0x2800  }
0x2d: {  	p0 =	sne.s32 s14, s8;
	[sflag:s9] =	ssyncset.done $0x0  }
.Ltmp1:
0x2e: {  	[sflag:s9] =	ssyncadd.s32 $0xFFFFD800;
	(pc) =	sbr.rel @p0 .LBB2_1-.Ltmp1, $4  }
0x2f: {  	[hbm4b:s13+s3] =	stream.linear.scatter [tilespmem:s11], [sflag:$0x1], $0x2800, $0x38;
	[tilespmem:$0x7FD0] =	vst v63  }
0x30: {  	_ =	swait.ge [sflag:s9], $0x2800  }
0x31: {  	[sflag:s9] =	ssyncset.done $0x0  }
0x32: {  	[sflag:s9] =	ssyncadd.s32 $0xFFFFD800  }
0x33: {  	_ =	sfence.sel $0x180000  }
0x34: {  	[bflag:$0x0] =	sbarrier.arrive $0xFFFF  }
0x35: {  	p0 =	sne.s32 s0, $0x0;
	_ =	strace $0x90000047  }
0x36: {  	s0 =	sadd.s32 @!p0 $0x100000, s1;
	[bflag:$0x2] =	sbarrier.arrive $0xFFFF  }
0x37: {  	[sflag:s0] =	ssyncadd.tile.s32 @!p0 $0x1;
	_ =	shalt  }
.Lfunc_end2:
_tile_overlayer_lowered:
.L_overlay_start_2:
0x38: {  	(tag) =	ssettag $0x2  }
0x39: {  	s0 =	rddreg [dreg:$0x0];
	s2 =	stileid.u32  }
0x3a: {  	s1 =	rddreg [dreg:$0x1];
	p0 =	sne.s32 s2, $0x0  }
0x3b: {  	s3 =	rddreg [dreg:$0x2];
	[bflag:$0x3] =	sbarrier.arrive $0xFFFF;
	s2 =	simm.s32 @!p0 $0x1C01  }
0x3c: {  	[timem:s3], [sflag:s2] =	dma.local @!p0 [hbm:s0], s1  }
0x3d: {  	s0 =	simm.s32 @!p0 $0x1  }
0x3e: {  	_ =	swait.ge @!p0 [sflag:s0], s1  }
0x3f: {  	s1 =	ssub.s32 @!p0 $0x0, s1;
	[sflag:s0] =	ssyncset.done @!p0 $0x0  }
0x40: {  	[sflag:s0] =	ssyncadd.s32 @!p0 s1  }
0x41: {  	[bflag:$0x3] =	sbarrier.arrive $0xFFFF  }
0x42: {  	_ =	shalt  }

// kernel: kernel.15.cloned.1.call-start
scs
__scs_entry_jumppad:
0x0: {  	(pc) =	sbr.rel $0x88, $3  }
0x1: {  	(tag) =	ssettag $0x0;
	lr =	simm.s32 $0x1  }
0x2: {  	[smem:$0x3F9B] =	sst lr;
	_ =	strace $0xD0000000  }
0x3: {  	_ = 	snop  }
0x4: {  	_ = 	snop  }
0x5: {  	_ = 	snop  }
0x6: {  	_ = 	snop  }
0x7: {  	_ = 	snop  }
__scs_overlays_trampoline_lowered:
0x8: {  	[smem:$0x3FAA] =	sst s0  }
0x9: {  	[smem:$0x3FAB] =	sst s1  }
0xa: {  	[smem:$0x3FAC] =	sst s2  }
0xb: {  	[smem:$0x3FAD] =	sst s3  }
0xc: {  	[smem:$0x3FAE] =	sst s4  }
0xd: {  	[smem:$0x3FAF] =	sst s5  }
0xe: {  	[smem:$0x3FB0] =	sst s6  }
0xf: {  	[smem:$0x3FB1] =	sst s7  }
0x10: {  	[smem:$0x3FB2] =	sst s8  }
0x11: {  	[smem:$0x3FB3] =	sst s9;
	s0 =	simm.s32 @!p0 $0x0  }
0x12: {  	s1 =	sld [smem:$0x3F99];
	s0 =	simm.s32 @p0 $0x1  }
0x13: {  	[smem:$0x3FB4] =	sst s0;
	s0 =	simm.s32 @!p1 $0x0  }
0x14: {  	s2 =	sld [smem:$0x3F98];
	s0 =	simm.s32 @p1 $0x1  }
0x15: {  	[smem:$0x3FB5] =	sst s0;
	s0 =	simm.s32 @!p2 $0x0  }
0x16: {  	s3 =	sld [smem:$0x3FDB];
	s0 =	simm.s32 @p2 $0x1  }
0x17: {  	s4 =	simm.s32 $0x1BF5;
	[smem:$0x3FB7] =	sst s0  }
0x18: {  	s0 =	sld [smem:$0x3F9A];
	_ =	swait.ge [sflag:s4], $0x0  }
0x19: {  	s7 =	sld [smem:$0x3F9B]  }
0x1a: {  	s8 =	sadd.s32 $0xFFFFE003, lr  }
0x1b: {  	s9 =	sadd.s32 $0xFFFFFEF7, lr;
	s5 =	simm.s32 $0xFFFFFFFF;
	p2 =	slt.u32 s8, $0xFFFFF086  }
0x1c: {  	p1 =	slt.u32 s9, $0xF7A;
	s5 =	simm.s32 @!p2 $0x0  }
0x1d: {  	s5 =	simm.s32 @p1 $0x1;
	p0 =	seq.s32 s7, s2  }
0x1e: {  	s7 =	smul.u32 @!p0 $0xF7A, s2;
	p2 =	seq.s32 @!p0 s5, $0x0  }
0x1f: {  	s9 =	smul.u32 $0xF7A, s1;
	s8 =	simm.s32 @!p0 $0x1BF5;
	p2 =	por !p2, p0  }
0x20: {  	[sflag:s8] =	ssyncset.s32 @!p0 $0xFFFFF086;
	s6 =	sadd.s32 @!p0 s3, s7;
	s7 =	simm.s32 @!p0 $0x108  }
0x21: {  	s3 =	sadd.s32 s3, s9;
	s6 =	sadd.s32 @!p0 $0x88, s6;
	s7 =	simm.s32 @p2 $0x1082  }
0x22: {  	[simem:s7], [sflag:s8] =	dma.local @!p0 [hbm:s6], $0xF7A  }
0x23: {  	s9 =	sor.u32 $0xD0000000, s2;
	s6 =	simm.s32 $0x108;
	_ =	swait.ge @!p0 [sflag:s8], $0x0  }
0x24: {  	s3 =	sadd.s32 $0x88, s3;
	s6 =	simm.s32 @!p1 $0x1082;
	[sflag:s4] =	ssyncset.s32 $0xFFFFF086  }
0x25: {  	[simem:s6], [sflag:s4] =	dma.local [hbm:s3], $0xF7A  }
0x26: {  	[smem:$0x3F9B] =	sst s1;
	(tag) =	ssettag s2;
	_ =	strace s9  }
0x27: {  	s1 =	sld [smem:$0x3FAB]  }
0x28: {  	s2 =	sld [smem:$0x3FAC]  }
0x29: {  	s4 =	sld [smem:$0x3FAE]  }
0x2a: {  	p0 =	seq.s32 s5, $0x0;
	s5 =	sld [smem:$0x3FAF]  }
0x2b: {  	s6 =	sld [smem:$0x3FB0]  }
0x2c: {  	s7 =	sld [smem:$0x3FB1]  }
0x2d: {  	s3 =	simm.s32 $0x108;
	s8 =	sld [smem:$0x3FB2]  }
0x2e: {  	s3 =	simm.s32 @!p0 $0x1082;
	s9 =	sld [smem:$0x3FB3]  }
0x2f: {  	lr =	sadd.s32 s0, s3;
	s0 =	sld [smem:$0x3FAA]  }
0x30: {  	s3 =	sld [smem:$0x3FAD]  }
0x31: {  	[smem:$0x3FB6] =	sst s10  }
0x32: {  	s10 =	sld [smem:$0x3FB4];
	_ =	sdelay $0x3  }
0x33: {  	p0 =	seq.s32 s10, $0x1;
	s10 =	sld [smem:$0x3FB6];
	_ =	sdelay $0x3  }
0x34: {  	[smem:$0x3FB6] =	sst s10  }
0x35: {  	s10 =	sld [smem:$0x3FB5];
	_ =	sdelay $0x3  }
0x36: {  	p1 =	seq.s32 s10, $0x1;
	s10 =	sld [smem:$0x3FB6];
	_ =	sdelay $0x3  }
0x37: {  	[smem:$0x3FB6] =	sst s10  }
0x38: {  	s10 =	sld [smem:$0x3FB7]  }
0x39: {  	_ = 	snop;
	(pc) =	sbr.ind lr, $3  }
0x3a: {  	_ = 	snop  }
0x3b: {  	_ = 	snop  }
0x3c: {  	p2 =	seq.s32 s10, $0x1;
	s10 =	sld [smem:$0x3FB6]  }
0x3d: {  	_ =	shalt  }
0x3e: {  	_ =	shalt  }
0x3f: {  	_ =	shalt  }
0x40: {  	_ =	shalt  }
0x41: {  	_ =	shalt  }
0x42: {  	_ =	shalt  }
0x43: {  	_ =	shalt  }
0x44: {  	_ =	shalt  }
0x45: {  	_ =	shalt  }
0x46: {  	_ =	shalt  }
0x47: {  	_ =	shalt  }
0x48: {  	_ =	shalt  }
0x49: {  	_ =	shalt  }
0x4a: {  	_ =	shalt  }
0x4b: {  	_ =	shalt  }
0x4c: {  	_ =	shalt  }
0x4d: {  	_ =	shalt  }
0x4e: {  	_ =	shalt  }
0x4f: {  	_ =	shalt  }
0x50: {  	_ =	shalt  }
0x51: {  	_ =	shalt  }
0x52: {  	_ =	shalt  }
0x53: {  	_ =	shalt  }
0x54: {  	_ =	shalt  }
0x55: {  	_ =	shalt  }
0x56: {  	_ =	shalt  }
0x57: {  	_ =	shalt  }
0x58: {  	_ =	shalt  }
0x59: {  	_ =	shalt  }
0x5a: {  	_ =	shalt  }
0x5b: {  	_ =	shalt  }
0x5c: {  	_ =	shalt  }
0x5d: {  	_ =	shalt  }
0x5e: {  	_ =	shalt  }
0x5f: {  	_ =	shalt  }
0x60: {  	_ =	shalt  }
0x61: {  	_ =	shalt  }
0x62: {  	_ =	shalt  }
0x63: {  	_ =	shalt  }
0x64: {  	_ =	shalt  }
0x65: {  	_ =	shalt  }
0x66: {  	_ =	shalt  }
0x67: {  	_ =	shalt  }
0x68: {  	_ =	shalt  }
0x69: {  	_ =	shalt  }
0x6a: {  	_ =	shalt  }
0x6b: {  	_ =	shalt  }
0x6c: {  	_ =	shalt  }
0x6d: {  	_ =	shalt  }
0x6e: {  	_ =	shalt  }
0x6f: {  	_ =	shalt  }
0x70: {  	_ =	shalt  }
0x71: {  	_ =	shalt  }
0x72: {  	_ =	shalt  }
0x73: {  	_ =	shalt  }
0x74: {  	_ =	shalt  }
0x75: {  	_ =	shalt  }
0x76: {  	_ =	shalt  }
0x77: {  	_ =	shalt  }
0x78: {  	_ =	shalt  }
0x79: {  	_ =	shalt  }
0x7a: {  	_ =	shalt  }
0x7b: {  	_ =	shalt  }
0x7c: {  	_ =	shalt  }
0x7d: {  	_ =	shalt  }
0x7e: {  	_ =	shalt  }
0x7f: {  	_ =	shalt  }
0x80: {  	_ =	shalt  }
0x81: {  	_ =	shalt  }
0x82: {  	_ =	shalt  }
0x83: {  	_ =	shalt  }
0x84: {  	_ =	shalt  }
0x85: {  	_ =	shalt  }
0x86: {  	_ =	shalt  }
0x87: {  	_ =	shalt  }
.Lfunc_end0:
.L_simem_size_0:
called_computation.1_lowered:
.L_overlay_start_0:
0x88: {  	s2 =	sld [smem:$0x3FD9]  }
0x89: {  	s3 =	sld [smem:$0x3FFE];
	_ =	sdelay $0x1  }
0x8a: {  	s1 =	srdreg.scid  }
0x8b: {  	s0 =	sand.u32 $0x1, s1  }
0x8c: {  	s14 =	sshll.u32 s0, $0xA;
	s2 =	sadd.s32 s3, s2  }
0x8d: {  	s2 =	sadd.s32 s2, s14  }
0x8e: {  	[smem:$0x3FC2] =	sst s2  }
0x8f: {  	_ = 	snop  }
0x90: {  	s2 =	sld [smem:$0x3FD0];
	_ =	sdelay $0x2  }
0x91: {  	s15 =	simm.s32 $0xA;
	s4 =	simm.s32 $0x10  }
0x92: {  	[smem:s4], [sflag:s15] =	dma.local [hbm:s2], $0x1  }
0x93: {  	_ =	swait.eq [sflag:s15], $0x1  }
0x94: {  	s16 =	sld [smem:$0x10];
	[sflag:s15] =	ssyncset.done $0x0  }
0x95: {  	s17 =	sld [smem:$0x11];
	[sflag:s15] =	ssyncadd.s32 $0xFFFFFFFF  }
0x96: {  	s18 =	sld [smem:$0x12];
	(tm) =	ssettm $0x1  }
0x97: {  	s5 =	sld [smem:$0x3FFB];
	_ =	sdelay $0x3  }
0x98: {  	_ =	strace s5  }
0x99: {  	s5 =	sld [smem:$0x3FFC];
	_ =	sdelay $0x3  }
0x9a: {  	_ =	strace s5  }
0x9b: {  	s5 =	sld [smem:$0x3FFD];
	_ =	sdelay $0x3  }
0x9c: {  	_ =	strace s5  }
0x9d: {  	_ =	strace $0x8FFFFFFF  }
0x9e: {  	s19 =	sld [smem:$0x3FDB];
	_ =	sdelay $0x1  }
0x9f: {  	s6 =	simm.s32 $_scs_section_size  }
0xa0: {  	s7 =	simm.s32 $_size__tile_overlayer_lowered;
	s8 =	simm.s32 $_tile_overlayer_lowered  }
0xa1: {  	s22 =	simm.s32 $0x1BFF;
	s21 =	sshll.u32 s8, $0x1;
	s5 =	sadd.s32 s6, s19  }
0xa2: {  	s9 =	simm.s32 $0x0;
	s20 =	sshll.u32 s7, $0x1;
	s7 =	sadd.s32 s21, s5  }
0xa3: {  	[timem:s9], [sflag:s22] =	dma.local [hbm:s7], s20  }
0xa4: {  	_ =	swait.ge [sflag:s22], s20  }
0xa5: {  	s6 =	ssub.s32 $0x0, s20;
	[sflag:s22] =	ssyncset.done $0x0  }
0xa6: {  	[sflag:s22] =	ssyncadd.s32 s6;
	_ =	sdelay $0x1  }
0xa7: {  	s23 =	simm.s32 $0x1B8B  }
0xa8: {  	_ =	swait.ge [sflag:s23], $0x1  }
0xa9: {  	[sflag:s23] =	ssyncset.done $0x0  }
0xaa: {  	s25 =	simm.s32 $0x1B8E;
	s24 =	sld [smem:$0x3FFE];
	[sflag:s23] =	ssyncadd.s32 $0xFFFFFFFF  }
0xab: {  	s26 =	simm.s32 $execute0_lowered;
	[smem:$0x3FD2] =	sst s25  }
0xac: {  	s7 =	sshll.u32 s26, $0x1;
	_ =	strace $0x80000049;
	[dreg:$0x1] =	wrdreg $0xFFFFFFFF  }
0xad: {  	s28 =	simm.s32 $_size_execute0_lowered;
	s5 =	sadd.s32 s5, s7;
	[dreg:$0x0] =	wrdreg $0x0  }
0xae: {  	s7 =	sshll.u32 s28, $0x1;
	[dreg:$0x2] =	wrdreg s5  }
0xaf: {  	[dreg:$0x3] =	wrdreg s7  }
0xb0: {  	[dreg:$0x4] =	wrdreg $0xC0  }
0xb1: {  	_ =	task [dreg:s9], $0x5FFFF  }
0xb2: {  	[dreg:$0x1] =	wrdreg $0xFFFFFFFF  }
0xb3: {  	[dreg:$0x0] =	wrdreg $0x60  }
0xb4: {  	[dreg:$0x2] =	wrdreg s16  }
0xb5: {  	[dreg:$0x3] =	wrdreg s24  }
0xb6: {  	[dreg:$0x4] =	wrdreg s17  }
0xb7: {  	[dreg:$0x5] =	wrdreg s18  }
0xb8: {  	[dreg:$0x6] =	wrdreg $0x14DC00  }
0xb9: {  	[dreg:$0x7] =	wrdreg $0x9  }
0xba: {  	_ =	task.clear_ibuf [dreg:s9], $0x8FFFF;
	_ =	strace $0x90000049  }
0xbb: {  	s29 =	simm.s32 $0x9;
	_ =	strace $0x8000004B  }
0xbc: {  	_ =	swait.ge [sflag:s29], $0x1  }
0xbd: {  	[sflag:s29] =	ssyncadd.s32 $0xFFFFFFFF  }
0xbe: {  	_ =	strace $0x9000004B  }
0xbf: {  	_ =	sfence  }
0xc0: {  	s30 =	sld [smem:$0x0];
	_ =	sdelay $0x2  }
0xc1: {  	s31 =	sshll.u32 s1, $0xD;
	s1 =	sshrl.u32 s1, $0x2  }
0xc2: {  	s3 =	sand.u32 $0x4000, s31;
	s1 =	sadd.s32 s1, s30  }
0xc3: {  	s0 =	sor.u32 s3, s0;
	s1 =	sshll.u32 s1, $0x11  }
0xc4: {  	s0 =	sor.u32 s1, s0  }
0xc5: {  	s0 =	sadd.s32 $0x8F2B, s0  }
0xc6: {  	[sflag:s0] =	ssyncadd.remote.s32 $0x1  }
0xc7: {  	_ =	sfence.sel $0xFFFF  }
0xc8: {  	[dreg:$0x0] =	wrdreg $0xFFFFFFFF;
	(pc) =	sbr.abs _section_cstart, $3  }
0xc9: {  	[dreg:$0x1] =	wrdreg $0xFFFFFFFF  }
0xca: {  	_ =	task.clear_ibuf [dreg:s9], $0x2FFFF;
	_ =	strace $0x9FFFFFFF  }
0xcb: {  	(tm) =	ssettm $0x7FFFFFFF  }
tec
execute0_lowered:
.L_overlay_start_1:
0x0: {  	(tag) =	ssettag $0x1  }
0x1: {  	s0 =	rddreg [dreg:$0x0]  }
0x2: {  	s2 =	rddreg [dreg:$0x1]  }
0x3: {  	s1 =	rddreg [dreg:$0x2];
	s3 =	srdreg.scid  }
0x4: {  	s7 =	stileid.u32;
	s9 =	rddreg [dreg:$0x3]  }
0x5: {  	s14 =	simm.s32 $0x5000;
	s16 =	simm.s32 $0x6F40;
	s18 =	simm.s32 $0x8E80  }
0x6: {  	s19 =	simm.s32 $0x1;
	s20 =	simm.s32 $0x2;
	s21 =	simm.s32 $0x3  }
0x7: {  	s22 =	simm.s32 $0x4;
	s23 =	simm.s32 $0x5;
	s28 =	simm.s32 $0x4E00  }
0x8: {  	s29 =	simm.s32 $0x4E80;
	s30 =	simm.s32 $0x2700;
	s31 =	simm.s32 $0x2780  }
0x9: {  	s5 =	sand.u32 $0x1, s3;
	s4 =	sshll.u32 s7, $0x1;
	s8 =	smul.u32 $0xA000, s7  }
0xa: {  	s3 =	rddreg [dreg:$0x4];
	s6 =	sor.u32 s5, s4;
	s13 =	smul.u32 $0x14000, s5  }
0xb: {  	s4 =	simm.s32 $0x0;
	s25 =	ssub.s32 $0x2, s5;
	s6 =	smul.u32 $0x500, s6  }
0xc: {  	[smem:$0x7FF] =	sst s4;
	s11 =	sshrl.u32 s8, $0x3;
	s12 =	sshrl.u32 s25, $0x1  }
0xd: {  	s8 =	sadd.s32 s8, s3;
	_ =	strace $0x8000004A;
	s12 =	ssub.s32 s25, s12  }
0xe: {  	s26 =	sadd.s32 s9, s13;
	s13 =	simm.s32 $0x7D;
	s25 =	simm.s32 $0x6  }
0xf: {  	s10 =	sadd.s32 s6, s2;
	s2 =	sadd.s32 s11, s2;
	s5 =	sadd.s32 s0, s6  }
0x10: {  	s9 =	smax.u32 s12, $0x1;
	s12 =	simm.s32 $0xADC0;
	s24 =	sadd.s32 s11, s26  }
0x11: {  	s0 =	simm.s32 $0x4F80;
	s11 =	simm.s32 $0x0;
	s6 =	sadd.s32 $0x3800, s10  }
0x12: {  	s7 =	sadd.s32 $0xD800, s2;
	s10 =	simm.s32 $0x7;
	s2 =	simm.s32 $0x4F00  }
.LBB2_1:
0x13: {  	[tilespmem:s4], [sflag:$0x7] =	stream.linear.gather [hbm4b:s5+s4], $0x2800, $0x38;
	[tilespmem:$0x1EDC0] =	vst v63  }
0x14: {  	_ =	swait.ge [sflag:s10], $0x2800  }
0x15: {  	[sflag:s10] =	ssyncset.done $0x0  }
0x16: {  	s15 =	simm.s32 $0x2800;
	[sflag:s10] =	ssyncadd.s32 $0xFFFFD800  }
0x17: {  	[tilespmem:s15], [sflag:$0x7] =	stream.linear.gather [hbm4b:s6+s4], $0x2800, $0x38;
	[tilespmem:$0x1EDC0] =	vst v63  }
0x18: {  	_ =	swait.ge [sflag:s10], $0x2800  }
0x19: {  	[sflag:s10] =	ssyncset.done $0x0  }
0x1a: {  	[sflag:s10] =	ssyncadd.s32 $0xFFFFD800  }
0x1b: {  	[tilespmem:s12], [sflag:$0x7] =	stream.linear.gather [hbm4b:s7+s4], $0xA000, $0x38;
	[tilespmem:$0x1EDC0] =	vst v63  }
0x1c: {  	_ =	swait.ge [sflag:s10], $0xA000  }
0x1d: {  	[sflag:s10] =	ssyncset.done $0x0  }
0x1e: {  	[sflag:s10] =	ssyncadd.s32 $0xFFFF6000  }
0x1f: {  	[spmem:s8] =	stream.linear.scatter [tilespmem:s12], [sflag:$0x7], $0xA000, $0x38;
	[tilespmem:$0x1EDC0] =	vst v63  }
0x20: {  	_ =	swait.ge [sflag:s10], $0xA000  }
0x21: {  	[sflag:s10] =	ssyncset.done $0x0  }
0x22: {  	[sflag:s10] =	ssyncadd.s32 $0xFFFF6000  }
0x23: {  	[bflag:$0x0] =	sbarrier.arrive $0xFFFF  }
0x24: {  	[tilespmem:s14], [sflag:$0x1] =	stream.indirect.gather [hbm4b:s1+s13], $0x40, s4, s13, $0xb8;
	[tilespmem:$0x1EDC0] =	vst v63  }
0x25: {  	s26 =	simm.s32 $0x80  }
0x26: {  	[tilespmem:s16], [sflag:$0x2] =	stream.indirect.gather [hbm4b:s1+s13], $0x40, s26, s13, $0xb8;
	[tilespmem:$0x1EDC0] =	vst v63  }
0x27: {  	s17 =	simm.s32 $0x100  }
0x28: {  	[tilespmem:s18], [sflag:$0x3] =	stream.indirect.gather [hbm4b:s1+s13], $0x40, s17, s13, $0xb8;
	[tilespmem:$0x1EDC0] =	vst v63  }
0x29: {  	_ =	swait.ge [sflag:s19], $0x1F40  }
0x2a: {  	[sflag:s19] =	ssyncset.done $0x0  }
0x2b: {  	s26 =	simm.s32 $0x2800;
	[sflag:s19] =	ssyncadd.s32 $0xFFFFE0C0  }
0x2c: {  	[spmem:s3] =	stream.indirect.scatter.add.f32 [tilespmem:s14], [sflag:$0x4], $0x40, s26, s13, $0xb8;
	[tilespmem:$0x1EDC0] =	vst v63  }
0x2d: {  	_ =	swait.ge [sflag:s20], $0x1F40  }
0x2e: {  	[sflag:s20] =	ssyncset.done $0x0  }
0x2f: {  	s17 =	simm.s32 $0x2880;
	[sflag:s20] =	ssyncadd.s32 $0xFFFFE0C0  }
0x30: {  	[spmem:s3] =	stream.indirect.scatter.add.f32 [tilespmem:s16], [sflag:$0x5], $0x40, s17, s13, $0xb8;
	[tilespmem:$0x1EDC0] =	vst v63  }
0x31: {  	_ =	swait.ge [sflag:s21], $0x1F40  }
0x32: {  	[sflag:s21] =	ssyncset.done $0x0  }
0x33: {  	s26 =	simm.s32 $0x2900;
	[sflag:s21] =	ssyncadd.s32 $0xFFFFE0C0  }
0x34: {  	[spmem:s3] =	stream.indirect.scatter.add.f32 [tilespmem:s18], [sflag:$0x6], $0x40, s26, s13, $0xb8;
	[tilespmem:$0x1EDC0] =	vst v63  }
0x35: {  	_ =	swait.ge [sflag:s22], $0x1F40  }
0x36: {  	[sflag:s22] =	ssyncset.done $0x0  }
0x37: {  	s17 =	simm.s32 $0x180;
	[sflag:s22] =	ssyncadd.s32 $0xFFFFE0C0  }
0x38: {  	[tilespmem:s14], [sflag:$0x1] =	stream.indirect.gather [hbm4b:s1+s13], $0x40, s17, s13, $0xb8;
	[tilespmem:$0x1EDC0] =	vst v63  }
0x39: {  	_ =	swait.ge [sflag:s23], $0x1F40  }
0x3a: {  	[sflag:s23] =	ssyncset.done $0x0  }
0x3b: {  	s26 =	simm.s32 $0x200;
	[sflag:s23] =	ssyncadd.s32 $0xFFFFE0C0  }
0x3c: {  	[tilespmem:s16], [sflag:$0x2] =	stream.indirect.gather [hbm4b:s1+s13], $0x40, s26, s13, $0xb8;
	[tilespmem:$0x1EDC0] =	vst v63  }
0x3d: {  	_ =	swait.ge [sflag:s25], $0x1F40  }
0x3e: {  	[sflag:s25] =	ssyncset.done $0x0  }
0x3f: {  	s15 =	simm.s32 $0x600;
	s17 =	simm.s32 $0x280;
	[sflag:s25] =	ssyncadd.s32 $0xFFFFE0C0  }
.LBB2_2:
0x40: {  	[tilespmem:s18], [sflag:$0x3] =	stream.indirect.gather [hbm4b:s1+s13], $0x40, s17, s13, $0xb8;
	[tilespmem:$0x1EDC0] =	vst v63  }
0x41: {  	s17 =	smov.u32 s15  }
0x42: {  	p0 =	sne.s32 s15, $0x9000;
	s15 =	sadd.s32 $0x600, s15;
	_ =	swait.ge [sflag:s19], $0x1F40  }
0x43: {  	s17 =	sshra.s32 s17, $0x2;
	[sflag:s19] =	ssyncset.done $0x0  }
0x44: {  	s26 =	sadd.s32 $0x2800, s17;
	[sflag:s19] =	ssyncadd.s32 $0xFFFFE0C0  }
0x45: {  	[spmem:s3] =	stream.indirect.scatter.add.f32 [tilespmem:s14], [sflag:$0x4], $0x40, s26, s13, $0xb8;
	[tilespmem:$0x1EDC0] =	vst v63  }
0x46: {  	_ =	swait.ge [sflag:s20], $0x1F40  }
0x47: {  	[sflag:s20] =	ssyncset.done $0x0  }
0x48: {  	s26 =	sadd.s32 $0x2880, s17;
	[sflag:s20] =	ssyncadd.s32 $0xFFFFE0C0  }
0x49: {  	[spmem:s3] =	stream.indirect.scatter.add.f32 [tilespmem:s16], [sflag:$0x5], $0x40, s26, s13, $0xb8;
	[tilespmem:$0x1EDC0] =	vst v63  }
0x4a: {  	_ =	swait.ge [sflag:s21], $0x1F40  }
0x4b: {  	[sflag:s21] =	ssyncset.done $0x0  }
0x4c: {  	s26 =	sadd.s32 $0x2900, s17;
	[sflag:s21] =	ssyncadd.s32 $0xFFFFE0C0  }
0x4d: {  	[spmem:s3] =	stream.indirect.scatter.add.f32 [tilespmem:s18], [sflag:$0x6], $0x40, s26, s13, $0xb8;
	[tilespmem:$0x1EDC0] =	vst v63  }
0x4e: {  	_ =	swait.ge [sflag:s22], $0x1F40  }
0x4f: {  	[sflag:s22] =	ssyncset.done $0x0  }
0x50: {  	s26 =	sadd.s32 $0x180, s17;
	[sflag:s22] =	ssyncadd.s32 $0xFFFFE0C0  }
0x51: {  	[tilespmem:s14], [sflag:$0x1] =	stream.indirect.gather [hbm4b:s1+s13], $0x40, s26, s13, $0xb8;
	[tilespmem:$0x1EDC0] =	vst v63  }
0x52: {  	_ =	swait.ge [sflag:s23], $0x1F40  }
0x53: {  	[sflag:s23] =	ssyncset.done $0x0  }
.Ltmp0:
0x54: {  	s26 =	sadd.s32 $0x200, s17;
	[sflag:s23] =	ssyncadd.s32 $0xFFFFE0C0;
	(pc) =	sbr.rel @p0 .LBB2_2-.Ltmp0, $4  }
0x55: {  	[tilespmem:s16], [sflag:$0x2] =	stream.indirect.gather [hbm4b:s1+s13], $0x40, s26, s13, $0xb8;
	[tilespmem:$0x1EDC0] =	vst v63  }
0x56: {  	_ =	swait.ge [sflag:s25], $0x1F40  }
0x57: {  	[sflag:s25] =	ssyncset.done $0x0  }
0x58: {  	s17 =	sadd.s32 $0x280, s17;
	[sflag:s25] =	ssyncadd.s32 $0xFFFFE0C0  }
0x59: {  	[tilespmem:s18], [sflag:$0x3] =	stream.indirect.gather [hbm4b:s1+s13], $0x40, s17, s13, $0xb8;
	[tilespmem:$0x1EDC0] =	vst v63  }
0x5a: {  	_ =	swait.ge [sflag:s19], $0x1F40  }
0x5b: {  	[sflag:s19] =	ssyncset.done $0x0  }
0x5c: {  	s15 =	simm.s32 $0x4D80;
	[sflag:s19] =	ssyncadd.s32 $0xFFFFE0C0  }
0x5d: {  	[spmem:s3] =	stream.indirect.scatter.add.f32 [tilespmem:s14], [sflag:$0x4], $0x40, s15, s13, $0xb8;
	[tilespmem:$0x1EDC0] =	vst v63  }
0x5e: {  	_ =	swait.ge [sflag:s20], $0x1F40  }
0x5f: {  	[sflag:s20] =	ssyncset.done $0x0  }
0x60: {  	[sflag:s20] =	ssyncadd.s32 $0xFFFFE0C0  }
0x61: {  	[spmem:s3] =	stream.indirect.scatter.add.f32 [tilespmem:s16], [sflag:$0x5], $0x40, s28, s13, $0xb8;
	[tilespmem:$0x1EDC0] =	vst v63  }
0x62: {  	_ =	swait.ge [sflag:s21], $0x1F40  }
0x63: {  	[sflag:s21] =	ssyncset.done $0x0  }
0x64: {  	[sflag:s21] =	ssyncadd.s32 $0xFFFFE0C0  }
0x65: {  	[spmem:s3] =	stream.indirect.scatter.add.f32 [tilespmem:s18], [sflag:$0x6], $0x40, s29, s13, $0xb8;
	[tilespmem:$0x1EDC0] =	vst v63  }
0x66: {  	_ =	swait.ge [sflag:s22], $0x1F40  }
0x67: {  	[sflag:s22] =	ssyncset.done $0x0  }
0x68: {  	[sflag:s22] =	ssyncadd.s32 $0xFFFFE0C0  }
0x69: {  	[tilespmem:s14], [sflag:$0x1] =	stream.indirect.gather [hbm4b:s1+s13], $0x40, s30, s13, $0xb8;
	[tilespmem:$0x1EDC0] =	vst v63  }
0x6a: {  	_ =	swait.ge [sflag:s23], $0x1F40  }
0x6b: {  	[sflag:s23] =	ssyncset.done $0x0  }
0x6c: {  	[sflag:s23] =	ssyncadd.s32 $0xFFFFE0C0  }
0x6d: {  	[tilespmem:s16], [sflag:$0x2] =	stream.indirect.gather [hbm4b:s1+s13], $0x40, s31, s13, $0xb8;
	[tilespmem:$0x1EDC0] =	vst v63  }
0x6e: {  	_ =	swait.ge [sflag:s25], $0x1F40  }
0x6f: {  	[sflag:s25] =	ssyncset.done $0x0  }
0x70: {  	[sflag:s25] =	ssyncadd.s32 $0xFFFFE0C0  }
0x71: {  	_ =	swait.ge [sflag:s19], $0x1F40  }
0x72: {  	[sflag:s19] =	ssyncset.done $0x0  }
0x73: {  	[sflag:s19] =	ssyncadd.s32 $0xFFFFE0C0  }
0x74: {  	[spmem:s3] =	stream.indirect.scatter.add.f32 [tilespmem:s14], [sflag:$0x7], $0x40, s2, s13, $0xb8;
	[tilespmem:$0x1EDC0] =	vst v63  }
0x75: {  	_ =	swait.ge [sflag:s10], $0x1F40  }
0x76: {  	[sflag:s10] =	ssyncset.done $0x0  }
0x77: {  	[sflag:s10] =	ssyncadd.s32 $0xFFFFE0C0  }
0x78: {  	_ =	swait.ge [sflag:s20], $0x1F40  }
0x79: {  	[sflag:s20] =	ssyncset.done $0x0  }
0x7a: {  	[sflag:s20] =	ssyncadd.s32 $0xFFFFE0C0  }
0x7b: {  	[spmem:s3] =	stream.indirect.scatter.add.f32 [tilespmem:s16], [sflag:$0x7], $0x40, s0, s13, $0xb8;
	[tilespmem:$0x1EDC0] =	vst v63  }
0x7c: {  	_ =	swait.ge [sflag:s10], $0x1F40  }
0x7d: {  	[sflag:s10] =	ssyncset.done $0x0  }
0x7e: {  	[sflag:s10] =	ssyncadd.s32 $0xFFFFE0C0  }
0x7f: {  	[bflag:$0x0] =	sbarrier.arrive $0xFFFF  }
0x80: {  	[tilespmem:s12], [sflag:$0x7] =	stream.linear.gather [spmem:s8], $0xA000, $0x38;
	[tilespmem:$0x1EDC0] =	vst v63  }
0x81: {  	s11 =	sadd.s32 $0x1, s11;
	_ =	swait.ge [sflag:s10], $0xA000  }
0x82: {  	p0 =	sne.s32 s11, s9;
	[sflag:s10] =	ssyncset.done $0x0  }
.Ltmp1:
0x83: {  	[sflag:s10] =	ssyncadd.s32 $0xFFFF6000;
	(pc) =	sbr.rel @p0 .LBB2_1-.Ltmp1, $4  }
0x84: {  	[hbm4b:s24+s4] =	stream.linear.scatter [tilespmem:s12], [sflag:$0x7], $0xA000, $0x38;
	[tilespmem:$0x1EDC0] =	vst v63  }
0x85: {  	_ =	swait.ge [sflag:s10], $0xA000  }
0x86: {  	[sflag:s10] =	ssyncset.done $0x0  }
0x87: {  	[sflag:s10] =	ssyncadd.s32 $0xFFFF6000  }
0x88: {  	_ =	sfence.sel $0x180000  }
0x89: {  	[bflag:$0x0] =	sbarrier.arrive $0xFFFF  }
0x8a: {  	_ =	strace $0x9000004A  }
0x8b: {  	s0 =	stileid.u32;
	[bflag:$0x2] =	sbarrier.arrive $0xFFFF  }
0x8c: {  	p0 =	sne.s32 s0, $0x0;
	s0 =	rddreg [dreg:$0x5]  }
0x8d: {  	s0 =	sadd.s32 @!p0 $0x100000, s0  }
0x8e: {  	[sflag:s0] =	ssyncadd.tile.s32 @!p0 $0x1;
	_ =	shalt  }
.Lfunc_end2:
_tile_overlayer_lowered:
.L_overlay_start_2:
0x8f: {  	(tag) =	ssettag $0x2  }
0x90: {  	s0 =	rddreg [dreg:$0x0];
	s2 =	stileid.u32  }
0x91: {  	s1 =	rddreg [dreg:$0x1];
	p0 =	sne.s32 s2, $0x0  }
0x92: {  	s3 =	rddreg [dreg:$0x2];
	[bflag:$0x3] =	sbarrier.arrive $0xFFFF;
	s2 =	simm.s32 @!p0 $0x1C07  }
0x93: {  	[timem:s3], [sflag:s2] =	dma.local @!p0 [hbm:s0], s1  }
0x94: {  	s0 =	simm.s32 @!p0 $0x7  }
0x95: {  	_ =	swait.ge @!p0 [sflag:s0], s1  }
0x96: {  	s1 =	ssub.s32 @!p0 $0x0, s1;
	[sflag:s0] =	ssyncset.done @!p0 $0x0  }
0x97: {  	[sflag:s0] =	ssyncadd.s32 @!p0 s1  }
0x98: {  	[bflag:$0x3] =	sbarrier.arrive $0xFFFF  }
0x99: {  	_ =	shalt  }

// kernel: kernel.18.cloned.1.call-start
scs
__scs_entry_jumppad:
0x0: {  	(pc) =	sbr.rel $0x88, $3  }
0x1: {  	(tag) =	ssettag $0x0;
	lr =	simm.s32 $0x1  }
0x2: {  	[smem:$0x3F9B] =	sst lr;
	_ =	strace $0xD0000000  }
0x3: {  	_ = 	snop  }
0x4: {  	_ = 	snop  }
0x5: {  	_ = 	snop  }
0x6: {  	_ = 	snop  }
0x7: {  	_ = 	snop  }
__scs_overlays_trampoline_lowered:
0x8: {  	[smem:$0x3FAA] =	sst s0  }
0x9: {  	[smem:$0x3FAB] =	sst s1  }
0xa: {  	[smem:$0x3FAC] =	sst s2  }
0xb: {  	[smem:$0x3FAD] =	sst s3  }
0xc: {  	[smem:$0x3FAE] =	sst s4  }
0xd: {  	[smem:$0x3FAF] =	sst s5  }
0xe: {  	[smem:$0x3FB0] =	sst s6  }
0xf: {  	[smem:$0x3FB1] =	sst s7  }
0x10: {  	[smem:$0x3FB2] =	sst s8  }
0x11: {  	[smem:$0x3FB3] =	sst s9;
	s0 =	simm.s32 @!p0 $0x0  }
0x12: {  	s1 =	sld [smem:$0x3F99];
	s0 =	simm.s32 @p0 $0x1  }
0x13: {  	[smem:$0x3FB4] =	sst s0;
	s0 =	simm.s32 @!p1 $0x0  }
0x14: {  	s2 =	sld [smem:$0x3F98];
	s0 =	simm.s32 @p1 $0x1  }
0x15: {  	[smem:$0x3FB5] =	sst s0;
	s0 =	simm.s32 @!p2 $0x0  }
0x16: {  	s3 =	sld [smem:$0x3FDB];
	s0 =	simm.s32 @p2 $0x1  }
0x17: {  	s4 =	simm.s32 $0x1BF5;
	[smem:$0x3FB7] =	sst s0  }
0x18: {  	s0 =	sld [smem:$0x3F9A];
	_ =	swait.ge [sflag:s4], $0x0  }
0x19: {  	s7 =	sld [smem:$0x3F9B]  }
0x1a: {  	s8 =	sadd.s32 $0xFFFFE003, lr  }
0x1b: {  	s9 =	sadd.s32 $0xFFFFFEF7, lr;
	s5 =	simm.s32 $0xFFFFFFFF;
	p2 =	slt.u32 s8, $0xFFFFF086  }
0x1c: {  	p1 =	slt.u32 s9, $0xF7A;
	s5 =	simm.s32 @!p2 $0x0  }
0x1d: {  	s5 =	simm.s32 @p1 $0x1;
	p0 =	seq.s32 s7, s2  }
0x1e: {  	s7 =	smul.u32 @!p0 $0xF7A, s2;
	p2 =	seq.s32 @!p0 s5, $0x0  }
0x1f: {  	s9 =	smul.u32 $0xF7A, s1;
	s8 =	simm.s32 @!p0 $0x1BF5;
	p2 =	por !p2, p0  }
0x20: {  	[sflag:s8] =	ssyncset.s32 @!p0 $0xFFFFF086;
	s6 =	sadd.s32 @!p0 s3, s7;
	s7 =	simm.s32 @!p0 $0x108  }
0x21: {  	s3 =	sadd.s32 s3, s9;
	s6 =	sadd.s32 @!p0 $0x88, s6;
	s7 =	simm.s32 @p2 $0x1082  }
0x22: {  	[simem:s7], [sflag:s8] =	dma.local @!p0 [hbm:s6], $0xF7A  }
0x23: {  	s9 =	sor.u32 $0xD0000000, s2;
	s6 =	simm.s32 $0x108;
	_ =	swait.ge @!p0 [sflag:s8], $0x0  }
0x24: {  	s3 =	sadd.s32 $0x88, s3;
	s6 =	simm.s32 @!p1 $0x1082;
	[sflag:s4] =	ssyncset.s32 $0xFFFFF086  }
0x25: {  	[simem:s6], [sflag:s4] =	dma.local [hbm:s3], $0xF7A  }
0x26: {  	[smem:$0x3F9B] =	sst s1;
	(tag) =	ssettag s2;
	_ =	strace s9  }
0x27: {  	s1 =	sld [smem:$0x3FAB]  }
0x28: {  	s2 =	sld [smem:$0x3FAC]  }
0x29: {  	s4 =	sld [smem:$0x3FAE]  }
0x2a: {  	p0 =	seq.s32 s5, $0x0;
	s5 =	sld [smem:$0x3FAF]  }
0x2b: {  	s6 =	sld [smem:$0x3FB0]  }
0x2c: {  	s7 =	sld [smem:$0x3FB1]  }
0x2d: {  	s3 =	simm.s32 $0x108;
	s8 =	sld [smem:$0x3FB2]  }
0x2e: {  	s3 =	simm.s32 @!p0 $0x1082;
	s9 =	sld [smem:$0x3FB3]  }
0x2f: {  	lr =	sadd.s32 s0, s3;
	s0 =	sld [smem:$0x3FAA]  }
0x30: {  	s3 =	sld [smem:$0x3FAD]  }
0x31: {  	[smem:$0x3FB6] =	sst s10  }
0x32: {  	s10 =	sld [smem:$0x3FB4];
	_ =	sdelay $0x3  }
0x33: {  	p0 =	seq.s32 s10, $0x1;
	s10 =	sld [smem:$0x3FB6];
	_ =	sdelay $0x3  }
0x34: {  	[smem:$0x3FB6] =	sst s10  }
0x35: {  	s10 =	sld [smem:$0x3FB5];
	_ =	sdelay $0x3  }
0x36: {  	p1 =	seq.s32 s10, $0x1;
	s10 =	sld [smem:$0x3FB6];
	_ =	sdelay $0x3  }
0x37: {  	[smem:$0x3FB6] =	sst s10  }
0x38: {  	s10 =	sld [smem:$0x3FB7]  }
0x39: {  	_ = 	snop;
	(pc) =	sbr.ind lr, $3  }
0x3a: {  	_ = 	snop  }
0x3b: {  	_ = 	snop  }
0x3c: {  	p2 =	seq.s32 s10, $0x1;
	s10 =	sld [smem:$0x3FB6]  }
0x3d: {  	_ =	shalt  }
0x3e: {  	_ =	shalt  }
0x3f: {  	_ =	shalt  }
0x40: {  	_ =	shalt  }
0x41: {  	_ =	shalt  }
0x42: {  	_ =	shalt  }
0x43: {  	_ =	shalt  }
0x44: {  	_ =	shalt  }
0x45: {  	_ =	shalt  }
0x46: {  	_ =	shalt  }
0x47: {  	_ =	shalt  }
0x48: {  	_ =	shalt  }
0x49: {  	_ =	shalt  }
0x4a: {  	_ =	shalt  }
0x4b: {  	_ =	shalt  }
0x4c: {  	_ =	shalt  }
0x4d: {  	_ =	shalt  }
0x4e: {  	_ =	shalt  }
0x4f: {  	_ =	shalt  }
0x50: {  	_ =	shalt  }
0x51: {  	_ =	shalt  }
0x52: {  	_ =	shalt  }
0x53: {  	_ =	shalt  }
0x54: {  	_ =	shalt  }
0x55: {  	_ =	shalt  }
0x56: {  	_ =	shalt  }
0x57: {  	_ =	shalt  }
0x58: {  	_ =	shalt  }
0x59: {  	_ =	shalt  }
0x5a: {  	_ =	shalt  }
0x5b: {  	_ =	shalt  }
0x5c: {  	_ =	shalt  }
0x5d: {  	_ =	shalt  }
0x5e: {  	_ =	shalt  }
0x5f: {  	_ =	shalt  }
0x60: {  	_ =	shalt  }
0x61: {  	_ =	shalt  }
0x62: {  	_ =	shalt  }
0x63: {  	_ =	shalt  }
0x64: {  	_ =	shalt  }
0x65: {  	_ =	shalt  }
0x66: {  	_ =	shalt  }
0x67: {  	_ =	shalt  }
0x68: {  	_ =	shalt  }
0x69: {  	_ =	shalt  }
0x6a: {  	_ =	shalt  }
0x6b: {  	_ =	shalt  }
0x6c: {  	_ =	shalt  }
0x6d: {  	_ =	shalt  }
0x6e: {  	_ =	shalt  }
0x6f: {  	_ =	shalt  }
0x70: {  	_ =	shalt  }
0x71: {  	_ =	shalt  }
0x72: {  	_ =	shalt  }
0x73: {  	_ =	shalt  }
0x74: {  	_ =	shalt  }
0x75: {  	_ =	shalt  }
0x76: {  	_ =	shalt  }
0x77: {  	_ =	shalt  }
0x78: {  	_ =	shalt  }
0x79: {  	_ =	shalt  }
0x7a: {  	_ =	shalt  }
0x7b: {  	_ =	shalt  }
0x7c: {  	_ =	shalt  }
0x7d: {  	_ =	shalt  }
0x7e: {  	_ =	shalt  }
0x7f: {  	_ =	shalt  }
0x80: {  	_ =	shalt  }
0x81: {  	_ =	shalt  }
0x82: {  	_ =	shalt  }
0x83: {  	_ =	shalt  }
0x84: {  	_ =	shalt  }
0x85: {  	_ =	shalt  }
0x86: {  	_ =	shalt  }
0x87: {  	_ =	shalt  }
.Lfunc_end0:
.L_simem_size_0:
called_computation.2_lowered:
.L_overlay_start_0:
0x88: {  	s2 =	sld [smem:$0x3FD9]  }
0x89: {  	s3 =	sld [smem:$0x3FFE];
	_ =	sdelay $0x1  }
0x8a: {  	s1 =	srdreg.scid  }
0x8b: {  	s0 =	sand.u32 $0x1, s1  }
0x8c: {  	s14 =	sshll.u32 s0, $0xA;
	s2 =	sadd.s32 s3, s2  }
0x8d: {  	s2 =	sadd.s32 s2, s14  }
0x8e: {  	[smem:$0x3FC2] =	sst s2  }
0x8f: {  	_ = 	snop  }
0x90: {  	s2 =	sld [smem:$0x3FD0];
	_ =	sdelay $0x2  }
0x91: {  	s15 =	simm.s32 $0xA;
	s4 =	simm.s32 $0x10  }
0x92: {  	[smem:s4], [sflag:s15] =	dma.local [hbm:s2], $0x1  }
0x93: {  	_ =	swait.eq [sflag:s15], $0x1  }
0x94: {  	s16 =	sld [smem:$0x10];
	[sflag:s15] =	ssyncset.done $0x0  }
0x95: {  	s17 =	sld [smem:$0x11];
	[sflag:s15] =	ssyncadd.s32 $0xFFFFFFFF  }
0x96: {  	s18 =	sld [smem:$0x12];
	(tm) =	ssettm $0x1  }
0x97: {  	s5 =	sld [smem:$0x3FFB];
	_ =	sdelay $0x3  }
0x98: {  	_ =	strace s5  }
0x99: {  	s5 =	sld [smem:$0x3FFC];
	_ =	sdelay $0x3  }
0x9a: {  	_ =	strace s5  }
0x9b: {  	s5 =	sld [smem:$0x3FFD];
	_ =	sdelay $0x3  }
0x9c: {  	_ =	strace s5  }
0x9d: {  	_ =	strace $0x8FFFFFFF  }
0x9e: {  	s19 =	sld [smem:$0x3FDB];
	_ =	sdelay $0x1  }
0x9f: {  	s6 =	simm.s32 $_scs_section_size  }
0xa0: {  	s7 =	simm.s32 $_size__tile_overlayer_lowered;
	s8 =	simm.s32 $_tile_overlayer_lowered  }
0xa1: {  	s22 =	simm.s32 $0x1BFF;
	s21 =	sshll.u32 s8, $0x1;
	s5 =	sadd.s32 s6, s19  }
0xa2: {  	s9 =	simm.s32 $0x0;
	s20 =	sshll.u32 s7, $0x1;
	s7 =	sadd.s32 s21, s5  }
0xa3: {  	[timem:s9], [sflag:s22] =	dma.local [hbm:s7], s20  }
0xa4: {  	_ =	swait.ge [sflag:s22], s20  }
0xa5: {  	s6 =	ssub.s32 $0x0, s20;
	[sflag:s22] =	ssyncset.done $0x0  }
0xa6: {  	[sflag:s22] =	ssyncadd.s32 s6;
	_ =	sdelay $0x1  }
0xa7: {  	s23 =	simm.s32 $0x1B8B  }
0xa8: {  	_ =	swait.ge [sflag:s23], $0x1  }
0xa9: {  	[sflag:s23] =	ssyncset.done $0x0  }
0xaa: {  	s25 =	simm.s32 $0x1B8E;
	s24 =	sld [smem:$0x3FFE];
	[sflag:s23] =	ssyncadd.s32 $0xFFFFFFFF  }
0xab: {  	s26 =	simm.s32 $execute0_lowered;
	[smem:$0x3FD2] =	sst s25  }
0xac: {  	s7 =	sshll.u32 s26, $0x1;
	_ =	strace $0x8000004C;
	[dreg:$0x1] =	wrdreg $0xFFFFFFFF  }
0xad: {  	s28 =	simm.s32 $_size_execute0_lowered;
	s5 =	sadd.s32 s5, s7;
	[dreg:$0x0] =	wrdreg $0x0  }
0xae: {  	s7 =	sshll.u32 s28, $0x1;
	[dreg:$0x2] =	wrdreg s5  }
0xaf: {  	[dreg:$0x3] =	wrdreg s7  }
0xb0: {  	[dreg:$0x4] =	wrdreg $0xC0  }
0xb1: {  	_ =	task [dreg:s9], $0x5FFFF  }
0xb2: {  	[dreg:$0x1] =	wrdreg $0xFFFFFFFF  }
0xb3: {  	[dreg:$0x0] =	wrdreg $0x60  }
0xb4: {  	[dreg:$0x2] =	wrdreg s16  }
0xb5: {  	[dreg:$0x3] =	wrdreg s24  }
0xb6: {  	[dreg:$0x4] =	wrdreg s17  }
0xb7: {  	[dreg:$0x5] =	wrdreg s18  }
0xb8: {  	[dreg:$0x6] =	wrdreg $0x14DC00  }
0xb9: {  	[dreg:$0x7] =	wrdreg $0x9  }
0xba: {  	_ =	task.clear_ibuf [dreg:s9], $0x8FFFF;
	_ =	strace $0x9000004C  }
0xbb: {  	s29 =	simm.s32 $0x9;
	_ =	strace $0x8000004E  }
0xbc: {  	_ =	swait.ge [sflag:s29], $0x1  }
0xbd: {  	[sflag:s29] =	ssyncadd.s32 $0xFFFFFFFF  }
0xbe: {  	_ =	strace $0x9000004E  }
0xbf: {  	_ =	sfence  }
0xc0: {  	s30 =	sld [smem:$0x0];
	_ =	sdelay $0x2  }
0xc1: {  	s31 =	sshll.u32 s1, $0xD;
	s1 =	sshrl.u32 s1, $0x2  }
0xc2: {  	s3 =	sand.u32 $0x4000, s31;
	s1 =	sadd.s32 s1, s30  }
0xc3: {  	s0 =	sor.u32 s3, s0;
	s1 =	sshll.u32 s1, $0x11  }
0xc4: {  	s0 =	sor.u32 s1, s0  }
0xc5: {  	s0 =	sadd.s32 $0x8F2B, s0  }
0xc6: {  	[sflag:s0] =	ssyncadd.remote.s32 $0x1  }
0xc7: {  	_ =	sfence.sel $0xFFFF  }
0xc8: {  	[dreg:$0x0] =	wrdreg $0xFFFFFFFF;
	(pc) =	sbr.abs _section_cstart, $3  }
0xc9: {  	[dreg:$0x1] =	wrdreg $0xFFFFFFFF  }
0xca: {  	_ =	task.clear_ibuf [dreg:s9], $0x2FFFF;
	_ =	strace $0x9FFFFFFF  }
0xcb: {  	(tm) =	ssettm $0x7FFFFFFF  }
tec
execute0_lowered:
.L_overlay_start_1:
0x0: {  	(tag) =	ssettag $0x1  }
0x1: {  	s0 =	rddreg [dreg:$0x0]  }
0x2: {  	s2 =	rddreg [dreg:$0x1]  }
0x3: {  	s1 =	rddreg [dreg:$0x2];
	s3 =	srdreg.scid  }
0x4: {  	s7 =	stileid.u32;
	s9 =	rddreg [dreg:$0x3]  }
0x5: {  	s14 =	simm.s32 $0x5000;
	s16 =	simm.s32 $0x6F40;
	s18 =	simm.s32 $0x8E80  }
0x6: {  	s19 =	simm.s32 $0x1;
	s20 =	simm.s32 $0x2;
	s21 =	simm.s32 $0x3  }
0x7: {  	s22 =	simm.s32 $0x4;
	s23 =	simm.s32 $0x5;
	s28 =	simm.s32 $0x4E00  }
0x8: {  	s29 =	simm.s32 $0x4E80;
	s30 =	simm.s32 $0x2700;
	s31 =	simm.s32 $0x2780  }
0x9: {  	s5 =	sand.u32 $0x1, s3;
	s4 =	sshll.u32 s7, $0x1;
	s8 =	smul.u32 $0xA000, s7  }
0xa: {  	s3 =	rddreg [dreg:$0x4];
	s6 =	sor.u32 s5, s4;
	s13 =	smul.u32 $0x14000, s5  }
0xb: {  	s4 =	simm.s32 $0x0;
	s25 =	ssub.s32 $0x2, s5;
	s6 =	smul.u32 $0x500, s6  }
0xc: {  	[smem:$0x7FF] =	sst s4;
	s11 =	sshrl.u32 s8, $0x3;
	s12 =	sshrl.u32 s25, $0x1  }
0xd: {  	s8 =	sadd.s32 s8, s3;
	_ =	strace $0x8000004D;
	s12 =	ssub.s32 s25, s12  }
0xe: {  	s26 =	sadd.s32 s9, s13;
	s13 =	simm.s32 $0x7D;
	s25 =	simm.s32 $0x6  }
0xf: {  	s10 =	sadd.s32 s6, s2;
	s2 =	sadd.s32 s11, s2;
	s5 =	sadd.s32 s0, s6  }
0x10: {  	s9 =	smax.u32 s12, $0x1;
	s12 =	simm.s32 $0xADC0;
	s24 =	sadd.s32 s11, s26  }
0x11: {  	s0 =	simm.s32 $0x4F80;
	s11 =	simm.s32 $0x0;
	s6 =	sadd.s32 $0x3800, s10  }
0x12: {  	s7 =	sadd.s32 $0xD800, s2;
	s10 =	simm.s32 $0x7;
	s2 =	simm.s32 $0x4F00  }
.LBB2_1:
0x13: {  	[tilespmem:s4], [sflag:$0x7] =	stream.linear.gather [hbm4b:s5+s4], $0x2800, $0x38;
	[tilespmem:$0x1EDC0] =	vst v63  }
0x14: {  	_ =	swait.ge [sflag:s10], $0x2800  }
0x15: {  	[sflag:s10] =	ssyncset.done $0x0  }
0x16: {  	s15 =	simm.s32 $0x2800;
	[sflag:s10] =	ssyncadd.s32 $0xFFFFD800  }
0x17: {  	[tilespmem:s15], [sflag:$0x7] =	stream.linear.gather [hbm4b:s6+s4], $0x2800, $0x38;
	[tilespmem:$0x1EDC0] =	vst v63  }
0x18: {  	_ =	swait.ge [sflag:s10], $0x2800  }
0x19: {  	[sflag:s10] =	ssyncset.done $0x0  }
0x1a: {  	[sflag:s10] =	ssyncadd.s32 $0xFFFFD800  }
0x1b: {  	[tilespmem:s12], [sflag:$0x7] =	stream.linear.gather [hbm4b:s7+s4], $0xA000, $0x38;
	[tilespmem:$0x1EDC0] =	vst v63  }
0x1c: {  	_ =	swait.ge [sflag:s10], $0xA000  }
0x1d: {  	[sflag:s10] =	ssyncset.done $0x0  }
0x1e: {  	[sflag:s10] =	ssyncadd.s32 $0xFFFF6000  }
0x1f: {  	[spmem:s8] =	stream.linear.scatter [tilespmem:s12], [sflag:$0x7], $0xA000, $0x38;
	[tilespmem:$0x1EDC0] =	vst v63  }
0x20: {  	_ =	swait.ge [sflag:s10], $0xA000  }
0x21: {  	[sflag:s10] =	ssyncset.done $0x0  }
0x22: {  	[sflag:s10] =	ssyncadd.s32 $0xFFFF6000  }
0x23: {  	[bflag:$0x0] =	sbarrier.arrive $0xFFFF  }
0x24: {  	[tilespmem:s14], [sflag:$0x1] =	stream.indirect.gather [hbm4b:s1+s13], $0x40, s4, s13, $0xb8;
	[tilespmem:$0x1EDC0] =	vst v63  }
0x25: {  	s26 =	simm.s32 $0x80  }
0x26: {  	[tilespmem:s16], [sflag:$0x2] =	stream.indirect.gather [hbm4b:s1+s13], $0x40, s26, s13, $0xb8;
	[tilespmem:$0x1EDC0] =	vst v63  }
0x27: {  	s17 =	simm.s32 $0x100  }
0x28: {  	[tilespmem:s18], [sflag:$0x3] =	stream.indirect.gather [hbm4b:s1+s13], $0x40, s17, s13, $0xb8;
	[tilespmem:$0x1EDC0] =	vst v63  }
0x29: {  	_ =	swait.ge [sflag:s19], $0x1F40  }
0x2a: {  	[sflag:s19] =	ssyncset.done $0x0  }
0x2b: {  	s26 =	simm.s32 $0x2800;
	[sflag:s19] =	ssyncadd.s32 $0xFFFFE0C0  }
0x2c: {  	[spmem:s3] =	stream.indirect.scatter.add.f32 [tilespmem:s14], [sflag:$0x4], $0x40, s26, s13, $0xb8;
	[tilespmem:$0x1EDC0] =	vst v63  }
0x2d: {  	_ =	swait.ge [sflag:s20], $0x1F40  }
0x2e: {  	[sflag:s20] =	ssyncset.done $0x0  }
0x2f: {  	s17 =	simm.s32 $0x2880;
	[sflag:s20] =	ssyncadd.s32 $0xFFFFE0C0  }
0x30: {  	[spmem:s3] =	stream.indirect.scatter.add.f32 [tilespmem:s16], [sflag:$0x5], $0x40, s17, s13, $0xb8;
	[tilespmem:$0x1EDC0] =	vst v63  }
0x31: {  	_ =	swait.ge [sflag:s21], $0x1F40  }
0x32: {  	[sflag:s21] =	ssyncset.done $0x0  }
0x33: {  	s26 =	simm.s32 $0x2900;
	[sflag:s21] =	ssyncadd.s32 $0xFFFFE0C0  }
0x34: {  	[spmem:s3] =	stream.indirect.scatter.add.f32 [tilespmem:s18], [sflag:$0x6], $0x40, s26, s13, $0xb8;
	[tilespmem:$0x1EDC0] =	vst v63  }
0x35: {  	_ =	swait.ge [sflag:s22], $0x1F40  }
0x36: {  	[sflag:s22] =	ssyncset.done $0x0  }
0x37: {  	s17 =	simm.s32 $0x180;
	[sflag:s22] =	ssyncadd.s32 $0xFFFFE0C0  }
0x38: {  	[tilespmem:s14], [sflag:$0x1] =	stream.indirect.gather [hbm4b:s1+s13], $0x40, s17, s13, $0xb8;
	[tilespmem:$0x1EDC0] =	vst v63  }
0x39: {  	_ =	swait.ge [sflag:s23], $0x1F40  }
0x3a: {  	[sflag:s23] =	ssyncset.done $0x0  }
0x3b: {  	s26 =	simm.s32 $0x200;
	[sflag:s23] =	ssyncadd.s32 $0xFFFFE0C0  }
0x3c: {  	[tilespmem:s16], [sflag:$0x2] =	stream.indirect.gather [hbm4b:s1+s13], $0x40, s26, s13, $0xb8;
	[tilespmem:$0x1EDC0] =	vst v63  }
0x3d: {  	_ =	swait.ge [sflag:s25], $0x1F40  }
0x3e: {  	[sflag:s25] =	ssyncset.done $0x0  }
0x3f: {  	s15 =	simm.s32 $0x600;
	s17 =	simm.s32 $0x280;
	[sflag:s25] =	ssyncadd.s32 $0xFFFFE0C0  }
.LBB2_2:
0x40: {  	[tilespmem:s18], [sflag:$0x3] =	stream.indirect.gather [hbm4b:s1+s13], $0x40, s17, s13, $0xb8;
	[tilespmem:$0x1EDC0] =	vst v63  }
0x41: {  	s17 =	smov.u32 s15  }
0x42: {  	p0 =	sne.s32 s15, $0x9000;
	s15 =	sadd.s32 $0x600, s15;
	_ =	swait.ge [sflag:s19], $0x1F40  }
0x43: {  	s17 =	sshra.s32 s17, $0x2;
	[sflag:s19] =	ssyncset.done $0x0  }
0x44: {  	s26 =	sadd.s32 $0x2800, s17;
	[sflag:s19] =	ssyncadd.s32 $0xFFFFE0C0  }
0x45: {  	[spmem:s3] =	stream.indirect.scatter.add.f32 [tilespmem:s14], [sflag:$0x4], $0x40, s26, s13, $0xb8;
	[tilespmem:$0x1EDC0] =	vst v63  }
0x46: {  	_ =	swait.ge [sflag:s20], $0x1F40  }
0x47: {  	[sflag:s20] =	ssyncset.done $0x0  }
0x48: {  	s26 =	sadd.s32 $0x2880, s17;
	[sflag:s20] =	ssyncadd.s32 $0xFFFFE0C0  }
0x49: {  	[spmem:s3] =	stream.indirect.scatter.add.f32 [tilespmem:s16], [sflag:$0x5], $0x40, s26, s13, $0xb8;
	[tilespmem:$0x1EDC0] =	vst v63  }
0x4a: {  	_ =	swait.ge [sflag:s21], $0x1F40  }
0x4b: {  	[sflag:s21] =	ssyncset.done $0x0  }
0x4c: {  	s26 =	sadd.s32 $0x2900, s17;
	[sflag:s21] =	ssyncadd.s32 $0xFFFFE0C0  }
0x4d: {  	[spmem:s3] =	stream.indirect.scatter.add.f32 [tilespmem:s18], [sflag:$0x6], $0x40, s26, s13, $0xb8;
	[tilespmem:$0x1EDC0] =	vst v63  }
0x4e: {  	_ =	swait.ge [sflag:s22], $0x1F40  }
0x4f: {  	[sflag:s22] =	ssyncset.done $0x0  }
0x50: {  	s26 =	sadd.s32 $0x180, s17;
	[sflag:s22] =	ssyncadd.s32 $0xFFFFE0C0  }
0x51: {  	[tilespmem:s14], [sflag:$0x1] =	stream.indirect.gather [hbm4b:s1+s13], $0x40, s26, s13, $0xb8;
	[tilespmem:$0x1EDC0] =	vst v63  }
0x52: {  	_ =	swait.ge [sflag:s23], $0x1F40  }
0x53: {  	[sflag:s23] =	ssyncset.done $0x0  }
.Ltmp0:
0x54: {  	s26 =	sadd.s32 $0x200, s17;
	[sflag:s23] =	ssyncadd.s32 $0xFFFFE0C0;
	(pc) =	sbr.rel @p0 .LBB2_2-.Ltmp0, $4  }
0x55: {  	[tilespmem:s16], [sflag:$0x2] =	stream.indirect.gather [hbm4b:s1+s13], $0x40, s26, s13, $0xb8;
	[tilespmem:$0x1EDC0] =	vst v63  }
0x56: {  	_ =	swait.ge [sflag:s25], $0x1F40  }
0x57: {  	[sflag:s25] =	ssyncset.done $0x0  }
0x58: {  	s17 =	sadd.s32 $0x280, s17;
	[sflag:s25] =	ssyncadd.s32 $0xFFFFE0C0  }
0x59: {  	[tilespmem:s18], [sflag:$0x3] =	stream.indirect.gather [hbm4b:s1+s13], $0x40, s17, s13, $0xb8;
	[tilespmem:$0x1EDC0] =	vst v63  }
0x5a: {  	_ =	swait.ge [sflag:s19], $0x1F40  }
0x5b: {  	[sflag:s19] =	ssyncset.done $0x0  }
0x5c: {  	s15 =	simm.s32 $0x4D80;
	[sflag:s19] =	ssyncadd.s32 $0xFFFFE0C0  }
0x5d: {  	[spmem:s3] =	stream.indirect.scatter.add.f32 [tilespmem:s14], [sflag:$0x4], $0x40, s15, s13, $0xb8;
	[tilespmem:$0x1EDC0] =	vst v63  }
0x5e: {  	_ =	swait.ge [sflag:s20], $0x1F40  }
0x5f: {  	[sflag:s20] =	ssyncset.done $0x0  }
0x60: {  	[sflag:s20] =	ssyncadd.s32 $0xFFFFE0C0  }
0x61: {  	[spmem:s3] =	stream.indirect.scatter.add.f32 [tilespmem:s16], [sflag:$0x5], $0x40, s28, s13, $0xb8;
	[tilespmem:$0x1EDC0] =	vst v63  }
0x62: {  	_ =	swait.ge [sflag:s21], $0x1F40  }
0x63: {  	[sflag:s21] =	ssyncset.done $0x0  }
0x64: {  	[sflag:s21] =	ssyncadd.s32 $0xFFFFE0C0  }
0x65: {  	[spmem:s3] =	stream.indirect.scatter.add.f32 [tilespmem:s18], [sflag:$0x6], $0x40, s29, s13, $0xb8;
	[tilespmem:$0x1EDC0] =	vst v63  }
0x66: {  	_ =	swait.ge [sflag:s22], $0x1F40  }
0x67: {  	[sflag:s22] =	ssyncset.done $0x0  }
0x68: {  	[sflag:s22] =	ssyncadd.s32 $0xFFFFE0C0  }
0x69: {  	[tilespmem:s14], [sflag:$0x1] =	stream.indirect.gather [hbm4b:s1+s13], $0x40, s30, s13, $0xb8;
	[tilespmem:$0x1EDC0] =	vst v63  }
0x6a: {  	_ =	swait.ge [sflag:s23], $0x1F40  }
0x6b: {  	[sflag:s23] =	ssyncset.done $0x0  }
0x6c: {  	[sflag:s23] =	ssyncadd.s32 $0xFFFFE0C0  }
0x6d: {  	[tilespmem:s16], [sflag:$0x2] =	stream.indirect.gather [hbm4b:s1+s13], $0x40, s31, s13, $0xb8;
	[tilespmem:$0x1EDC0] =	vst v63  }
0x6e: {  	_ =	swait.ge [sflag:s25], $0x1F40  }
0x6f: {  	[sflag:s25] =	ssyncset.done $0x0  }
0x70: {  	[sflag:s25] =	ssyncadd.s32 $0xFFFFE0C0  }
0x71: {  	_ =	swait.ge [sflag:s19], $0x1F40  }
0x72: {  	[sflag:s19] =	ssyncset.done $0x0  }
0x73: {  	[sflag:s19] =	ssyncadd.s32 $0xFFFFE0C0  }
0x74: {  	[spmem:s3] =	stream.indirect.scatter.add.f32 [tilespmem:s14], [sflag:$0x7], $0x40, s2, s13, $0xb8;
	[tilespmem:$0x1EDC0] =	vst v63  }
0x75: {  	_ =	swait.ge [sflag:s10], $0x1F40  }
0x76: {  	[sflag:s10] =	ssyncset.done $0x0  }
0x77: {  	[sflag:s10] =	ssyncadd.s32 $0xFFFFE0C0  }
0x78: {  	_ =	swait.ge [sflag:s20], $0x1F40  }
0x79: {  	[sflag:s20] =	ssyncset.done $0x0  }
0x7a: {  	[sflag:s20] =	ssyncadd.s32 $0xFFFFE0C0  }
0x7b: {  	[spmem:s3] =	stream.indirect.scatter.add.f32 [tilespmem:s16], [sflag:$0x7], $0x40, s0, s13, $0xb8;
	[tilespmem:$0x1EDC0] =	vst v63  }
0x7c: {  	_ =	swait.ge [sflag:s10], $0x1F40  }
0x7d: {  	[sflag:s10] =	ssyncset.done $0x0  }
0x7e: {  	[sflag:s10] =	ssyncadd.s32 $0xFFFFE0C0  }
0x7f: {  	[bflag:$0x0] =	sbarrier.arrive $0xFFFF  }
0x80: {  	[tilespmem:s12], [sflag:$0x7] =	stream.linear.gather [spmem:s8], $0xA000, $0x38;
	[tilespmem:$0x1EDC0] =	vst v63  }
0x81: {  	s11 =	sadd.s32 $0x1, s11;
	_ =	swait.ge [sflag:s10], $0xA000  }
0x82: {  	p0 =	sne.s32 s11, s9;
	[sflag:s10] =	ssyncset.done $0x0  }
.Ltmp1:
0x83: {  	[sflag:s10] =	ssyncadd.s32 $0xFFFF6000;
	(pc) =	sbr.rel @p0 .LBB2_1-.Ltmp1, $4  }
0x84: {  	[hbm4b:s24+s4] =	stream.linear.scatter [tilespmem:s12], [sflag:$0x7], $0xA000, $0x38;
	[tilespmem:$0x1EDC0] =	vst v63  }
0x85: {  	_ =	swait.ge [sflag:s10], $0xA000  }
0x86: {  	[sflag:s10] =	ssyncset.done $0x0  }
0x87: {  	[sflag:s10] =	ssyncadd.s32 $0xFFFF6000  }
0x88: {  	_ =	sfence.sel $0x180000  }
0x89: {  	[bflag:$0x0] =	sbarrier.arrive $0xFFFF  }
0x8a: {  	_ =	strace $0x9000004D  }
0x8b: {  	s0 =	stileid.u32;
	[bflag:$0x2] =	sbarrier.arrive $0xFFFF  }
0x8c: {  	p0 =	sne.s32 s0, $0x0;
	s0 =	rddreg [dreg:$0x5]  }
0x8d: {  	s0 =	sadd.s32 @!p0 $0x100000, s0  }
0x8e: {  	[sflag:s0] =	ssyncadd.tile.s32 @!p0 $0x1;
	_ =	shalt  }
.Lfunc_end2:
_tile_overlayer_lowered:
.L_overlay_start_2:
0x8f: {  	(tag) =	ssettag $0x2  }
0x90: {  	s0 =	rddreg [dreg:$0x0];
	s2 =	stileid.u32  }
0x91: {  	s1 =	rddreg [dreg:$0x1];
	p0 =	sne.s32 s2, $0x0  }
0x92: {  	s3 =	rddreg [dreg:$0x2];
	[bflag:$0x3] =	sbarrier.arrive $0xFFFF;
	s2 =	simm.s32 @!p0 $0x1C07  }
0x93: {  	[timem:s3], [sflag:s2] =	dma.local @!p0 [hbm:s0], s1  }
0x94: {  	s0 =	simm.s32 @!p0 $0x7  }
0x95: {  	_ =	swait.ge @!p0 [sflag:s0], s1  }
0x96: {  	s1 =	ssub.s32 @!p0 $0x0, s1;
	[sflag:s0] =	ssyncset.done @!p0 $0x0  }
0x97: {  	[sflag:s0] =	ssyncadd.s32 @!p0 s1  }
0x98: {  	[bflag:$0x3] =	sbarrier.arrive $0xFFFF  }
0x99: {  	_ =	shalt  }

// kernel: kernel.21.cloned.1.call-start
scs
__scs_entry_jumppad:
0x0: {  	(pc) =	sbr.rel $0x88, $3  }
0x1: {  	(tag) =	ssettag $0x0;
	lr =	simm.s32 $0x1  }
0x2: {  	[smem:$0x3F9B] =	sst lr;
	_ =	strace $0xD0000000  }
0x3: {  	_ = 	snop  }
0x4: {  	_ = 	snop  }
0x5: {  	_ = 	snop  }
0x6: {  	_ = 	snop  }
0x7: {  	_ = 	snop  }
__scs_overlays_trampoline_lowered:
0x8: {  	[smem:$0x3FAA] =	sst s0  }
0x9: {  	[smem:$0x3FAB] =	sst s1  }
0xa: {  	[smem:$0x3FAC] =	sst s2  }
0xb: {  	[smem:$0x3FAD] =	sst s3  }
0xc: {  	[smem:$0x3FAE] =	sst s4  }
0xd: {  	[smem:$0x3FAF] =	sst s5  }
0xe: {  	[smem:$0x3FB0] =	sst s6  }
0xf: {  	[smem:$0x3FB1] =	sst s7  }
0x10: {  	[smem:$0x3FB2] =	sst s8  }
0x11: {  	[smem:$0x3FB3] =	sst s9;
	s0 =	simm.s32 @!p0 $0x0  }
0x12: {  	s1 =	sld [smem:$0x3F99];
	s0 =	simm.s32 @p0 $0x1  }
0x13: {  	[smem:$0x3FB4] =	sst s0;
	s0 =	simm.s32 @!p1 $0x0  }
0x14: {  	s2 =	sld [smem:$0x3F98];
	s0 =	simm.s32 @p1 $0x1  }
0x15: {  	[smem:$0x3FB5] =	sst s0;
	s0 =	simm.s32 @!p2 $0x0  }
0x16: {  	s3 =	sld [smem:$0x3FDB];
	s0 =	simm.s32 @p2 $0x1  }
0x17: {  	s4 =	simm.s32 $0x1BF5;
	[smem:$0x3FB7] =	sst s0  }
0x18: {  	s0 =	sld [smem:$0x3F9A];
	_ =	swait.ge [sflag:s4], $0x0  }
0x19: {  	s7 =	sld [smem:$0x3F9B]  }
0x1a: {  	s8 =	sadd.s32 $0xFFFFE003, lr  }
0x1b: {  	s9 =	sadd.s32 $0xFFFFFEF7, lr;
	s5 =	simm.s32 $0xFFFFFFFF;
	p2 =	slt.u32 s8, $0xFFFFF086  }
0x1c: {  	p1 =	slt.u32 s9, $0xF7A;
	s5 =	simm.s32 @!p2 $0x0  }
0x1d: {  	s5 =	simm.s32 @p1 $0x1;
	p0 =	seq.s32 s7, s2  }
0x1e: {  	s7 =	smul.u32 @!p0 $0xF7A, s2;
	p2 =	seq.s32 @!p0 s5, $0x0  }
0x1f: {  	s9 =	smul.u32 $0xF7A, s1;
	s8 =	simm.s32 @!p0 $0x1BF5;
	p2 =	por !p2, p0  }
0x20: {  	[sflag:s8] =	ssyncset.s32 @!p0 $0xFFFFF086;
	s6 =	sadd.s32 @!p0 s3, s7;
	s7 =	simm.s32 @!p0 $0x108  }
0x21: {  	s3 =	sadd.s32 s3, s9;
	s6 =	sadd.s32 @!p0 $0x88, s6;
	s7 =	simm.s32 @p2 $0x1082  }
0x22: {  	[simem:s7], [sflag:s8] =	dma.local @!p0 [hbm:s6], $0xF7A  }
0x23: {  	s9 =	sor.u32 $0xD0000000, s2;
	s6 =	simm.s32 $0x108;
	_ =	swait.ge @!p0 [sflag:s8], $0x0  }
0x24: {  	s3 =	sadd.s32 $0x88, s3;
	s6 =	simm.s32 @!p1 $0x1082;
	[sflag:s4] =	ssyncset.s32 $0xFFFFF086  }
0x25: {  	[simem:s6], [sflag:s4] =	dma.local [hbm:s3], $0xF7A  }
0x26: {  	[smem:$0x3F9B] =	sst s1;
	(tag) =	ssettag s2;
	_ =	strace s9  }
0x27: {  	s1 =	sld [smem:$0x3FAB]  }
0x28: {  	s2 =	sld [smem:$0x3FAC]  }
0x29: {  	s4 =	sld [smem:$0x3FAE]  }
0x2a: {  	p0 =	seq.s32 s5, $0x0;
	s5 =	sld [smem:$0x3FAF]  }
0x2b: {  	s6 =	sld [smem:$0x3FB0]  }
0x2c: {  	s7 =	sld [smem:$0x3FB1]  }
0x2d: {  	s3 =	simm.s32 $0x108;
	s8 =	sld [smem:$0x3FB2]  }
0x2e: {  	s3 =	simm.s32 @!p0 $0x1082;
	s9 =	sld [smem:$0x3FB3]  }
0x2f: {  	lr =	sadd.s32 s0, s3;
	s0 =	sld [smem:$0x3FAA]  }
0x30: {  	s3 =	sld [smem:$0x3FAD]  }
0x31: {  	[smem:$0x3FB6] =	sst s10  }
0x32: {  	s10 =	sld [smem:$0x3FB4];
	_ =	sdelay $0x3  }
0x33: {  	p0 =	seq.s32 s10, $0x1;
	s10 =	sld [smem:$0x3FB6];
	_ =	sdelay $0x3  }
0x34: {  	[smem:$0x3FB6] =	sst s10  }
0x35: {  	s10 =	sld [smem:$0x3FB5];
	_ =	sdelay $0x3  }
0x36: {  	p1 =	seq.s32 s10, $0x1;
	s10 =	sld [smem:$0x3FB6];
	_ =	sdelay $0x3  }
0x37: {  	[smem:$0x3FB6] =	sst s10  }
0x38: {  	s10 =	sld [smem:$0x3FB7]  }
0x39: {  	_ = 	snop;
	(pc) =	sbr.ind lr, $3  }
0x3a: {  	_ = 	snop  }
0x3b: {  	_ = 	snop  }
0x3c: {  	p2 =	seq.s32 s10, $0x1;
	s10 =	sld [smem:$0x3FB6]  }
0x3d: {  	_ =	shalt  }
0x3e: {  	_ =	shalt  }
0x3f: {  	_ =	shalt  }
0x40: {  	_ =	shalt  }
0x41: {  	_ =	shalt  }
0x42: {  	_ =	shalt  }
0x43: {  	_ =	shalt  }
0x44: {  	_ =	shalt  }
0x45: {  	_ =	shalt  }
0x46: {  	_ =	shalt  }
0x47: {  	_ =	shalt  }
0x48: {  	_ =	shalt  }
0x49: {  	_ =	shalt  }
0x4a: {  	_ =	shalt  }
0x4b: {  	_ =	shalt  }
0x4c: {  	_ =	shalt  }
0x4d: {  	_ =	shalt  }
0x4e: {  	_ =	shalt  }
0x4f: {  	_ =	shalt  }
0x50: {  	_ =	shalt  }
0x51: {  	_ =	shalt  }
0x52: {  	_ =	shalt  }
0x53: {  	_ =	shalt  }
0x54: {  	_ =	shalt  }
0x55: {  	_ =	shalt  }
0x56: {  	_ =	shalt  }
0x57: {  	_ =	shalt  }
0x58: {  	_ =	shalt  }
0x59: {  	_ =	shalt  }
0x5a: {  	_ =	shalt  }
0x5b: {  	_ =	shalt  }
0x5c: {  	_ =	shalt  }
0x5d: {  	_ =	shalt  }
0x5e: {  	_ =	shalt  }
0x5f: {  	_ =	shalt  }
0x60: {  	_ =	shalt  }
0x61: {  	_ =	shalt  }
0x62: {  	_ =	shalt  }
0x63: {  	_ =	shalt  }
0x64: {  	_ =	shalt  }
0x65: {  	_ =	shalt  }
0x66: {  	_ =	shalt  }
0x67: {  	_ =	shalt  }
0x68: {  	_ =	shalt  }
0x69: {  	_ =	shalt  }
0x6a: {  	_ =	shalt  }
0x6b: {  	_ =	shalt  }
0x6c: {  	_ =	shalt  }
0x6d: {  	_ =	shalt  }
0x6e: {  	_ =	shalt  }
0x6f: {  	_ =	shalt  }
0x70: {  	_ =	shalt  }
0x71: {  	_ =	shalt  }
0x72: {  	_ =	shalt  }
0x73: {  	_ =	shalt  }
0x74: {  	_ =	shalt  }
0x75: {  	_ =	shalt  }
0x76: {  	_ =	shalt  }
0x77: {  	_ =	shalt  }
0x78: {  	_ =	shalt  }
0x79: {  	_ =	shalt  }
0x7a: {  	_ =	shalt  }
0x7b: {  	_ =	shalt  }
0x7c: {  	_ =	shalt  }
0x7d: {  	_ =	shalt  }
0x7e: {  	_ =	shalt  }
0x7f: {  	_ =	shalt  }
0x80: {  	_ =	shalt  }
0x81: {  	_ =	shalt  }
0x82: {  	_ =	shalt  }
0x83: {  	_ =	shalt  }
0x84: {  	_ =	shalt  }
0x85: {  	_ =	shalt  }
0x86: {  	_ =	shalt  }
0x87: {  	_ =	shalt  }
.Lfunc_end0:
.L_simem_size_0:
called_computation.3_lowered:
.L_overlay_start_0:
0x88: {  	s2 =	sld [smem:$0x3FD9]  }
0x89: {  	s3 =	sld [smem:$0x3FFE];
	_ =	sdelay $0x1  }
0x8a: {  	s1 =	srdreg.scid  }
0x8b: {  	s0 =	sand.u32 $0x1, s1  }
0x8c: {  	s14 =	sshll.u32 s0, $0xA;
	s2 =	sadd.s32 s3, s2  }
0x8d: {  	s2 =	sadd.s32 s2, s14  }
0x8e: {  	[smem:$0x3FC2] =	sst s2  }
0x8f: {  	_ = 	snop  }
0x90: {  	s2 =	sld [smem:$0x3FD0];
	_ =	sdelay $0x2  }
0x91: {  	s15 =	simm.s32 $0xA;
	s4 =	simm.s32 $0x10  }
0x92: {  	[smem:s4], [sflag:s15] =	dma.local [hbm:s2], $0x1  }
0x93: {  	_ =	swait.eq [sflag:s15], $0x1  }
0x94: {  	s16 =	sld [smem:$0x10];
	[sflag:s15] =	ssyncset.done $0x0  }
0x95: {  	s17 =	sld [smem:$0x11];
	[sflag:s15] =	ssyncadd.s32 $0xFFFFFFFF  }
0x96: {  	s18 =	sld [smem:$0x12];
	(tm) =	ssettm $0x1  }
0x97: {  	s5 =	sld [smem:$0x3FFB];
	_ =	sdelay $0x3  }
0x98: {  	_ =	strace s5  }
0x99: {  	s5 =	sld [smem:$0x3FFC];
	_ =	sdelay $0x3  }
0x9a: {  	_ =	strace s5  }
0x9b: {  	s5 =	sld [smem:$0x3FFD];
	_ =	sdelay $0x3  }
0x9c: {  	_ =	strace s5  }
0x9d: {  	_ =	strace $0x8FFFFFFF  }
0x9e: {  	s19 =	sld [smem:$0x3FDB];
	_ =	sdelay $0x1  }
0x9f: {  	s6 =	simm.s32 $_scs_section_size  }
0xa0: {  	s7 =	simm.s32 $_size__tile_overlayer_lowered;
	s8 =	simm.s32 $_tile_overlayer_lowered  }
0xa1: {  	s22 =	simm.s32 $0x1BFF;
	s21 =	sshll.u32 s8, $0x1;
	s5 =	sadd.s32 s6, s19  }
0xa2: {  	s9 =	simm.s32 $0x0;
	s20 =	sshll.u32 s7, $0x1;
	s7 =	sadd.s32 s21, s5  }
0xa3: {  	[timem:s9], [sflag:s22] =	dma.local [hbm:s7], s20  }
0xa4: {  	_ =	swait.ge [sflag:s22], s20  }
0xa5: {  	s6 =	ssub.s32 $0x0, s20;
	[sflag:s22] =	ssyncset.done $0x0  }
0xa6: {  	[sflag:s22] =	ssyncadd.s32 s6;
	_ =	sdelay $0x1  }
0xa7: {  	s23 =	simm.s32 $0x1B8B  }
0xa8: {  	_ =	swait.ge [sflag:s23], $0x1  }
0xa9: {  	[sflag:s23] =	ssyncset.done $0x0  }
0xaa: {  	s25 =	simm.s32 $0x1B8E;
	s24 =	sld [smem:$0x3FFE];
	[sflag:s23] =	ssyncadd.s32 $0xFFFFFFFF  }
0xab: {  	s26 =	simm.s32 $execute0_lowered;
	[smem:$0x3FD2] =	sst s25  }
0xac: {  	s7 =	sshll.u32 s26, $0x1;
	_ =	strace $0x8000004F;
	[dreg:$0x1] =	wrdreg $0xFFFFFFFF  }
0xad: {  	s28 =	simm.s32 $_size_execute0_lowered;
	s5 =	sadd.s32 s5, s7;
	[dreg:$0x0] =	wrdreg $0x0  }
0xae: {  	s7 =	sshll.u32 s28, $0x1;
	[dreg:$0x2] =	wrdreg s5  }
0xaf: {  	[dreg:$0x3] =	wrdreg s7  }
0xb0: {  	[dreg:$0x4] =	wrdreg $0xC0  }
0xb1: {  	_ =	task [dreg:s9], $0x5FFFF  }
0xb2: {  	[dreg:$0x1] =	wrdreg $0xFFFFFFFF  }
0xb3: {  	[dreg:$0x0] =	wrdreg $0x60  }
0xb4: {  	[dreg:$0x2] =	wrdreg s16  }
0xb5: {  	[dreg:$0x3] =	wrdreg s24  }
0xb6: {  	[dreg:$0x4] =	wrdreg s17  }
0xb7: {  	[dreg:$0x5] =	wrdreg s18  }
0xb8: {  	[dreg:$0x6] =	wrdreg $0x14DC00  }
0xb9: {  	[dreg:$0x7] =	wrdreg $0x9  }
0xba: {  	_ =	task.clear_ibuf [dreg:s9], $0x8FFFF;
	_ =	strace $0x9000004F  }
0xbb: {  	s29 =	simm.s32 $0x9;
	_ =	strace $0x80000051  }
0xbc: {  	_ =	swait.ge [sflag:s29], $0x1  }
0xbd: {  	[sflag:s29] =	ssyncadd.s32 $0xFFFFFFFF  }
0xbe: {  	_ =	strace $0x90000051  }
0xbf: {  	_ =	sfence  }
0xc0: {  	s30 =	sld [smem:$0x0];
	_ =	sdelay $0x2  }
0xc1: {  	s31 =	sshll.u32 s1, $0xD;
	s1 =	sshrl.u32 s1, $0x2  }
0xc2: {  	s3 =	sand.u32 $0x4000, s31;
	s1 =	sadd.s32 s1, s30  }
0xc3: {  	s0 =	sor.u32 s3, s0;
	s1 =	sshll.u32 s1, $0x11  }
0xc4: {  	s0 =	sor.u32 s1, s0  }
0xc5: {  	s0 =	sadd.s32 $0x8F2B, s0  }
0xc6: {  	[sflag:s0] =	ssyncadd.remote.s32 $0x1  }
0xc7: {  	_ =	sfence.sel $0xFFFF  }
0xc8: {  	[dreg:$0x0] =	wrdreg $0xFFFFFFFF;
	(pc) =	sbr.abs _section_cstart, $3  }
0xc9: {  	[dreg:$0x1] =	wrdreg $0xFFFFFFFF  }
0xca: {  	_ =	task.clear_ibuf [dreg:s9], $0x2FFFF;
	_ =	strace $0x9FFFFFFF  }
0xcb: {  	(tm) =	ssettm $0x7FFFFFFF  }
tec
execute0_lowered:
.L_overlay_start_1:
0x0: {  	(tag) =	ssettag $0x1  }
0x1: {  	s0 =	rddreg [dreg:$0x0]  }
0x2: {  	s2 =	rddreg [dreg:$0x1]  }
0x3: {  	s1 =	rddreg [dreg:$0x2];
	s3 =	srdreg.scid  }
0x4: {  	s7 =	stileid.u32;
	s9 =	rddreg [dreg:$0x3]  }
0x5: {  	s14 =	simm.s32 $0x5000;
	s16 =	simm.s32 $0x6F40;
	s18 =	simm.s32 $0x8E80  }
0x6: {  	s19 =	simm.s32 $0x1;
	s20 =	simm.s32 $0x2;
	s21 =	simm.s32 $0x3  }
0x7: {  	s22 =	simm.s32 $0x4;
	s23 =	simm.s32 $0x5;
	s28 =	simm.s32 $0x4E00  }
0x8: {  	s29 =	simm.s32 $0x4E80;
	s30 =	simm.s32 $0x2700;
	s31 =	simm.s32 $0x2780  }
0x9: {  	s5 =	sand.u32 $0x1, s3;
	s4 =	sshll.u32 s7, $0x1;
	s8 =	smul.u32 $0xA000, s7  }
0xa: {  	s3 =	rddreg [dreg:$0x4];
	s6 =	sor.u32 s5, s4;
	s13 =	smul.u32 $0x14000, s5  }
0xb: {  	s4 =	simm.s32 $0x0;
	s25 =	ssub.s32 $0x2, s5;
	s6 =	smul.u32 $0x500, s6  }
0xc: {  	[smem:$0x7FF] =	sst s4;
	s11 =	sshrl.u32 s8, $0x3;
	s12 =	sshrl.u32 s25, $0x1  }
0xd: {  	s8 =	sadd.s32 s8, s3;
	_ =	strace $0x80000050;
	s12 =	ssub.s32 s25, s12  }
0xe: {  	s26 =	sadd.s32 s9, s13;
	s13 =	simm.s32 $0x7D;
	s25 =	simm.s32 $0x6  }
0xf: {  	s10 =	sadd.s32 s6, s2;
	s2 =	sadd.s32 s11, s2;
	s5 =	sadd.s32 s0, s6  }
0x10: {  	s9 =	smax.u32 s12, $0x1;
	s12 =	simm.s32 $0xADC0;
	s24 =	sadd.s32 s11, s26  }
0x11: {  	s0 =	simm.s32 $0x4F80;
	s11 =	simm.s32 $0x0;
	s6 =	sadd.s32 $0x3800, s10  }
0x12: {  	s7 =	sadd.s32 $0xD800, s2;
	s10 =	simm.s32 $0x7;
	s2 =	simm.s32 $0x4F00  }
.LBB2_1:
0x13: {  	[tilespmem:s4], [sflag:$0x7] =	stream.linear.gather [hbm4b:s5+s4], $0x2800, $0x38;
	[tilespmem:$0x1EDC0] =	vst v63  }
0x14: {  	_ =	swait.ge [sflag:s10], $0x2800  }
0x15: {  	[sflag:s10] =	ssyncset.done $0x0  }
0x16: {  	s15 =	simm.s32 $0x2800;
	[sflag:s10] =	ssyncadd.s32 $0xFFFFD800  }
0x17: {  	[tilespmem:s15], [sflag:$0x7] =	stream.linear.gather [hbm4b:s6+s4], $0x2800, $0x38;
	[tilespmem:$0x1EDC0] =	vst v63  }
0x18: {  	_ =	swait.ge [sflag:s10], $0x2800  }
0x19: {  	[sflag:s10] =	ssyncset.done $0x0  }
0x1a: {  	[sflag:s10] =	ssyncadd.s32 $0xFFFFD800  }
0x1b: {  	[tilespmem:s12], [sflag:$0x7] =	stream.linear.gather [hbm4b:s7+s4], $0xA000, $0x38;
	[tilespmem:$0x1EDC0] =	vst v63  }
0x1c: {  	_ =	swait.ge [sflag:s10], $0xA000  }
0x1d: {  	[sflag:s10] =	ssyncset.done $0x0  }
0x1e: {  	[sflag:s10] =	ssyncadd.s32 $0xFFFF6000  }
0x1f: {  	[spmem:s8] =	stream.linear.scatter [tilespmem:s12], [sflag:$0x7], $0xA000, $0x38;
	[tilespmem:$0x1EDC0] =	vst v63  }
0x20: {  	_ =	swait.ge [sflag:s10], $0xA000  }
0x21: {  	[sflag:s10] =	ssyncset.done $0x0  }
0x22: {  	[sflag:s10] =	ssyncadd.s32 $0xFFFF6000  }
0x23: {  	[bflag:$0x0] =	sbarrier.arrive $0xFFFF  }
0x24: {  	[tilespmem:s14], [sflag:$0x1] =	stream.indirect.gather [hbm4b:s1+s13], $0x40, s4, s13, $0xb8;
	[tilespmem:$0x1EDC0] =	vst v63  }
0x25: {  	s26 =	simm.s32 $0x80  }
0x26: {  	[tilespmem:s16], [sflag:$0x2] =	stream.indirect.gather [hbm4b:s1+s13], $0x40, s26, s13, $0xb8;
	[tilespmem:$0x1EDC0] =	vst v63  }
0x27: {  	s17 =	simm.s32 $0x100  }
0x28: {  	[tilespmem:s18], [sflag:$0x3] =	stream.indirect.gather [hbm4b:s1+s13], $0x40, s17, s13, $0xb8;
	[tilespmem:$0x1EDC0] =	vst v63  }
0x29: {  	_ =	swait.ge [sflag:s19], $0x1F40  }
0x2a: {  	[sflag:s19] =	ssyncset.done $0x0  }
0x2b: {  	s26 =	simm.s32 $0x2800;
	[sflag:s19] =	ssyncadd.s32 $0xFFFFE0C0  }
0x2c: {  	[spmem:s3] =	stream.indirect.scatter.add.f32 [tilespmem:s14], [sflag:$0x4], $0x40, s26, s13, $0xb8;
	[tilespmem:$0x1EDC0] =	vst v63  }
0x2d: {  	_ =	swait.ge [sflag:s20], $0x1F40  }
0x2e: {  	[sflag:s20] =	ssyncset.done $0x0  }
0x2f: {  	s17 =	simm.s32 $0x2880;
	[sflag:s20] =	ssyncadd.s32 $0xFFFFE0C0  }
0x30: {  	[spmem:s3] =	stream.indirect.scatter.add.f32 [tilespmem:s16], [sflag:$0x5], $0x40, s17, s13, $0xb8;
	[tilespmem:$0x1EDC0] =	vst v63  }
0x31: {  	_ =	swait.ge [sflag:s21], $0x1F40  }
0x32: {  	[sflag:s21] =	ssyncset.done $0x0  }
0x33: {  	s26 =	simm.s32 $0x2900;
	[sflag:s21] =	ssyncadd.s32 $0xFFFFE0C0  }
0x34: {  	[spmem:s3] =	stream.indirect.scatter.add.f32 [tilespmem:s18], [sflag:$0x6], $0x40, s26, s13, $0xb8;
	[tilespmem:$0x1EDC0] =	vst v63  }
0x35: {  	_ =	swait.ge [sflag:s22], $0x1F40  }
0x36: {  	[sflag:s22] =	ssyncset.done $0x0  }
0x37: {  	s17 =	simm.s32 $0x180;
	[sflag:s22] =	ssyncadd.s32 $0xFFFFE0C0  }
0x38: {  	[tilespmem:s14], [sflag:$0x1] =	stream.indirect.gather [hbm4b:s1+s13], $0x40, s17, s13, $0xb8;
	[tilespmem:$0x1EDC0] =	vst v63  }
0x39: {  	_ =	swait.ge [sflag:s23], $0x1F40  }
0x3a: {  	[sflag:s23] =	ssyncset.done $0x0  }
0x3b: {  	s26 =	simm.s32 $0x200;
	[sflag:s23] =	ssyncadd.s32 $0xFFFFE0C0  }
0x3c: {  	[tilespmem:s16], [sflag:$0x2] =	stream.indirect.gather [hbm4b:s1+s13], $0x40, s26, s13, $0xb8;
	[tilespmem:$0x1EDC0] =	vst v63  }
0x3d: {  	_ =	swait.ge [sflag:s25], $0x1F40  }
0x3e: {  	[sflag:s25] =	ssyncset.done $0x0  }
0x3f: {  	s15 =	simm.s32 $0x600;
	s17 =	simm.s32 $0x280;
	[sflag:s25] =	ssyncadd.s32 $0xFFFFE0C0  }
.LBB2_2:
0x40: {  	[tilespmem:s18], [sflag:$0x3] =	stream.indirect.gather [hbm4b:s1+s13], $0x40, s17, s13, $0xb8;
	[tilespmem:$0x1EDC0] =	vst v63  }
0x41: {  	s17 =	smov.u32 s15  }
0x42: {  	p0 =	sne.s32 s15, $0x9000;
	s15 =	sadd.s32 $0x600, s15;
	_ =	swait.ge [sflag:s19], $0x1F40  }
0x43: {  	s17 =	sshra.s32 s17, $0x2;
	[sflag:s19] =	ssyncset.done $0x0  }
0x44: {  	s26 =	sadd.s32 $0x2800, s17;
	[sflag:s19] =	ssyncadd.s32 $0xFFFFE0C0  }
0x45: {  	[spmem:s3] =	stream.indirect.scatter.add.f32 [tilespmem:s14], [sflag:$0x4], $0x40, s26, s13, $0xb8;
	[tilespmem:$0x1EDC0] =	vst v63  }
0x46: {  	_ =	swait.ge [sflag:s20], $0x1F40  }
0x47: {  	[sflag:s20] =	ssyncset.done $0x0  }
0x48: {  	s26 =	sadd.s32 $0x2880, s17;
	[sflag:s20] =	ssyncadd.s32 $0xFFFFE0C0  }
0x49: {  	[spmem:s3] =	stream.indirect.scatter.add.f32 [tilespmem:s16], [sflag:$0x5], $0x40, s26, s13, $0xb8;
	[tilespmem:$0x1EDC0] =	vst v63  }
0x4a: {  	_ =	swait.ge [sflag:s21], $0x1F40  }
0x4b: {  	[sflag:s21] =	ssyncset.done $0x0  }
0x4c: {  	s26 =	sadd.s32 $0x2900, s17;
	[sflag:s21] =	ssyncadd.s32 $0xFFFFE0C0  }
0x4d: {  	[spmem:s3] =	stream.indirect.scatter.add.f32 [tilespmem:s18], [sflag:$0x6], $0x40, s26, s13, $0xb8;
	[tilespmem:$0x1EDC0] =	vst v63  }
0x4e: {  	_ =	swait.ge [sflag:s22], $0x1F40  }
0x4f: {  	[sflag:s22] =	ssyncset.done $0x0  }
0x50: {  	s26 =	sadd.s32 $0x180, s17;
	[sflag:s22] =	ssyncadd.s32 $0xFFFFE0C0  }
0x51: {  	[tilespmem:s14], [sflag:$0x1] =	stream.indirect.gather [hbm4b:s1+s13], $0x40, s26, s13, $0xb8;
	[tilespmem:$0x1EDC0] =	vst v63  }
0x52: {  	_ =	swait.ge [sflag:s23], $0x1F40  }
0x53: {  	[sflag:s23] =	ssyncset.done $0x0  }
.Ltmp0:
0x54: {  	s26 =	sadd.s32 $0x200, s17;
	[sflag:s23] =	ssyncadd.s32 $0xFFFFE0C0;
	(pc) =	sbr.rel @p0 .LBB2_2-.Ltmp0, $4  }
0x55: {  	[tilespmem:s16], [sflag:$0x2] =	stream.indirect.gather [hbm4b:s1+s13], $0x40, s26, s13, $0xb8;
	[tilespmem:$0x1EDC0] =	vst v63  }
0x56: {  	_ =	swait.ge [sflag:s25], $0x1F40  }
0x57: {  	[sflag:s25] =	ssyncset.done $0x0  }
0x58: {  	s17 =	sadd.s32 $0x280, s17;
	[sflag:s25] =	ssyncadd.s32 $0xFFFFE0C0  }
0x59: {  	[tilespmem:s18], [sflag:$0x3] =	stream.indirect.gather [hbm4b:s1+s13], $0x40, s17, s13, $0xb8;
	[tilespmem:$0x1EDC0] =	vst v63  }
0x5a: {  	_ =	swait.ge [sflag:s19], $0x1F40  }
0x5b: {  	[sflag:s19] =	ssyncset.done $0x0  }
0x5c: {  	s15 =	simm.s32 $0x4D80;
	[sflag:s19] =	ssyncadd.s32 $0xFFFFE0C0  }
0x5d: {  	[spmem:s3] =	stream.indirect.scatter.add.f32 [tilespmem:s14], [sflag:$0x4], $0x40, s15, s13, $0xb8;
	[tilespmem:$0x1EDC0] =	vst v63  }
0x5e: {  	_ =	swait.ge [sflag:s20], $0x1F40  }
0x5f: {  	[sflag:s20] =	ssyncset.done $0x0  }
0x60: {  	[sflag:s20] =	ssyncadd.s32 $0xFFFFE0C0  }
0x61: {  	[spmem:s3] =	stream.indirect.scatter.add.f32 [tilespmem:s16], [sflag:$0x5], $0x40, s28, s13, $0xb8;
	[tilespmem:$0x1EDC0] =	vst v63  }
0x62: {  	_ =	swait.ge [sflag:s21], $0x1F40  }
0x63: {  	[sflag:s21] =	ssyncset.done $0x0  }
0x64: {  	[sflag:s21] =	ssyncadd.s32 $0xFFFFE0C0  }
0x65: {  	[spmem:s3] =	stream.indirect.scatter.add.f32 [tilespmem:s18], [sflag:$0x6], $0x40, s29, s13, $0xb8;
	[tilespmem:$0x1EDC0] =	vst v63  }
0x66: {  	_ =	swait.ge [sflag:s22], $0x1F40  }
0x67: {  	[sflag:s22] =	ssyncset.done $0x0  }
0x68: {  	[sflag:s22] =	ssyncadd.s32 $0xFFFFE0C0  }
0x69: {  	[tilespmem:s14], [sflag:$0x1] =	stream.indirect.gather [hbm4b:s1+s13], $0x40, s30, s13, $0xb8;
	[tilespmem:$0x1EDC0] =	vst v63  }
0x6a: {  	_ =	swait.ge [sflag:s23], $0x1F40  }
0x6b: {  	[sflag:s23] =	ssyncset.done $0x0  }
0x6c: {  	[sflag:s23] =	ssyncadd.s32 $0xFFFFE0C0  }
0x6d: {  	[tilespmem:s16], [sflag:$0x2] =	stream.indirect.gather [hbm4b:s1+s13], $0x40, s31, s13, $0xb8;
	[tilespmem:$0x1EDC0] =	vst v63  }
0x6e: {  	_ =	swait.ge [sflag:s25], $0x1F40  }
0x6f: {  	[sflag:s25] =	ssyncset.done $0x0  }
0x70: {  	[sflag:s25] =	ssyncadd.s32 $0xFFFFE0C0  }
0x71: {  	_ =	swait.ge [sflag:s19], $0x1F40  }
0x72: {  	[sflag:s19] =	ssyncset.done $0x0  }
0x73: {  	[sflag:s19] =	ssyncadd.s32 $0xFFFFE0C0  }
0x74: {  	[spmem:s3] =	stream.indirect.scatter.add.f32 [tilespmem:s14], [sflag:$0x7], $0x40, s2, s13, $0xb8;
	[tilespmem:$0x1EDC0] =	vst v63  }
0x75: {  	_ =	swait.ge [sflag:s10], $0x1F40  }
0x76: {  	[sflag:s10] =	ssyncset.done $0x0  }
0x77: {  	[sflag:s10] =	ssyncadd.s32 $0xFFFFE0C0  }
0x78: {  	_ =	swait.ge [sflag:s20], $0x1F40  }
0x79: {  	[sflag:s20] =	ssyncset.done $0x0  }
0x7a: {  	[sflag:s20] =	ssyncadd.s32 $0xFFFFE0C0  }
0x7b: {  	[spmem:s3] =	stream.indirect.scatter.add.f32 [tilespmem:s16], [sflag:$0x7], $0x40, s0, s13, $0xb8;
	[tilespmem:$0x1EDC0] =	vst v63  }
0x7c: {  	_ =	swait.ge [sflag:s10], $0x1F40  }
0x7d: {  	[sflag:s10] =	ssyncset.done $0x0  }
0x7e: {  	[sflag:s10] =	ssyncadd.s32 $0xFFFFE0C0  }
0x7f: {  	[bflag:$0x0] =	sbarrier.arrive $0xFFFF  }
0x80: {  	[tilespmem:s12], [sflag:$0x7] =	stream.linear.gather [spmem:s8], $0xA000, $0x38;
	[tilespmem:$0x1EDC0] =	vst v63  }
0x81: {  	s11 =	sadd.s32 $0x1, s11;
	_ =	swait.ge [sflag:s10], $0xA000  }
0x82: {  	p0 =	sne.s32 s11, s9;
	[sflag:s10] =	ssyncset.done $0x0  }
.Ltmp1:
0x83: {  	[sflag:s10] =	ssyncadd.s32 $0xFFFF6000;
	(pc) =	sbr.rel @p0 .LBB2_1-.Ltmp1, $4  }
0x84: {  	[hbm4b:s24+s4] =	stream.linear.scatter [tilespmem:s12], [sflag:$0x7], $0xA000, $0x38;
	[tilespmem:$0x1EDC0] =	vst v63  }
0x85: {  	_ =	swait.ge [sflag:s10], $0xA000  }
0x86: {  	[sflag:s10] =	ssyncset.done $0x0  }
0x87: {  	[sflag:s10] =	ssyncadd.s32 $0xFFFF6000  }
0x88: {  	_ =	sfence.sel $0x180000  }
0x89: {  	[bflag:$0x0] =	sbarrier.arrive $0xFFFF  }
0x8a: {  	_ =	strace $0x90000050  }
0x8b: {  	s0 =	stileid.u32;
	[bflag:$0x2] =	sbarrier.arrive $0xFFFF  }
0x8c: {  	p0 =	sne.s32 s0, $0x0;
	s0 =	rddreg [dreg:$0x5]  }
0x8d: {  	s0 =	sadd.s32 @!p0 $0x100000, s0  }
0x8e: {  	[sflag:s0] =	ssyncadd.tile.s32 @!p0 $0x1;
	_ =	shalt  }
.Lfunc_end2:
_tile_overlayer_lowered:
.L_overlay_start_2:
0x8f: {  	(tag) =	ssettag $0x2  }
0x90: {  	s0 =	rddreg [dreg:$0x0];
	s2 =	stileid.u32  }
0x91: {  	s1 =	rddreg [dreg:$0x1];
	p0 =	sne.s32 s2, $0x0  }
0x92: {  	s3 =	rddreg [dreg:$0x2];
	[bflag:$0x3] =	sbarrier.arrive $0xFFFF;
	s2 =	simm.s32 @!p0 $0x1C07  }
0x93: {  	[timem:s3], [sflag:s2] =	dma.local @!p0 [hbm:s0], s1  }
0x94: {  	s0 =	simm.s32 @!p0 $0x7  }
0x95: {  	_ =	swait.ge @!p0 [sflag:s0], s1  }
0x96: {  	s1 =	ssub.s32 @!p0 $0x0, s1;
	[sflag:s0] =	ssyncset.done @!p0 $0x0  }
0x97: {  	[sflag:s0] =	ssyncadd.s32 @!p0 s1  }
0x98: {  	[bflag:$0x3] =	sbarrier.arrive $0xFFFF  }
0x99: {  	_ =	shalt  }

// kernel: kernel.24.cloned.1.call-start
scs
__scs_entry_jumppad:
0x0: {  	(pc) =	sbr.rel $0x88, $3  }
0x1: {  	(tag) =	ssettag $0x0;
	lr =	simm.s32 $0x1  }
0x2: {  	[smem:$0x3F9B] =	sst lr;
	_ =	strace $0xD0000000  }
0x3: {  	_ = 	snop  }
0x4: {  	_ = 	snop  }
0x5: {  	_ = 	snop  }
0x6: {  	_ = 	snop  }
0x7: {  	_ = 	snop  }
__scs_overlays_trampoline_lowered:
0x8: {  	[smem:$0x3FAA] =	sst s0  }
0x9: {  	[smem:$0x3FAB] =	sst s1  }
0xa: {  	[smem:$0x3FAC] =	sst s2  }
0xb: {  	[smem:$0x3FAD] =	sst s3  }
0xc: {  	[smem:$0x3FAE] =	sst s4  }
0xd: {  	[smem:$0x3FAF] =	sst s5  }
0xe: {  	[smem:$0x3FB0] =	sst s6  }
0xf: {  	[smem:$0x3FB1] =	sst s7  }
0x10: {  	[smem:$0x3FB2] =	sst s8  }
0x11: {  	[smem:$0x3FB3] =	sst s9;
	s0 =	simm.s32 @!p0 $0x0  }
0x12: {  	s1 =	sld [smem:$0x3F99];
	s0 =	simm.s32 @p0 $0x1  }
0x13: {  	[smem:$0x3FB4] =	sst s0;
	s0 =	simm.s32 @!p1 $0x0  }
0x14: {  	s2 =	sld [smem:$0x3F98];
	s0 =	simm.s32 @p1 $0x1  }
0x15: {  	[smem:$0x3FB5] =	sst s0;
	s0 =	simm.s32 @!p2 $0x0  }
0x16: {  	s3 =	sld [smem:$0x3FDB];
	s0 =	simm.s32 @p2 $0x1  }
0x17: {  	s4 =	simm.s32 $0x1BF5;
	[smem:$0x3FB7] =	sst s0  }
0x18: {  	s0 =	sld [smem:$0x3F9A];
	_ =	swait.ge [sflag:s4], $0x0  }
0x19: {  	s7 =	sld [smem:$0x3F9B]  }
0x1a: {  	s8 =	sadd.s32 $0xFFFFE003, lr  }
0x1b: {  	s9 =	sadd.s32 $0xFFFFFEF7, lr;
	s5 =	simm.s32 $0xFFFFFFFF;
	p2 =	slt.u32 s8, $0xFFFFF086  }
0x1c: {  	p1 =	slt.u32 s9, $0xF7A;
	s5 =	simm.s32 @!p2 $0x0  }
0x1d: {  	s5 =	simm.s32 @p1 $0x1;
	p0 =	seq.s32 s7, s2  }
0x1e: {  	s7 =	smul.u32 @!p0 $0xF7A, s2;
	p2 =	seq.s32 @!p0 s5, $0x0  }
0x1f: {  	s9 =	smul.u32 $0xF7A, s1;
	s8 =	simm.s32 @!p0 $0x1BF5;
	p2 =	por !p2, p0  }
0x20: {  	[sflag:s8] =	ssyncset.s32 @!p0 $0xFFFFF086;
	s6 =	sadd.s32 @!p0 s3, s7;
	s7 =	simm.s32 @!p0 $0x108  }
0x21: {  	s3 =	sadd.s32 s3, s9;
	s6 =	sadd.s32 @!p0 $0x88, s6;
	s7 =	simm.s32 @p2 $0x1082  }
0x22: {  	[simem:s7], [sflag:s8] =	dma.local @!p0 [hbm:s6], $0xF7A  }
0x23: {  	s9 =	sor.u32 $0xD0000000, s2;
	s6 =	simm.s32 $0x108;
	_ =	swait.ge @!p0 [sflag:s8], $0x0  }
0x24: {  	s3 =	sadd.s32 $0x88, s3;
	s6 =	simm.s32 @!p1 $0x1082;
	[sflag:s4] =	ssyncset.s32 $0xFFFFF086  }
0x25: {  	[simem:s6], [sflag:s4] =	dma.local [hbm:s3], $0xF7A  }
0x26: {  	[smem:$0x3F9B] =	sst s1;
	(tag) =	ssettag s2;
	_ =	strace s9  }
0x27: {  	s1 =	sld [smem:$0x3FAB]  }
0x28: {  	s2 =	sld [smem:$0x3FAC]  }
0x29: {  	s4 =	sld [smem:$0x3FAE]  }
0x2a: {  	p0 =	seq.s32 s5, $0x0;
	s5 =	sld [smem:$0x3FAF]  }
0x2b: {  	s6 =	sld [smem:$0x3FB0]  }
0x2c: {  	s7 =	sld [smem:$0x3FB1]  }
0x2d: {  	s3 =	simm.s32 $0x108;
	s8 =	sld [smem:$0x3FB2]  }
0x2e: {  	s3 =	simm.s32 @!p0 $0x1082;
	s9 =	sld [smem:$0x3FB3]  }
0x2f: {  	lr =	sadd.s32 s0, s3;
	s0 =	sld [smem:$0x3FAA]  }
0x30: {  	s3 =	sld [smem:$0x3FAD]  }
0x31: {  	[smem:$0x3FB6] =	sst s10  }
0x32: {  	s10 =	sld [smem:$0x3FB4];
	_ =	sdelay $0x3  }
0x33: {  	p0 =	seq.s32 s10, $0x1;
	s10 =	sld [smem:$0x3FB6];
	_ =	sdelay $0x3  }
0x34: {  	[smem:$0x3FB6] =	sst s10  }
0x35: {  	s10 =	sld [smem:$0x3FB5];
	_ =	sdelay $0x3  }
0x36: {  	p1 =	seq.s32 s10, $0x1;
	s10 =	sld [smem:$0x3FB6];
	_ =	sdelay $0x3  }
0x37: {  	[smem:$0x3FB6] =	sst s10  }
0x38: {  	s10 =	sld [smem:$0x3FB7]  }
0x39: {  	_ = 	snop;
	(pc) =	sbr.ind lr, $3  }
0x3a: {  	_ = 	snop  }
0x3b: {  	_ = 	snop  }
0x3c: {  	p2 =	seq.s32 s10, $0x1;
	s10 =	sld [smem:$0x3FB6]  }
0x3d: {  	_ =	shalt  }
0x3e: {  	_ =	shalt  }
0x3f: {  	_ =	shalt  }
0x40: {  	_ =	shalt  }
0x41: {  	_ =	shalt  }
0x42: {  	_ =	shalt  }
0x43: {  	_ =	shalt  }
0x44: {  	_ =	shalt  }
0x45: {  	_ =	shalt  }
0x46: {  	_ =	shalt  }
0x47: {  	_ =	shalt  }
0x48: {  	_ =	shalt  }
0x49: {  	_ =	shalt  }
0x4a: {  	_ =	shalt  }
0x4b: {  	_ =	shalt  }
0x4c: {  	_ =	shalt  }
0x4d: {  	_ =	shalt  }
0x4e: {  	_ =	shalt  }
0x4f: {  	_ =	shalt  }
0x50: {  	_ =	shalt  }
0x51: {  	_ =	shalt  }
0x52: {  	_ =	shalt  }
0x53: {  	_ =	shalt  }
0x54: {  	_ =	shalt  }
0x55: {  	_ =	shalt  }
0x56: {  	_ =	shalt  }
0x57: {  	_ =	shalt  }
0x58: {  	_ =	shalt  }
0x59: {  	_ =	shalt  }
0x5a: {  	_ =	shalt  }
0x5b: {  	_ =	shalt  }
0x5c: {  	_ =	shalt  }
0x5d: {  	_ =	shalt  }
0x5e: {  	_ =	shalt  }
0x5f: {  	_ =	shalt  }
0x60: {  	_ =	shalt  }
0x61: {  	_ =	shalt  }
0x62: {  	_ =	shalt  }
0x63: {  	_ =	shalt  }
0x64: {  	_ =	shalt  }
0x65: {  	_ =	shalt  }
0x66: {  	_ =	shalt  }
0x67: {  	_ =	shalt  }
0x68: {  	_ =	shalt  }
0x69: {  	_ =	shalt  }
0x6a: {  	_ =	shalt  }
0x6b: {  	_ =	shalt  }
0x6c: {  	_ =	shalt  }
0x6d: {  	_ =	shalt  }
0x6e: {  	_ =	shalt  }
0x6f: {  	_ =	shalt  }
0x70: {  	_ =	shalt  }
0x71: {  	_ =	shalt  }
0x72: {  	_ =	shalt  }
0x73: {  	_ =	shalt  }
0x74: {  	_ =	shalt  }
0x75: {  	_ =	shalt  }
0x76: {  	_ =	shalt  }
0x77: {  	_ =	shalt  }
0x78: {  	_ =	shalt  }
0x79: {  	_ =	shalt  }
0x7a: {  	_ =	shalt  }
0x7b: {  	_ =	shalt  }
0x7c: {  	_ =	shalt  }
0x7d: {  	_ =	shalt  }
0x7e: {  	_ =	shalt  }
0x7f: {  	_ =	shalt  }
0x80: {  	_ =	shalt  }
0x81: {  	_ =	shalt  }
0x82: {  	_ =	shalt  }
0x83: {  	_ =	shalt  }
0x84: {  	_ =	shalt  }
0x85: {  	_ =	shalt  }
0x86: {  	_ =	shalt  }
0x87: {  	_ =	shalt  }
.Lfunc_end0:
.L_simem_size_0:
called_computation.4_lowered:
.L_overlay_start_0:
0x88: {  	s2 =	sld [smem:$0x3FD9]  }
0x89: {  	s3 =	sld [smem:$0x3FFE];
	_ =	sdelay $0x1  }
0x8a: {  	s1 =	srdreg.scid  }
0x8b: {  	s0 =	sand.u32 $0x1, s1  }
0x8c: {  	s14 =	sshll.u32 s0, $0xA;
	s2 =	sadd.s32 s3, s2  }
0x8d: {  	s2 =	sadd.s32 s2, s14  }
0x8e: {  	[smem:$0x3FC2] =	sst s2  }
0x8f: {  	_ = 	snop  }
0x90: {  	s2 =	sld [smem:$0x3FD0];
	_ =	sdelay $0x2  }
0x91: {  	s15 =	simm.s32 $0xA;
	s4 =	simm.s32 $0x10  }
0x92: {  	[smem:s4], [sflag:s15] =	dma.local [hbm:s2], $0x1  }
0x93: {  	_ =	swait.eq [sflag:s15], $0x1  }
0x94: {  	s16 =	sld [smem:$0x10];
	[sflag:s15] =	ssyncset.done $0x0  }
0x95: {  	s17 =	sld [smem:$0x11];
	[sflag:s15] =	ssyncadd.s32 $0xFFFFFFFF  }
0x96: {  	s18 =	sld [smem:$0x12];
	(tm) =	ssettm $0x1  }
0x97: {  	s5 =	sld [smem:$0x3FFB];
	_ =	sdelay $0x3  }
0x98: {  	_ =	strace s5  }
0x99: {  	s5 =	sld [smem:$0x3FFC];
	_ =	sdelay $0x3  }
0x9a: {  	_ =	strace s5  }
0x9b: {  	s5 =	sld [smem:$0x3FFD];
	_ =	sdelay $0x3  }
0x9c: {  	_ =	strace s5  }
0x9d: {  	_ =	strace $0x8FFFFFFF  }
0x9e: {  	s19 =	sld [smem:$0x3FDB];
	_ =	sdelay $0x1  }
0x9f: {  	s6 =	simm.s32 $_scs_section_size  }
0xa0: {  	s7 =	simm.s32 $_size__tile_overlayer_lowered;
	s8 =	simm.s32 $_tile_overlayer_lowered  }
0xa1: {  	s22 =	simm.s32 $0x1BFF;
	s21 =	sshll.u32 s8, $0x1;
	s5 =	sadd.s32 s6, s19  }
0xa2: {  	s9 =	simm.s32 $0x0;
	s20 =	sshll.u32 s7, $0x1;
	s7 =	sadd.s32 s21, s5  }
0xa3: {  	[timem:s9], [sflag:s22] =	dma.local [hbm:s7], s20  }
0xa4: {  	_ =	swait.ge [sflag:s22], s20  }
0xa5: {  	s6 =	ssub.s32 $0x0, s20;
	[sflag:s22] =	ssyncset.done $0x0  }
0xa6: {  	[sflag:s22] =	ssyncadd.s32 s6;
	_ =	sdelay $0x1  }
0xa7: {  	s23 =	simm.s32 $0x1B8B  }
0xa8: {  	_ =	swait.ge [sflag:s23], $0x1  }
0xa9: {  	[sflag:s23] =	ssyncset.done $0x0  }
0xaa: {  	s25 =	simm.s32 $0x1B8E;
	s24 =	sld [smem:$0x3FFE];
	[sflag:s23] =	ssyncadd.s32 $0xFFFFFFFF  }
0xab: {  	s26 =	simm.s32 $execute0_lowered;
	[smem:$0x3FD2] =	sst s25  }
0xac: {  	s7 =	sshll.u32 s26, $0x1;
	_ =	strace $0x80000052;
	[dreg:$0x1] =	wrdreg $0xFFFFFFFF  }
0xad: {  	s28 =	simm.s32 $_size_execute0_lowered;
	s5 =	sadd.s32 s5, s7;
	[dreg:$0x0] =	wrdreg $0x0  }
0xae: {  	s7 =	sshll.u32 s28, $0x1;
	[dreg:$0x2] =	wrdreg s5  }
0xaf: {  	[dreg:$0x3] =	wrdreg s7  }
0xb0: {  	[dreg:$0x4] =	wrdreg $0xC0  }
0xb1: {  	_ =	task [dreg:s9], $0x5FFFF  }
0xb2: {  	[dreg:$0x1] =	wrdreg $0xFFFFFFFF  }
0xb3: {  	[dreg:$0x0] =	wrdreg $0x60  }
0xb4: {  	[dreg:$0x2] =	wrdreg s16  }
0xb5: {  	[dreg:$0x3] =	wrdreg s24  }
0xb6: {  	[dreg:$0x4] =	wrdreg s17  }
0xb7: {  	[dreg:$0x5] =	wrdreg s18  }
0xb8: {  	[dreg:$0x6] =	wrdreg $0x14DC00  }
0xb9: {  	[dreg:$0x7] =	wrdreg $0x9  }
0xba: {  	_ =	task.clear_ibuf [dreg:s9], $0x8FFFF;
	_ =	strace $0x90000052  }
0xbb: {  	s29 =	simm.s32 $0x9;
	_ =	strace $0x80000054  }
0xbc: {  	_ =	swait.ge [sflag:s29], $0x1  }
0xbd: {  	[sflag:s29] =	ssyncadd.s32 $0xFFFFFFFF  }
0xbe: {  	_ =	strace $0x90000054  }
0xbf: {  	_ =	sfence  }
0xc0: {  	s30 =	sld [smem:$0x0];
	_ =	sdelay $0x2  }
0xc1: {  	s31 =	sshll.u32 s1, $0xD;
	s1 =	sshrl.u32 s1, $0x2  }
0xc2: {  	s3 =	sand.u32 $0x4000, s31;
	s1 =	sadd.s32 s1, s30  }
0xc3: {  	s0 =	sor.u32 s3, s0;
	s1 =	sshll.u32 s1, $0x11  }
0xc4: {  	s0 =	sor.u32 s1, s0  }
0xc5: {  	s0 =	sadd.s32 $0x8F2B, s0  }
0xc6: {  	[sflag:s0] =	ssyncadd.remote.s32 $0x1  }
0xc7: {  	_ =	sfence.sel $0xFFFF  }
0xc8: {  	[dreg:$0x0] =	wrdreg $0xFFFFFFFF;
	(pc) =	sbr.abs _section_cstart, $3  }
0xc9: {  	[dreg:$0x1] =	wrdreg $0xFFFFFFFF  }
0xca: {  	_ =	task.clear_ibuf [dreg:s9], $0x2FFFF;
	_ =	strace $0x9FFFFFFF  }
0xcb: {  	(tm) =	ssettm $0x7FFFFFFF  }
tec
execute0_lowered:
.L_overlay_start_1:
0x0: {  	(tag) =	ssettag $0x1  }
0x1: {  	s0 =	rddreg [dreg:$0x0]  }
0x2: {  	s2 =	rddreg [dreg:$0x1]  }
0x3: {  	s1 =	rddreg [dreg:$0x2];
	s3 =	srdreg.scid  }
0x4: {  	s7 =	stileid.u32;
	s9 =	rddreg [dreg:$0x3]  }
0x5: {  	s14 =	simm.s32 $0x5000;
	s16 =	simm.s32 $0x6F40;
	s18 =	simm.s32 $0x8E80  }
0x6: {  	s19 =	simm.s32 $0x1;
	s20 =	simm.s32 $0x2;
	s21 =	simm.s32 $0x3  }
0x7: {  	s22 =	simm.s32 $0x4;
	s23 =	simm.s32 $0x5;
	s28 =	simm.s32 $0x4E00  }
0x8: {  	s29 =	simm.s32 $0x4E80;
	s30 =	simm.s32 $0x2700;
	s31 =	simm.s32 $0x2780  }
0x9: {  	s5 =	sand.u32 $0x1, s3;
	s4 =	sshll.u32 s7, $0x1;
	s8 =	smul.u32 $0xA000, s7  }
0xa: {  	s3 =	rddreg [dreg:$0x4];
	s6 =	sor.u32 s5, s4;
	s13 =	smul.u32 $0x14000, s5  }
0xb: {  	s4 =	simm.s32 $0x0;
	s25 =	ssub.s32 $0x2, s5;
	s6 =	smul.u32 $0x500, s6  }
0xc: {  	[smem:$0x7FF] =	sst s4;
	s11 =	sshrl.u32 s8, $0x3;
	s12 =	sshrl.u32 s25, $0x1  }
0xd: {  	s8 =	sadd.s32 s8, s3;
	_ =	strace $0x80000053;
	s12 =	ssub.s32 s25, s12  }
0xe: {  	s26 =	sadd.s32 s9, s13;
	s13 =	simm.s32 $0x7D;
	s25 =	simm.s32 $0x6  }
0xf: {  	s10 =	sadd.s32 s6, s2;
	s2 =	sadd.s32 s11, s2;
	s5 =	sadd.s32 s0, s6  }
0x10: {  	s9 =	smax.u32 s12, $0x1;
	s12 =	simm.s32 $0xADC0;
	s24 =	sadd.s32 s11, s26  }
0x11: {  	s0 =	simm.s32 $0x4F80;
	s11 =	simm.s32 $0x0;
	s6 =	sadd.s32 $0x3800, s10  }
0x12: {  	s7 =	sadd.s32 $0xD800, s2;
	s10 =	simm.s32 $0x7;
	s2 =	simm.s32 $0x4F00  }
.LBB2_1:
0x13: {  	[tilespmem:s4], [sflag:$0x7] =	stream.linear.gather [hbm4b:s5+s4], $0x2800, $0x38;
	[tilespmem:$0x1EDC0] =	vst v63  }
0x14: {  	_ =	swait.ge [sflag:s10], $0x2800  }
0x15: {  	[sflag:s10] =	ssyncset.done $0x0  }
0x16: {  	s15 =	simm.s32 $0x2800;
	[sflag:s10] =	ssyncadd.s32 $0xFFFFD800  }
0x17: {  	[tilespmem:s15], [sflag:$0x7] =	stream.linear.gather [hbm4b:s6+s4], $0x2800, $0x38;
	[tilespmem:$0x1EDC0] =	vst v63  }
0x18: {  	_ =	swait.ge [sflag:s10], $0x2800  }
0x19: {  	[sflag:s10] =	ssyncset.done $0x0  }
0x1a: {  	[sflag:s10] =	ssyncadd.s32 $0xFFFFD800  }
0x1b: {  	[tilespmem:s12], [sflag:$0x7] =	stream.linear.gather [hbm4b:s7+s4], $0xA000, $0x38;
	[tilespmem:$0x1EDC0] =	vst v63  }
0x1c: {  	_ =	swait.ge [sflag:s10], $0xA000  }
0x1d: {  	[sflag:s10] =	ssyncset.done $0x0  }
0x1e: {  	[sflag:s10] =	ssyncadd.s32 $0xFFFF6000  }
0x1f: {  	[spmem:s8] =	stream.linear.scatter [tilespmem:s12], [sflag:$0x7], $0xA000, $0x38;
	[tilespmem:$0x1EDC0] =	vst v63  }
0x20: {  	_ =	swait.ge [sflag:s10], $0xA000  }
0x21: {  	[sflag:s10] =	ssyncset.done $0x0  }
0x22: {  	[sflag:s10] =	ssyncadd.s32 $0xFFFF6000  }
0x23: {  	[bflag:$0x0] =	sbarrier.arrive $0xFFFF  }
0x24: {  	[tilespmem:s14], [sflag:$0x1] =	stream.indirect.gather [hbm4b:s1+s13], $0x40, s4, s13, $0xb8;
	[tilespmem:$0x1EDC0] =	vst v63  }
0x25: {  	s26 =	simm.s32 $0x80  }
0x26: {  	[tilespmem:s16], [sflag:$0x2] =	stream.indirect.gather [hbm4b:s1+s13], $0x40, s26, s13, $0xb8;
	[tilespmem:$0x1EDC0] =	vst v63  }
0x27: {  	s17 =	simm.s32 $0x100  }
0x28: {  	[tilespmem:s18], [sflag:$0x3] =	stream.indirect.gather [hbm4b:s1+s13], $0x40, s17, s13, $0xb8;
	[tilespmem:$0x1EDC0] =	vst v63  }
0x29: {  	_ =	swait.ge [sflag:s19], $0x1F40  }
0x2a: {  	[sflag:s19] =	ssyncset.done $0x0  }
0x2b: {  	s26 =	simm.s32 $0x2800;
	[sflag:s19] =	ssyncadd.s32 $0xFFFFE0C0  }
0x2c: {  	[spmem:s3] =	stream.indirect.scatter.add.f32 [tilespmem:s14], [sflag:$0x4], $0x40, s26, s13, $0xb8;
	[tilespmem:$0x1EDC0] =	vst v63  }
0x2d: {  	_ =	swait.ge [sflag:s20], $0x1F40  }
0x2e: {  	[sflag:s20] =	ssyncset.done $0x0  }
0x2f: {  	s17 =	simm.s32 $0x2880;
	[sflag:s20] =	ssyncadd.s32 $0xFFFFE0C0  }
0x30: {  	[spmem:s3] =	stream.indirect.scatter.add.f32 [tilespmem:s16], [sflag:$0x5], $0x40, s17, s13, $0xb8;
	[tilespmem:$0x1EDC0] =	vst v63  }
0x31: {  	_ =	swait.ge [sflag:s21], $0x1F40  }
0x32: {  	[sflag:s21] =	ssyncset.done $0x0  }
0x33: {  	s26 =	simm.s32 $0x2900;
	[sflag:s21] =	ssyncadd.s32 $0xFFFFE0C0  }
0x34: {  	[spmem:s3] =	stream.indirect.scatter.add.f32 [tilespmem:s18], [sflag:$0x6], $0x40, s26, s13, $0xb8;
	[tilespmem:$0x1EDC0] =	vst v63  }
0x35: {  	_ =	swait.ge [sflag:s22], $0x1F40  }
0x36: {  	[sflag:s22] =	ssyncset.done $0x0  }
0x37: {  	s17 =	simm.s32 $0x180;
	[sflag:s22] =	ssyncadd.s32 $0xFFFFE0C0  }
0x38: {  	[tilespmem:s14], [sflag:$0x1] =	stream.indirect.gather [hbm4b:s1+s13], $0x40, s17, s13, $0xb8;
	[tilespmem:$0x1EDC0] =	vst v63  }
0x39: {  	_ =	swait.ge [sflag:s23], $0x1F40  }
0x3a: {  	[sflag:s23] =	ssyncset.done $0x0  }
0x3b: {  	s26 =	simm.s32 $0x200;
	[sflag:s23] =	ssyncadd.s32 $0xFFFFE0C0  }
0x3c: {  	[tilespmem:s16], [sflag:$0x2] =	stream.indirect.gather [hbm4b:s1+s13], $0x40, s26, s13, $0xb8;
	[tilespmem:$0x1EDC0] =	vst v63  }
0x3d: {  	_ =	swait.ge [sflag:s25], $0x1F40  }
0x3e: {  	[sflag:s25] =	ssyncset.done $0x0  }
0x3f: {  	s15 =	simm.s32 $0x600;
	s17 =	simm.s32 $0x280;
	[sflag:s25] =	ssyncadd.s32 $0xFFFFE0C0  }
.LBB2_2:
0x40: {  	[tilespmem:s18], [sflag:$0x3] =	stream.indirect.gather [hbm4b:s1+s13], $0x40, s17, s13, $0xb8;
	[tilespmem:$0x1EDC0] =	vst v63  }
0x41: {  	s17 =	smov.u32 s15  }
0x42: {  	p0 =	sne.s32 s15, $0x9000;
	s15 =	sadd.s32 $0x600, s15;
	_ =	swait.ge [sflag:s19], $0x1F40  }
0x43: {  	s17 =	sshra.s32 s17, $0x2;
	[sflag:s19] =	ssyncset.done $0x0  }
0x44: {  	s26 =	sadd.s32 $0x2800, s17;
	[sflag:s19] =	ssyncadd.s32 $0xFFFFE0C0  }
0x45: {  	[spmem:s3] =	stream.indirect.scatter.add.f32 [tilespmem:s14], [sflag:$0x4], $0x40, s26, s13, $0xb8;
	[tilespmem:$0x1EDC0] =	vst v63  }
0x46: {  	_ =	swait.ge [sflag:s20], $0x1F40  }
0x47: {  	[sflag:s20] =	ssyncset.done $0x0  }
0x48: {  	s26 =	sadd.s32 $0x2880, s17;
	[sflag:s20] =	ssyncadd.s32 $0xFFFFE0C0  }
0x49: {  	[spmem:s3] =	stream.indirect.scatter.add.f32 [tilespmem:s16], [sflag:$0x5], $0x40, s26, s13, $0xb8;
	[tilespmem:$0x1EDC0] =	vst v63  }
0x4a: {  	_ =	swait.ge [sflag:s21], $0x1F40  }
0x4b: {  	[sflag:s21] =	ssyncset.done $0x0  }
0x4c: {  	s26 =	sadd.s32 $0x2900, s17;
	[sflag:s21] =	ssyncadd.s32 $0xFFFFE0C0  }
0x4d: {  	[spmem:s3] =	stream.indirect.scatter.add.f32 [tilespmem:s18], [sflag:$0x6], $0x40, s26, s13, $0xb8;
	[tilespmem:$0x1EDC0] =	vst v63  }
0x4e: {  	_ =	swait.ge [sflag:s22], $0x1F40  }
0x4f: {  	[sflag:s22] =	ssyncset.done $0x0  }
0x50: {  	s26 =	sadd.s32 $0x180, s17;
	[sflag:s22] =	ssyncadd.s32 $0xFFFFE0C0  }
0x51: {  	[tilespmem:s14], [sflag:$0x1] =	stream.indirect.gather [hbm4b:s1+s13], $0x40, s26, s13, $0xb8;
	[tilespmem:$0x1EDC0] =	vst v63  }
0x52: {  	_ =	swait.ge [sflag:s23], $0x1F40  }
0x53: {  	[sflag:s23] =	ssyncset.done $0x0  }
.Ltmp0:
0x54: {  	s26 =	sadd.s32 $0x200, s17;
	[sflag:s23] =	ssyncadd.s32 $0xFFFFE0C0;
	(pc) =	sbr.rel @p0 .LBB2_2-.Ltmp0, $4  }
0x55: {  	[tilespmem:s16], [sflag:$0x2] =	stream.indirect.gather [hbm4b:s1+s13], $0x40, s26, s13, $0xb8;
	[tilespmem:$0x1EDC0] =	vst v63  }
0x56: {  	_ =	swait.ge [sflag:s25], $0x1F40  }
0x57: {  	[sflag:s25] =	ssyncset.done $0x0  }
0x58: {  	s17 =	sadd.s32 $0x280, s17;
	[sflag:s25] =	ssyncadd.s32 $0xFFFFE0C0  }
0x59: {  	[tilespmem:s18], [sflag:$0x3] =	stream.indirect.gather [hbm4b:s1+s13], $0x40, s17, s13, $0xb8;
	[tilespmem:$0x1EDC0] =	vst v63  }
0x5a: {  	_ =	swait.ge [sflag:s19], $0x1F40  }
0x5b: {  	[sflag:s19] =	ssyncset.done $0x0  }
0x5c: {  	s15 =	simm.s32 $0x4D80;
	[sflag:s19] =	ssyncadd.s32 $0xFFFFE0C0  }
0x5d: {  	[spmem:s3] =	stream.indirect.scatter.add.f32 [tilespmem:s14], [sflag:$0x4], $0x40, s15, s13, $0xb8;
	[tilespmem:$0x1EDC0] =	vst v63  }
0x5e: {  	_ =	swait.ge [sflag:s20], $0x1F40  }
0x5f: {  	[sflag:s20] =	ssyncset.done $0x0  }
0x60: {  	[sflag:s20] =	ssyncadd.s32 $0xFFFFE0C0  }
0x61: {  	[spmem:s3] =	stream.indirect.scatter.add.f32 [tilespmem:s16], [sflag:$0x5], $0x40, s28, s13, $0xb8;
	[tilespmem:$0x1EDC0] =	vst v63  }
0x62: {  	_ =	swait.ge [sflag:s21], $0x1F40  }
0x63: {  	[sflag:s21] =	ssyncset.done $0x0  }
0x64: {  	[sflag:s21] =	ssyncadd.s32 $0xFFFFE0C0  }
0x65: {  	[spmem:s3] =	stream.indirect.scatter.add.f32 [tilespmem:s18], [sflag:$0x6], $0x40, s29, s13, $0xb8;
	[tilespmem:$0x1EDC0] =	vst v63  }
0x66: {  	_ =	swait.ge [sflag:s22], $0x1F40  }
0x67: {  	[sflag:s22] =	ssyncset.done $0x0  }
0x68: {  	[sflag:s22] =	ssyncadd.s32 $0xFFFFE0C0  }
0x69: {  	[tilespmem:s14], [sflag:$0x1] =	stream.indirect.gather [hbm4b:s1+s13], $0x40, s30, s13, $0xb8;
	[tilespmem:$0x1EDC0] =	vst v63  }
0x6a: {  	_ =	swait.ge [sflag:s23], $0x1F40  }
0x6b: {  	[sflag:s23] =	ssyncset.done $0x0  }
0x6c: {  	[sflag:s23] =	ssyncadd.s32 $0xFFFFE0C0  }
0x6d: {  	[tilespmem:s16], [sflag:$0x2] =	stream.indirect.gather [hbm4b:s1+s13], $0x40, s31, s13, $0xb8;
	[tilespmem:$0x1EDC0] =	vst v63  }
0x6e: {  	_ =	swait.ge [sflag:s25], $0x1F40  }
0x6f: {  	[sflag:s25] =	ssyncset.done $0x0  }
0x70: {  	[sflag:s25] =	ssyncadd.s32 $0xFFFFE0C0  }
0x71: {  	_ =	swait.ge [sflag:s19], $0x1F40  }
0x72: {  	[sflag:s19] =	ssyncset.done $0x0  }
0x73: {  	[sflag:s19] =	ssyncadd.s32 $0xFFFFE0C0  }
0x74: {  	[spmem:s3] =	stream.indirect.scatter.add.f32 [tilespmem:s14], [sflag:$0x7], $0x40, s2, s13, $0xb8;
	[tilespmem:$0x1EDC0] =	vst v63  }
0x75: {  	_ =	swait.ge [sflag:s10], $0x1F40  }
0x76: {  	[sflag:s10] =	ssyncset.done $0x0  }
0x77: {  	[sflag:s10] =	ssyncadd.s32 $0xFFFFE0C0  }
0x78: {  	_ =	swait.ge [sflag:s20], $0x1F40  }
0x79: {  	[sflag:s20] =	ssyncset.done $0x0  }
0x7a: {  	[sflag:s20] =	ssyncadd.s32 $0xFFFFE0C0  }
0x7b: {  	[spmem:s3] =	stream.indirect.scatter.add.f32 [tilespmem:s16], [sflag:$0x7], $0x40, s0, s13, $0xb8;
	[tilespmem:$0x1EDC0] =	vst v63  }
0x7c: {  	_ =	swait.ge [sflag:s10], $0x1F40  }
0x7d: {  	[sflag:s10] =	ssyncset.done $0x0  }
0x7e: {  	[sflag:s10] =	ssyncadd.s32 $0xFFFFE0C0  }
0x7f: {  	[bflag:$0x0] =	sbarrier.arrive $0xFFFF  }
0x80: {  	[tilespmem:s12], [sflag:$0x7] =	stream.linear.gather [spmem:s8], $0xA000, $0x38;
	[tilespmem:$0x1EDC0] =	vst v63  }
0x81: {  	s11 =	sadd.s32 $0x1, s11;
	_ =	swait.ge [sflag:s10], $0xA000  }
0x82: {  	p0 =	sne.s32 s11, s9;
	[sflag:s10] =	ssyncset.done $0x0  }
.Ltmp1:
0x83: {  	[sflag:s10] =	ssyncadd.s32 $0xFFFF6000;
	(pc) =	sbr.rel @p0 .LBB2_1-.Ltmp1, $4  }
0x84: {  	[hbm4b:s24+s4] =	stream.linear.scatter [tilespmem:s12], [sflag:$0x7], $0xA000, $0x38;
	[tilespmem:$0x1EDC0] =	vst v63  }
0x85: {  	_ =	swait.ge [sflag:s10], $0xA000  }
0x86: {  	[sflag:s10] =	ssyncset.done $0x0  }
0x87: {  	[sflag:s10] =	ssyncadd.s32 $0xFFFF6000  }
0x88: {  	_ =	sfence.sel $0x180000  }
0x89: {  	[bflag:$0x0] =	sbarrier.arrive $0xFFFF  }
0x8a: {  	_ =	strace $0x90000053  }
0x8b: {  	s0 =	stileid.u32;
	[bflag:$0x2] =	sbarrier.arrive $0xFFFF  }
0x8c: {  	p0 =	sne.s32 s0, $0x0;
	s0 =	rddreg [dreg:$0x5]  }
0x8d: {  	s0 =	sadd.s32 @!p0 $0x100000, s0  }
0x8e: {  	[sflag:s0] =	ssyncadd.tile.s32 @!p0 $0x1;
	_ =	shalt  }
.Lfunc_end2:
_tile_overlayer_lowered:
.L_overlay_start_2:
0x8f: {  	(tag) =	ssettag $0x2  }
0x90: {  	s0 =	rddreg [dreg:$0x0];
	s2 =	stileid.u32  }
0x91: {  	s1 =	rddreg [dreg:$0x1];
	p0 =	sne.s32 s2, $0x0  }
0x92: {  	s3 =	rddreg [dreg:$0x2];
	[bflag:$0x3] =	sbarrier.arrive $0xFFFF;
	s2 =	simm.s32 @!p0 $0x1C07  }
0x93: {  	[timem:s3], [sflag:s2] =	dma.local @!p0 [hbm:s0], s1  }
0x94: {  	s0 =	simm.s32 @!p0 $0x7  }
0x95: {  	_ =	swait.ge @!p0 [sflag:s0], s1  }
0x96: {  	s1 =	ssub.s32 @!p0 $0x0, s1;
	[sflag:s0] =	ssyncset.done @!p0 $0x0  }
0x97: {  	[sflag:s0] =	ssyncadd.s32 @!p0 s1  }
0x98: {  	[bflag:$0x3] =	sbarrier.arrive $0xFFFF  }
0x99: {  	_ =	shalt  }

</sc_bundles>
